<compile_context>
chip_gen: v7x
topology: tpu7x:2x2x1
jax: 0.10.2.dev20260603
libtpu: 0.0.44.dev20260713+nightly
codegen_flags: <defaults>
</compile_context>

<pallas_src>
import functools

import jax
import jax.numpy as jnp
from jax import lax
from jax.experimental import pallas as pl
from jax.experimental.pallas import tpu as pltpu
from jax.experimental.pallas import tpu_sc as plsc

TM = 256
_NW = 32


def _meta_body(x_ref, gk_ref, pos_ref, wts_ref, be_ref,
               cnt_ref, base_ref, carry_ref, *, ta, n_e, n_tok_blk, nblk_pad):
    p = pl.program_id(0)
    j = pl.program_id(1)
    r = j // n_tok_blk

    x = x_ref[...]
    logits = jax.lax.dot_general(x, gk_ref[...], (((1,), (0,)), ((), ())),
                                 preferred_element_type=jnp.float32)
    a1 = jnp.argmax(logits, axis=-1)
    m1 = jnp.max(logits, axis=-1)
    ids = jax.lax.broadcasted_iota(jnp.int32, logits.shape, 1)
    logits2 = jnp.where(ids == a1[:, None], -jnp.inf, logits)
    a2 = jnp.argmax(logits2, axis=-1)
    m2 = jnp.max(logits2, axis=-1)
    p1 = 1.0 / (1.0 + jnp.exp(m2 - m1))
    e_sel = jnp.where(r == 0, a1, a2)
    p_sel = jnp.where(r == 0, p1, 1.0 - p1)
    oh = (ids == e_sel[:, None]).astype(jnp.float32)

    @pl.when(jnp.logical_and(p == 0, j == 0))
    def _init():
        cnt_ref[...] = jnp.zeros_like(cnt_ref)

    @pl.when(p == 0)
    def _count():
        cnt_ref[...] += jnp.sum(oh, axis=0, keepdims=True)

    @pl.when(jnp.logical_and(p == 0, j == 2 * n_tok_blk - 1))
    def _bases():
        total = cnt_ref[...]
        ptb = jnp.floor((total + (TM - 1)) / TM)
        sl = (jax.lax.broadcasted_iota(jnp.int32, (n_e, n_e), 0)
              < jax.lax.broadcasted_iota(jnp.int32, (n_e, n_e), 1))
        base_blk = jax.lax.dot_general(
            ptb, sl.astype(jnp.float32), (((1,), (0,)), ((), ())),
            preferred_element_type=jnp.float32)
        base_ref[...] = base_blk * TM
        carry_ref[...] = jnp.zeros_like(carry_ref)
        blkids = jax.lax.broadcasted_iota(jnp.int32, (1, n_e, nblk_pad), 2)
        ge = (blkids >= base_blk.astype(jnp.int32)[:, :, None]).astype(jnp.int32)
        be_ref[...] = jnp.sum(ge, axis=1, keepdims=True) - 1

    @pl.when(p == 1)
    def _positions():
        tri = (jax.lax.broadcasted_iota(jnp.int32, (ta, ta), 0)
               > jax.lax.broadcasted_iota(jnp.int32, (ta, ta), 1))
        cum = jax.lax.dot_general(
            tri.astype(jnp.float32), oh, (((1,), (0,)), ((), ())),
            preferred_element_type=jnp.float32) + carry_ref[...]
        carry_ref[...] += jnp.sum(oh, axis=0, keepdims=True)
        pos = jnp.sum((cum + base_ref[...]) * oh, axis=1)
        pos_ref[...] = pos.astype(jnp.int32)[None, None, :]
        wts_ref[...] = p_sel[None, None, :]


def _routing_meta(xs, gate_kernel, n_e, ta, nblk, nblk_pad):
    s = xs.shape[0]
    n_tok_blk = s // ta
    pos, wts, be = pl.pallas_call(
        functools.partial(_meta_body, ta=ta, n_e=n_e, n_tok_blk=n_tok_blk,
                          nblk_pad=nblk_pad),
        grid=(2, 2 * n_tok_blk),
        in_specs=[
            pl.BlockSpec((ta, xs.shape[1]), lambda p, j: (j % n_tok_blk, 0)),
            pl.BlockSpec((xs.shape[1], n_e), lambda p, j: (0, 0)),
        ],
        out_specs=[
            pl.BlockSpec((1, 1, ta), lambda p, j: (j, 0, 0)),
            pl.BlockSpec((1, 1, ta), lambda p, j: (j, 0, 0)),
            pl.BlockSpec((1, 1, nblk_pad), lambda p, j: (0, 0, 0)),
        ],
        out_shape=[
            jax.ShapeDtypeStruct((2 * n_tok_blk, 1, ta), jnp.int32),
            jax.ShapeDtypeStruct((2 * n_tok_blk, 1, ta), jnp.float32),
            jax.ShapeDtypeStruct((1, 1, nblk_pad), jnp.int32),
        ],
        scratch_shapes=[
            pltpu.VMEM((1, n_e), jnp.float32),
            pltpu.VMEM((1, n_e), jnp.float32),
            pltpu.VMEM((1, n_e), jnp.float32),
        ],
        compiler_params=pltpu.CompilerParams(
            dimension_semantics=("arbitrary", "arbitrary"),
        ),
    )(xs, gate_kernel)
    return pos.reshape(2, s), wts.reshape(2, s), be.reshape(nblk_pad)


def _grouped_body(be_ref, xs_ref, w0_ref, w1_ref, wo_ref, ys_ref, *, tf):
    x = xs_ref[...].astype(jnp.bfloat16)
    d_ff = w0_ref.shape[2]
    acc = None
    for fc in range(d_ff // tf):
        sl = pl.ds(fc * tf, tf)
        h0 = jax.lax.dot_general(x, w0_ref[0, :, sl], (((1,), (0,)), ((), ())),
                                 preferred_element_type=jnp.float32)
        h1 = jax.lax.dot_general(x, w1_ref[0, :, sl], (((1,), (0,)), ((), ())),
                                 preferred_element_type=jnp.float32)
        g = ((h0 * jax.nn.sigmoid(h0)) * h1).astype(jnp.bfloat16)
        part = jax.lax.dot_general(g, wo_ref[0, sl, :], (((1,), (0,)), ((), ())),
                                   preferred_element_type=jnp.float32)
        acc = part if acc is None else acc + part
    ys_ref[...] = acc


def _grouped_matmul(xs_sorted, w0, w1, wo, be, nblk):
    d = xs_sorted.shape[1]
    n_e, _, d_ff = w0.shape
    grid_spec = pltpu.PrefetchScalarGridSpec(
        num_scalar_prefetch=1,
        grid=(nblk,),
        in_specs=[
            pl.BlockSpec((TM, d), lambda b, be: (b, 0)),
            pl.BlockSpec((1, d, d_ff), lambda b, be: (be[b], 0, 0)),
            pl.BlockSpec((1, d, d_ff), lambda b, be: (be[b], 0, 0)),
            pl.BlockSpec((1, d_ff, d), lambda b, be: (be[b], 0, 0)),
        ],
        out_specs=pl.BlockSpec((TM, d), lambda b, be: (b, 0)),
    )
    return pl.pallas_call(
        functools.partial(_grouped_body, tf=2048),
        grid_spec=grid_spec,
        out_shape=jax.ShapeDtypeStruct((xs_sorted.shape[0], d), jnp.float32),
        compiler_params=pltpu.CompilerParams(
            dimension_semantics=("arbitrary",),
        ),
    )(be, xs_sorted, w0, w1, wo)


def _sc_dispatch(xs, pos_flat, ptot):
    s_tot, d = xs.shape
    na = pos_flat.shape[0]
    apw = na // _NW
    mesh = plsc.VectorSubcoreMesh(core_axis_name="c", subcore_axis_name="s")

    @functools.partial(
        pl.kernel, mesh=mesh,
        out_type=jax.ShapeDtypeStruct((ptot, d), jnp.float32),
        scratch_types=[
            pltpu.VMEM((apw,), jnp.int32),
            pltpu.VMEM((apw, d), jnp.float32),
            pltpu.SemaphoreType.DMA,
        ],
    )
    def k(xs_hbm, pos_hbm, xsort_hbm, idx_v, rows_v, sem):
        wid = lax.axis_index("s") * 2 + lax.axis_index("c")
        base = wid * apw
        pltpu.sync_copy(pos_hbm.at[pl.ds(base, apw)], idx_v)
        pltpu.sync_copy(xs_hbm.at[pl.ds(base % s_tot, apw)], rows_v)
        pltpu.async_copy(rows_v, xsort_hbm.at[idx_v], sem).wait()

    return k(xs, pos_flat)


def _sc_combine(ys, posr, wtsr):
    s_tot = posr.shape[1]
    d = ys.shape[1]
    tpw = s_tot // _NW
    nv = d // 16
    mesh = plsc.VectorSubcoreMesh(core_axis_name="c", subcore_axis_name="s")

    @functools.partial(
        pl.kernel, mesh=mesh,
        out_type=jax.ShapeDtypeStruct((s_tot, d), jnp.float32),
        scratch_types=[
            pltpu.VMEM((tpw,), jnp.int32),
            pltpu.VMEM((tpw,), jnp.int32),
            pltpu.VMEM((tpw + 16,), jnp.float32),
            pltpu.VMEM((tpw + 16,), jnp.float32),
            pltpu.VMEM((tpw, d), jnp.float32),
            pltpu.VMEM((tpw, d), jnp.float32),
            pltpu.SemaphoreType.DMA,
        ],
    )
    def k(ys_hbm, pos_hbm, wts_hbm, out_hbm,
          i1_v, i2_v, w1_v, w2_v, a_v, b_v, sem):
        wid = lax.axis_index("s") * 2 + lax.axis_index("c")
        base = wid * tpw
        pltpu.sync_copy(pos_hbm.at[0, pl.ds(base, tpw)], i1_v)
        pltpu.sync_copy(pos_hbm.at[1, pl.ds(base, tpw)], i2_v)
        pltpu.sync_copy(wts_hbm.at[0, pl.ds(base, tpw)], w1_v.at[pl.ds(0, tpw)])
        pltpu.sync_copy(wts_hbm.at[1, pl.ds(base, tpw)], w2_v.at[pl.ds(0, tpw)])
        c1 = pltpu.async_copy(ys_hbm.at[i1_v], a_v, sem)
        c2 = pltpu.async_copy(ys_hbm.at[i2_v], b_v, sem)
        c1.wait()
        c2.wait()

        def row(i, _):
            p1 = w1_v[pl.ds(i, 16)][0]
            p2 = w2_v[pl.ds(i, 16)][0]
            for j in range(nv):
                sl = pl.ds(j * 16, 16)
                a_v[i, sl] = p1 * a_v[i, sl] + p2 * b_v[i, sl]
            return _

        lax.fori_loop(0, tpw, row, 0)
        pltpu.sync_copy(a_v, out_hbm.at[pl.ds(base, tpw)])

    return k(ys, posr, wtsr)


def kernel(x, gate_kernel, w0, w1, wo):
    b, s, d = x.shape
    n_e, _, d_ff = w0.shape
    xs = x.reshape(b * s, d)
    s_tot = b * s
    w0 = w0.astype(jnp.bfloat16)
    w1 = w1.astype(jnp.bfloat16)
    wo = wo.astype(jnp.bfloat16)

    ptot = 2 * s_tot + n_e * TM
    nblk = ptot // TM
    nblk_pad = 64
    ta = 512

    posr, wtsr, be = _routing_meta(xs, gate_kernel, n_e, ta, nblk, nblk_pad)

    xs_sorted = _sc_dispatch(xs, posr.reshape(-1), ptot)

    ys = _grouped_matmul(xs_sorted, w0, w1, wo, be, nblk)

    out = _sc_combine(ys, posr, wtsr)
    return out.reshape(b, s, d)

# --- scband reference (transcript-rebuilt; emitter-appended) ---
"""Pipeline reference for scband-routed-mo-e-20925080666812 (READ-ONLY COPY).

The authoritative reference and input builder live on the scoring server;
editing this copy changes nothing except your own understanding.
"""

import jax, jax.numpy as jnp
import numpy as np

NUM_EXPERTS = 8
TOP_K = 2
D_MODEL = 768
D_FF = 2048
B, S = 1, 2048

def setup_inputs(seed: int = 0) -> dict:
    key = jax.random.key(seed)
    k_x, k_g, k_w0, k_w1, k_wo = jax.random.split(key, 5)
    x = jax.random.normal(k_x, (B, S, D_MODEL), dtype=jnp.float32)
    # gate kernel: truncated-normal fan_in init scale ~ 1/sqrt(fan_in)
    gate_kernel = jax.random.truncated_normal(k_g, -2.0, 2.0, (D_MODEL, NUM_EXPERTS), dtype=jnp.float32) / np.sqrt(D_MODEL)
    w0 = jax.random.truncated_normal(k_w0, -2.0, 2.0, (NUM_EXPERTS, D_MODEL, D_FF), dtype=jnp.float32) / np.sqrt(D_MODEL)
    w1 = jax.random.truncated_normal(k_w1, -2.0, 2.0, (NUM_EXPERTS, D_MODEL, D_FF), dtype=jnp.float32) / np.sqrt(D_MODEL)
    wo = jax.random.truncated_normal(k_wo, -2.0, 2.0, (NUM_EXPERTS, D_FF, D_MODEL), dtype=jnp.float32) / np.sqrt(D_FF)
    return {"x": x, "gate_kernel": gate_kernel, "w0": w0, "w1": w1, "wo": wo}

def reference(x, gate_kernel, w0, w1, wo):
    # GateLogit: dense projection to num_experts logits
    gate_logits = jnp.einsum('btd,de->bte', x, gate_kernel)
    # get_topk: lax.top_k over expert logits (mixtral-style routing)
    top_k_weights, top_k_indices = jax.lax.top_k(gate_logits, TOP_K)
    # normalize routing weights with softmax over the selected experts
    top_k_weights = jax.nn.softmax(top_k_weights.astype(jnp.float32), axis=-1).astype(x.dtype)
    # build combine array (b, t, E): scatter top_k weights back to full expert dim
    one_hot = jax.nn.one_hot(top_k_indices, NUM_EXPERTS, dtype=x.dtype)  # (b,t,k,E)
    combine = jnp.sum(one_hot * top_k_weights[..., None], axis=-2)  # (b,t,E)
    # dense_matmul expert compute (MaxText dense path): every token through every expert
    h0 = jnp.einsum('btd,edf->btef', x, w0)
    h1 = jnp.einsum('btd,edf->btef', x, w1)
    intermediate = jax.nn.silu(h0) * h1  # gated MLP (silu activation)
    expert_out = jnp.einsum('btef,efd->bted', intermediate, wo)
    # weighted combine of expert outputs by routing probabilities
    out = jnp.einsum('bte,bted->btd', combine, expert_out)
    return out

if __name__ == "__main__":
    import jax
    _d = setup_inputs()
    print(jax.jit(kernel)(*tuple(_d.values())))

</pallas_src>

<mosaic_0001>
#map = affine_map<(d0, d1) -> (0, 0)>
module attributes {stable_mosaic.version = 14 : i64} {
  func.func @k(%arg0: i32, %arg1: i32, %arg2: memref<6144x768xf32, #tpu.memory_space<hbm>>, %arg3: memref<2x2048xi32, #tpu.memory_space<hbm>>, %arg4: memref<2x2048xf32, #tpu.memory_space<hbm>>, %arg5: memref<2048x768xf32, #tpu.memory_space<hbm>>, %arg6: memref<64xi32, #tpu.memory_space<vmem>>, %arg7: memref<64xi32, #tpu.memory_space<vmem>>, %arg8: memref<80xf32, #tpu.memory_space<vmem>>, %arg9: memref<80xf32, #tpu.memory_space<vmem>>, %arg10: memref<64x768xf32, #tpu.memory_space<vmem>>, %arg11: memref<64x768xf32, #tpu.memory_space<vmem>>, %arg12: memref<!tpu.dma_semaphore, #tpu.memory_space<semaphore_mem>>) attributes {dimension_semantics = [#tpu.dimension_semantics<core_parallel>, #tpu.dimension_semantics<subcore_parallel>], iteration_bounds = array<i64: 2, 16>, scalar_prefetch = 0 : i64, scratch_operands = 7 : i64, tpu.core_type = #tpu.core_type<sc_vector_subcore>, window_params = [{transform_indices = #map}, {transform_indices = #map}, {transform_indices = #map}, {transform_indices = #map}]} {
    %mul3A = arith.constant 2 : i32
    %mul3A_0 = arith.muli %arg1, %mul3A : i32
    %add3A = arith.addi %mul3A_0, %arg0 : i32
    %mul3A_1 = arith.constant 64 : i32
    %mul3A_2 = arith.muli %add3A, %mul3A_1 : i32
    %run_scoped3A = arith.constant 0 : i32
    "tpu.region"() ({
      %run_scoped3A_21 = tpu.sem_alloc : memref<!tpu.dma_semaphore, #tpu.memory_space<semaphore_mem>>
      %dma_start3A_22 = tpu.memref_slice %arg3[%run_scoped3A, %mul3A_2] : memref<2x2048xi32, #tpu.memory_space<hbm>> -> memref<1x64xi32, #tpu.memory_space<hbm>>
      %dma_start3A_23 = tpu.memref_squeeze %dma_start3A_22 : memref<1x64xi32, #tpu.memory_space<hbm>> -> memref<64xi32, #tpu.memory_space<hbm>>
      %dma_start3A_24 = tpu.memref_slice %arg3[%run_scoped3A, %mul3A_2] : memref<2x2048xi32, #tpu.memory_space<hbm>> -> memref<1x64xi32, #tpu.memory_space<hbm>>
      %dma_start3A_25 = tpu.memref_squeeze %dma_start3A_24 : memref<1x64xi32, #tpu.memory_space<hbm>> -> memref<64xi32, #tpu.memory_space<hbm>>
      tpu.enqueue_dma source(%dma_start3A_25 : memref<64xi32, #tpu.memory_space<hbm>>) target(%arg6 : memref<64xi32, #tpu.memory_space<vmem>>) target_semaphore(%run_scoped3A_21 : memref<!tpu.dma_semaphore, #tpu.memory_space<semaphore_mem>>)
      %dma_wait3A_26 = tpu.memref_slice %arg3[%run_scoped3A, %mul3A_2] : memref<2x2048xi32, #tpu.memory_space<hbm>> -> memref<1x64xi32, #tpu.memory_space<hbm>>
      %dma_wait3A_27 = tpu.memref_squeeze %dma_wait3A_26 : memref<1x64xi32, #tpu.memory_space<hbm>> -> memref<64xi32, #tpu.memory_space<hbm>>
      %dma_wait3A_28 = tpu.memref_slice %arg3[%run_scoped3A, %mul3A_2] : memref<2x2048xi32, #tpu.memory_space<hbm>> -> memref<1x64xi32, #tpu.memory_space<hbm>>
      %dma_wait3A_29 = tpu.memref_squeeze %dma_wait3A_28 : memref<1x64xi32, #tpu.memory_space<hbm>> -> memref<64xi32, #tpu.memory_space<hbm>>
      tpu.wait_dma2 semaphore(%run_scoped3A_21 : memref<!tpu.dma_semaphore, #tpu.memory_space<semaphore_mem>>) src(%dma_wait3A_29 : memref<64xi32, #tpu.memory_space<hbm>>) dst(%arg6 : memref<64xi32, #tpu.memory_space<vmem>>)
      tpu.yield
    }) : () -> ()
    %run_scoped3A_3 = arith.constant 1 : i32
    "tpu.region"() ({
      %run_scoped3A_21 = tpu.sem_alloc : memref<!tpu.dma_semaphore, #tpu.memory_space<semaphore_mem>>
      %dma_start3A_22 = tpu.memref_slice %arg3[%run_scoped3A_3, %mul3A_2] : memref<2x2048xi32, #tpu.memory_space<hbm>> -> memref<1x64xi32, #tpu.memory_space<hbm>>
      %dma_start3A_23 = tpu.memref_squeeze %dma_start3A_22 : memref<1x64xi32, #tpu.memory_space<hbm>> -> memref<64xi32, #tpu.memory_space<hbm>>
      %dma_start3A_24 = tpu.memref_slice %arg3[%run_scoped3A_3, %mul3A_2] : memref<2x2048xi32, #tpu.memory_space<hbm>> -> memref<1x64xi32, #tpu.memory_space<hbm>>
      %dma_start3A_25 = tpu.memref_squeeze %dma_start3A_24 : memref<1x64xi32, #tpu.memory_space<hbm>> -> memref<64xi32, #tpu.memory_space<hbm>>
      tpu.enqueue_dma source(%dma_start3A_25 : memref<64xi32, #tpu.memory_space<hbm>>) target(%arg7 : memref<64xi32, #tpu.memory_space<vmem>>) target_semaphore(%run_scoped3A_21 : memref<!tpu.dma_semaphore, #tpu.memory_space<semaphore_mem>>)
      %dma_wait3A_26 = tpu.memref_slice %arg3[%run_scoped3A_3, %mul3A_2] : memref<2x2048xi32, #tpu.memory_space<hbm>> -> memref<1x64xi32, #tpu.memory_space<hbm>>
      %dma_wait3A_27 = tpu.memref_squeeze %dma_wait3A_26 : memref<1x64xi32, #tpu.memory_space<hbm>> -> memref<64xi32, #tpu.memory_space<hbm>>
      %dma_wait3A_28 = tpu.memref_slice %arg3[%run_scoped3A_3, %mul3A_2] : memref<2x2048xi32, #tpu.memory_space<hbm>> -> memref<1x64xi32, #tpu.memory_space<hbm>>
      %dma_wait3A_29 = tpu.memref_squeeze %dma_wait3A_28 : memref<1x64xi32, #tpu.memory_space<hbm>> -> memref<64xi32, #tpu.memory_space<hbm>>
      tpu.wait_dma2 semaphore(%run_scoped3A_21 : memref<!tpu.dma_semaphore, #tpu.memory_space<semaphore_mem>>) src(%dma_wait3A_29 : memref<64xi32, #tpu.memory_space<hbm>>) dst(%arg7 : memref<64xi32, #tpu.memory_space<vmem>>)
      tpu.yield
    }) : () -> ()
    %run_scoped3A_4 = arith.constant 0 : i32
    "tpu.region"() ({
      %run_scoped3A_21 = tpu.sem_alloc : memref<!tpu.dma_semaphore, #tpu.memory_space<semaphore_mem>>
      %dma_start3A_22 = arith.constant 0 : i32
      %dma_start3A_23 = tpu.memref_slice %arg8[%dma_start3A_22] : memref<80xf32, #tpu.memory_space<vmem>> -> memref<64xf32, #tpu.memory_space<vmem>>
      %dma_start3A_24 = tpu.memref_slice %arg4[%run_scoped3A_4, %mul3A_2] : memref<2x2048xf32, #tpu.memory_space<hbm>> -> memref<1x64xf32, #tpu.memory_space<hbm>>
      %dma_start3A_25 = tpu.memref_squeeze %dma_start3A_24 : memref<1x64xf32, #tpu.memory_space<hbm>> -> memref<64xf32, #tpu.memory_space<hbm>>
      %dma_start3A_26 = arith.constant 0 : i32
      %dma_start3A_27 = tpu.memref_slice %arg8[%dma_start3A_26] : memref<80xf32, #tpu.memory_space<vmem>> -> memref<64xf32, #tpu.memory_space<vmem>>
      %dma_start3A_28 = tpu.memref_slice %arg4[%run_scoped3A_4, %mul3A_2] : memref<2x2048xf32, #tpu.memory_space<hbm>> -> memref<1x64xf32, #tpu.memory_space<hbm>>
      %dma_start3A_29 = tpu.memref_squeeze %dma_start3A_28 : memref<1x64xf32, #tpu.memory_space<hbm>> -> memref<64xf32, #tpu.memory_space<hbm>>
      tpu.enqueue_dma source(%dma_start3A_29 : memref<64xf32, #tpu.memory_space<hbm>>) target(%dma_start3A_27 : memref<64xf32, #tpu.memory_space<vmem>>) target_semaphore(%run_scoped3A_21 : memref<!tpu.dma_semaphore, #tpu.memory_space<semaphore_mem>>)
      %dma_wait3A_30 = arith.constant 0 : i32
      %dma_wait3A_31 = tpu.memref_slice %arg8[%dma_wait3A_30] : memref<80xf32, #tpu.memory_space<vmem>> -> memref<64xf32, #tpu.memory_space<vmem>>
      %dma_wait3A_32 = tpu.memref_slice %arg4[%run_scoped3A_4, %mul3A_2] : memref<2x2048xf32, #tpu.memory_space<hbm>> -> memref<1x64xf32, #tpu.memory_space<hbm>>
      %dma_wait3A_33 = tpu.memref_squeeze %dma_wait3A_32 : memref<1x64xf32, #tpu.memory_space<hbm>> -> memref<64xf32, #tpu.memory_space<hbm>>
      %dma_wait3A_34 = arith.constant 0 : i32
      %dma_wait3A_35 = tpu.memref_slice %arg8[%dma_wait3A_34] : memref<80xf32, #tpu.memory_space<vmem>> -> memref<64xf32, #tpu.memory_space<vmem>>
      %dma_wait3A_36 = tpu.memref_slice %arg4[%run_scoped3A_4, %mul3A_2] : memref<2x2048xf32, #tpu.memory_space<hbm>> -> memref<1x64xf32, #tpu.memory_space<hbm>>
      %dma_wait3A_37 = tpu.memref_squeeze %dma_wait3A_36 : memref<1x64xf32, #tpu.memory_space<hbm>> -> memref<64xf32, #tpu.memory_space<hbm>>
      tpu.wait_dma2 semaphore(%run_scoped3A_21 : memref<!tpu.dma_semaphore, #tpu.memory_space<semaphore_mem>>) src(%dma_wait3A_37 : memref<64xf32, #tpu.memory_space<hbm>>) dst(%dma_wait3A_35 : memref<64xf32, #tpu.memory_space<vmem>>)
      tpu.yield
    }) : () -> ()
    %run_scoped3A_5 = arith.constant 1 : i32
    "tpu.region"() ({
      %run_scoped3A_21 = tpu.sem_alloc : memref<!tpu.dma_semaphore, #tpu.memory_space<semaphore_mem>>
      %dma_start3A_22 = arith.constant 0 : i32
      %dma_start3A_23 = tpu.memref_slice %arg9[%dma_start3A_22] : memref<80xf32, #tpu.memory_space<vmem>> -> memref<64xf32, #tpu.memory_space<vmem>>
      %dma_start3A_24 = tpu.memref_slice %arg4[%run_scoped3A_5, %mul3A_2] : memref<2x2048xf32, #tpu.memory_space<hbm>> -> memref<1x64xf32, #tpu.memory_space<hbm>>
      %dma_start3A_25 = tpu.memref_squeeze %dma_start3A_24 : memref<1x64xf32, #tpu.memory_space<hbm>> -> memref<64xf32, #tpu.memory_space<hbm>>
      %dma_start3A_26 = arith.constant 0 : i32
      %dma_start3A_27 = tpu.memref_slice %arg9[%dma_start3A_26] : memref<80xf32, #tpu.memory_space<vmem>> -> memref<64xf32, #tpu.memory_space<vmem>>
      %dma_start3A_28 = tpu.memref_slice %arg4[%run_scoped3A_5, %mul3A_2] : memref<2x2048xf32, #tpu.memory_space<hbm>> -> memref<1x64xf32, #tpu.memory_space<hbm>>
      %dma_start3A_29 = tpu.memref_squeeze %dma_start3A_28 : memref<1x64xf32, #tpu.memory_space<hbm>> -> memref<64xf32, #tpu.memory_space<hbm>>
      tpu.enqueue_dma source(%dma_start3A_29 : memref<64xf32, #tpu.memory_space<hbm>>) target(%dma_start3A_27 : memref<64xf32, #tpu.memory_space<vmem>>) target_semaphore(%run_scoped3A_21 : memref<!tpu.dma_semaphore, #tpu.memory_space<semaphore_mem>>)
      %dma_wait3A_30 = arith.constant 0 : i32
      %dma_wait3A_31 = tpu.memref_slice %arg9[%dma_wait3A_30] : memref<80xf32, #tpu.memory_space<vmem>> -> memref<64xf32, #tpu.memory_space<vmem>>
      %dma_wait3A_32 = tpu.memref_slice %arg4[%run_scoped3A_5, %mul3A_2] : memref<2x2048xf32, #tpu.memory_space<hbm>> -> memref<1x64xf32, #tpu.memory_space<hbm>>
      %dma_wait3A_33 = tpu.memref_squeeze %dma_wait3A_32 : memref<1x64xf32, #tpu.memory_space<hbm>> -> memref<64xf32, #tpu.memory_space<hbm>>
      %dma_wait3A_34 = arith.constant 0 : i32
      %dma_wait3A_35 = tpu.memref_slice %arg9[%dma_wait3A_34] : memref<80xf32, #tpu.memory_space<vmem>> -> memref<64xf32, #tpu.memory_space<vmem>>
      %dma_wait3A_36 = tpu.memref_slice %arg4[%run_scoped3A_5, %mul3A_2] : memref<2x2048xf32, #tpu.memory_space<hbm>> -> memref<1x64xf32, #tpu.memory_space<hbm>>
      %dma_wait3A_37 = tpu.memref_squeeze %dma_wait3A_36 : memref<1x64xf32, #tpu.memory_space<hbm>> -> memref<64xf32, #tpu.memory_space<hbm>>
      tpu.wait_dma2 semaphore(%run_scoped3A_21 : memref<!tpu.dma_semaphore, #tpu.memory_space<semaphore_mem>>) src(%dma_wait3A_37 : memref<64xf32, #tpu.memory_space<hbm>>) dst(%dma_wait3A_35 : memref<64xf32, #tpu.memory_space<vmem>>)
      tpu.yield
    }) : () -> ()
    %dma_start3A = arith.constant 0 : i32
    %dma_start3A_6 = arith.constant 0 : i32
    %dma_start3A_7 = tpu.memref_slice %arg2[%dma_start3A, %dma_start3A_6] : memref<6144x768xf32, #tpu.memory_space<hbm>> -> memref<6144x768xf32, #tpu.memory_space<hbm>>
    tpu.enqueue_indirect_dma source(%dma_start3A_7 : memref<6144x768xf32, #tpu.memory_space<hbm>>) target(%arg10 : memref<64x768xf32, #tpu.memory_space<vmem>>) offsets(%arg6 : memref<64xi32, #tpu.memory_space<vmem>>) semaphore(%arg12 : memref<!tpu.dma_semaphore, #tpu.memory_space<semaphore_mem>>)
    %dma_start3A_8 = arith.constant 0 : i32
    %dma_start3A_9 = arith.constant 0 : i32
    %dma_start3A_10 = tpu.memref_slice %arg2[%dma_start3A_8, %dma_start3A_9] : memref<6144x768xf32, #tpu.memory_space<hbm>> -> memref<6144x768xf32, #tpu.memory_space<hbm>>
    tpu.enqueue_indirect_dma source(%dma_start3A_10 : memref<6144x768xf32, #tpu.memory_space<hbm>>) target(%arg11 : memref<64x768xf32, #tpu.memory_space<vmem>>) offsets(%arg7 : memref<64xi32, #tpu.memory_space<vmem>>) semaphore(%arg12 : memref<!tpu.dma_semaphore, #tpu.memory_space<semaphore_mem>>)
    %dma_wait3A = arith.constant 0 : i32
    %dma_wait3A_11 = arith.constant 0 : i32
    %dma_wait3A_12 = tpu.memref_slice %arg2[%dma_wait3A, %dma_wait3A_11] : memref<6144x768xf32, #tpu.memory_space<hbm>> -> memref<6144x768xf32, #tpu.memory_space<hbm>>
    tpu.wait_indirect_dma semaphore(%arg12 : memref<!tpu.dma_semaphore, #tpu.memory_space<semaphore_mem>>) src(%dma_wait3A_12 : memref<6144x768xf32, #tpu.memory_space<hbm>>) dst(%arg10 : memref<64x768xf32, #tpu.memory_space<vmem>>)
    %dma_wait3A_13 = arith.constant 0 : i32
    %dma_wait3A_14 = arith.constant 0 : i32
    %dma_wait3A_15 = tpu.memref_slice %arg2[%dma_wait3A_13, %dma_wait3A_14] : memref<6144x768xf32, #tpu.memory_space<hbm>> -> memref<6144x768xf32, #tpu.memory_space<hbm>>
    tpu.wait_indirect_dma semaphore(%arg12 : memref<!tpu.dma_semaphore, #tpu.memory_space<semaphore_mem>>) src(%dma_wait3A_15 : memref<6144x768xf32, #tpu.memory_space<hbm>>) dst(%arg11 : memref<64x768xf32, #tpu.memory_space<vmem>>)
    %scan3A = arith.constant 0 : i32
    %scan3A_16 = arith.constant 0 : i32
    %scan3A_17 = arith.constant 64 : i32
    %scan3A_18 = arith.addi %scan3A_16, %scan3A_17 : i32
    %scan3A_19 = arith.constant 1 : i32
    scf.for %scan3A_21 = %scan3A_16 to %scan3A_18 step %scan3A_19  : i32 {
      %get3A = arith.index_cast %scan3A_21 : i32 to index
      %get3A_22 = tpu.vector_load %arg8[%get3A] {strides = array<i32>} : memref<80xf32, #tpu.memory_space<vmem>>, vector<16xf32>,
      %get3A_23 = vector.shape_cast %get3A_22 : vector<16xf32> to vector<16xf32>
      %slice3A = vector.extract_strided_slice %get3A_23 {offsets = [0], sizes = [1], strides = [1]} : vector<16xf32> to vector<1xf32>
      %squeeze3A = vector.extract %slice3A[0] : f32 from vector<1xf32>
      %get3A_24 = arith.index_cast %scan3A_21 : i32 to index
      %get3A_25 = tpu.vector_load %arg9[%get3A_24] {strides = array<i32>} : memref<80xf32, #tpu.memory_space<vmem>>, vector<16xf32>,
      %get3A_26 = vector.shape_cast %get3A_25 : vector<16xf32> to vector<16xf32>
      %slice3A_27 = vector.extract_strided_slice %get3A_26 {offsets = [0], sizes = [1], strides = [1]} : vector<16xf32> to vector<1xf32>
      %squeeze3A_28 = vector.extract %slice3A_27[0] : f32 from vector<1xf32>
      %get3A_29 = arith.index_cast %scan3A_21 : i32 to index
      %get3A_30 = arith.constant 0 : index
      %get3A_31 = tpu.vector_load %arg10[%get3A_29, %get3A_30] {strides = array<i32>} : memref<64x768xf32, #tpu.memory_space<vmem>>, vector<1x16xf32>,
      %get3A_32 = vector.shape_cast %get3A_31 : vector<1x16xf32> to vector<16xf32>
      %mul3A_33 = vector.broadcast %squeeze3A : f32 to vector<16xf32>
      %mul3A_34 = arith.mulf %mul3A_33, %get3A_32 : vector<16xf32>
      %get3A_35 = arith.index_cast %scan3A_21 : i32 to index
      %get3A_36 = arith.constant 0 : index
      %get3A_37 = tpu.vector_load %arg11[%get3A_35, %get3A_36] {strides = array<i32>} : memref<64x768xf32, #tpu.memory_space<vmem>>, vector<1x16xf32>,
      %get3A_38 = vector.shape_cast %get3A_37 : vector<1x16xf32> to vector<16xf32>
      %mul3A_39 = vector.broadcast %squeeze3A_28 : f32 to vector<16xf32>
      %mul3A_40 = arith.mulf %mul3A_39, %get3A_38 : vector<16xf32>
      %add3A_41 = arith.addf %mul3A_34, %mul3A_40 : vector<16xf32>
      %swap3A = arith.index_cast %scan3A_21 : i32 to index
      %swap3A_42 = arith.constant 0 : index
      %swap3A_43 = tpu.vector_load %arg10[%swap3A, %swap3A_42] {strides = array<i32>} : memref<64x768xf32, #tpu.memory_space<vmem>>, vector<1x16xf32>,
      %swap3A_44 = vector.shape_cast %swap3A_43 : vector<1x16xf32> to vector<16xf32>
      %swap3A_45 = vector.shape_cast %add3A_41 : vector<16xf32> to vector<1x16xf32>
      tpu.vector_store %arg10[%swap3A, %swap3A_42], %swap3A_45 {strides = array<i32>} : memref<64x768xf32, #tpu.memory_space<vmem>>, vector<1x16xf32>,
      %get3A_46 = arith.index_cast %scan3A_21 : i32 to index
      %get3A_47 = arith.constant 16 : index
      %get3A_48 = tpu.vector_load %arg10[%get3A_46, %get3A_47] {strides = array<i32>} : memref<64x768xf32, #tpu.memory_space<vmem>>, vector<1x16xf32>,
      %get3A_49 = vector.shape_cast %get3A_48 : vector<1x16xf32> to vector<16xf32>
      %mul3A_50 = vector.broadcast %squeeze3A : f32 to vector<16xf32>
      %mul3A_51 = arith.mulf %mul3A_50, %get3A_49 : vector<16xf32>
      %get3A_52 = arith.index_cast %scan3A_21 : i32 to index
      %get3A_53 = arith.constant 16 : index
      %get3A_54 = tpu.vector_load %arg11[%get3A_52, %get3A_53] {strides = array<i32>} : memref<64x768xf32, #tpu.memory_space<vmem>>, vector<1x16xf32>,
      %get3A_55 = vector.shape_cast %get3A_54 : vector<1x16xf32> to vector<16xf32>
      %mul3A_56 = vector.broadcast %squeeze3A_28 : f32 to vector<16xf32>
      %mul3A_57 = arith.mulf %mul3A_56, %get3A_55 : vector<16xf32>
      %add3A_58 = arith.addf %mul3A_51, %mul3A_57 : vector<16xf32>
      %swap3A_59 = arith.index_cast %scan3A_21 : i32 to index
      %swap3A_60 = arith.constant 16 : index
      %swap3A_61 = tpu.vector_load %arg10[%swap3A_59, %swap3A_60] {strides = array<i32>} : memref<64x768xf32, #tpu.memory_space<vmem>>, vector<1x16xf32>,
      %swap3A_62 = vector.shape_cast %swap3A_61 : vector<1x16xf32> to vector<16xf32>
      %swap3A_63 = vector.shape_cast %add3A_58 : vector<16xf32> to vector<1x16xf32>
      tpu.vector_store %arg10[%swap3A_59, %swap3A_60], %swap3A_63 {strides = array<i32>} : memref<64x768xf32, #tpu.memory_space<vmem>>, vector<1x16xf32>,
      %get3A_64 = arith.index_cast %scan3A_21 : i32 to index
      %get3A_65 = arith.constant 32 : index
      %get3A_66 = tpu.vector_load %arg10[%get3A_64, %get3A_65] {strides = array<i32>} : memref<64x768xf32, #tpu.memory_space<vmem>>, vector<1x16xf32>,
      %get3A_67 = vector.shape_cast %get3A_66 : vector<1x16xf32> to vector<16xf32>
      %mul3A_68 = vector.broadcast %squeeze3A : f32 to vector<16xf32>
      %mul3A_69 = arith.mulf %mul3A_68, %get3A_67 : vector<16xf32>
      %get3A_70 = arith.index_cast %scan3A_21 : i32 to index
      %get3A_71 = arith.constant 32 : index
      %get3A_72 = tpu.vector_load %arg11[%get3A_70, %get3A_71] {strides = array<i32>} : memref<64x768xf32, #tpu.memory_space<vmem>>, vector<1x16xf32>,
      %get3A_73 = vector.shape_cast %get3A_72 : vector<1x16xf32> to vector<16xf32>
      %mul3A_74 = vector.broadcast %squeeze3A_28 : f32 to vector<16xf32>
      %mul3A_75 = arith.mulf %mul3A_74, %get3A_73 : vector<16xf32>
      %add3A_76 = arith.addf %mul3A_69, %mul3A_75 : vector<16xf32>
      %swap3A_77 = arith.index_cast %scan3A_21 : i32 to index
      %swap3A_78 = arith.constant 32 : index
      %swap3A_79 = tpu.vector_load %arg10[%swap3A_77, %swap3A_78] {strides = array<i32>} : memref<64x768xf32, #tpu.memory_space<vmem>>, vector<1x16xf32>,
      %swap3A_80 = vector.shape_cast %swap3A_79 : vector<1x16xf32> to vector<16xf32>
      %swap3A_81 = vector.shape_cast %add3A_76 : vector<16xf32> to vector<1x16xf32>
      tpu.vector_store %arg10[%swap3A_77, %swap3A_78], %swap3A_81 {strides = array<i32>} : memref<64x768xf32, #tpu.memory_space<vmem>>, vector<1x16xf32>,
      %get3A_82 = arith.index_cast %scan3A_21 : i32 to index
      %get3A_83 = arith.constant 48 : index
      %get3A_84 = tpu.vector_load %arg10[%get3A_82, %get3A_83] {strides = array<i32>} : memref<64x768xf32, #tpu.memory_space<vmem>>, vector<1x16xf32>,
      %get3A_85 = vector.shape_cast %get3A_84 : vector<1x16xf32> to vector<16xf32>
      %mul3A_86 = vector.broadcast %squeeze3A : f32 to vector<16xf32>
      %mul3A_87 = arith.mulf %mul3A_86, %get3A_85 : vector<16xf32>
      %get3A_88 = arith.index_cast %scan3A_21 : i32 to index
      %get3A_89 = arith.constant 48 : index
      %get3A_90 = tpu.vector_load %arg11[%get3A_88, %get3A_89] {strides = array<i32>} : memref<64x768xf32, #tpu.memory_space<vmem>>, vector<1x16xf32>,
      %get3A_91 = vector.shape_cast %get3A_90 : vector<1x16xf32> to vector<16xf32>
      %mul3A_92 = vector.broadcast %squeeze3A_28 : f32 to vector<16xf32>
      %mul3A_93 = arith.mulf %mul3A_92, %get3A_91 : vector<16xf32>
      %add3A_94 = arith.addf %mul3A_87, %mul3A_93 : vector<16xf32>
      %swap3A_95 = arith.index_cast %scan3A_21 : i32 to index
      %swap3A_96 = arith.constant 48 : index
      %swap3A_97 = tpu.vector_load %arg10[%swap3A_95, %swap3A_96] {strides = array<i32>} : memref<64x768xf32, #tpu.memory_space<vmem>>, vector<1x16xf32>,
      %swap3A_98 = vector.shape_cast %swap3A_97 : vector<1x16xf32> to vector<16xf32>
      %swap3A_99 = vector.shape_cast %add3A_94 : vector<16xf32> to vector<1x16xf32>
      tpu.vector_store %arg10[%swap3A_95, %swap3A_96], %swap3A_99 {strides = array<i32>} : memref<64x768xf32, #tpu.memory_space<vmem>>, vector<1x16xf32>,
      %get3A_100 = arith.index_cast %scan3A_21 : i32 to index
      %get3A_101 = arith.constant 64 : index
      %get3A_102 = tpu.vector_load %arg10[%get3A_100, %get3A_101] {strides = array<i32>} : memref<64x768xf32, #tpu.memory_space<vmem>>, vector<1x16xf32>,
      %get3A_103 = vector.shape_cast %get3A_102 : vector<1x16xf32> to vector<16xf32>
      %mul3A_104 = vector.broadcast %squeeze3A : f32 to vector<16xf32>
      %mul3A_105 = arith.mulf %mul3A_104, %get3A_103 : vector<16xf32>
      %get3A_106 = arith.index_cast %scan3A_21 : i32 to index
      %get3A_107 = arith.constant 64 : index
      %get3A_108 = tpu.vector_load %arg11[%get3A_106, %get3A_107] {strides = array<i32>} : memref<64x768xf32, #tpu.memory_space<vmem>>, vector<1x16xf32>,
      %get3A_109 = vector.shape_cast %get3A_108 : vector<1x16xf32> to vector<16xf32>
      %mul3A_110 = vector.broadcast %squeeze3A_28 : f32 to vector<16xf32>
      %mul3A_111 = arith.mulf %mul3A_110, %get3A_109 : vector<16xf32>
      %add3A_112 = arith.addf %mul3A_105, %mul3A_111 : vector<16xf32>
      %swap3A_113 = arith.index_cast %scan3A_21 : i32 to index
      %swap3A_114 = arith.constant 64 : index
      %swap3A_115 = tpu.vector_load %arg10[%swap3A_113, %swap3A_114] {strides = array<i32>} : memref<64x768xf32, #tpu.memory_space<vmem>>, vector<1x16xf32>,
      %swap3A_116 = vector.shape_cast %swap3A_115 : vector<1x16xf32> to vector<16xf32>
      %swap3A_117 = vector.shape_cast %add3A_112 : vector<16xf32> to vector<1x16xf32>
      tpu.vector_store %arg10[%swap3A_113, %swap3A_114], %swap3A_117 {strides = array<i32>} : memref<64x768xf32, #tpu.memory_space<vmem>>, vector<1x16xf32>,
      %get3A_118 = arith.index_cast %scan3A_21 : i32 to index
      %get3A_119 = arith.constant 80 : index
      %get3A_120 = tpu.vector_load %arg10[%get3A_118, %get3A_119] {strides = array<i32>} : memref<64x768xf32, #tpu.memory_space<vmem>>, vector<1x16xf32>,
      %get3A_121 = vector.shape_cast %get3A_120 : vector<1x16xf32> to vector<16xf32>
      %mul3A_122 = vector.broadcast %squeeze3A : f32 to vector<16xf32>
      %mul3A_123 = arith.mulf %mul3A_122, %get3A_121 : vector<16xf32>
      %get3A_124 = arith.index_cast %scan3A_21 : i32 to index
      %get3A_125 = arith.constant 80 : index
      %get3A_126 = tpu.vector_load %arg11[%get3A_124, %get3A_125] {strides = array<i32>} : memref<64x768xf32, #tpu.memory_space<vmem>>, vector<1x16xf32>,
      %get3A_127 = vector.shape_cast %get3A_126 : vector<1x16xf32> to vector<16xf32>
      %mul3A_128 = vector.broadcast %squeeze3A_28 : f32 to vector<16xf32>
      %mul3A_129 = arith.mulf %mul3A_128, %get3A_127 : vector<16xf32>
      %add3A_130 = arith.addf %mul3A_123, %mul3A_129 : vector<16xf32>
      %swap3A_131 = arith.index_cast %scan3A_21 : i32 to index
      %swap3A_132 = arith.constant 80 : index
      %swap3A_133 = tpu.vector_load %arg10[%swap3A_131, %swap3A_132] {strides = array<i32>} : memref<64x768xf32, #tpu.memory_space<vmem>>, vector<1x16xf32>,
      %swap3A_134 = vector.shape_cast %swap3A_133 : vector<1x16xf32> to vector<16xf32>
      %swap3A_135 = vector.shape_cast %add3A_130 : vector<16xf32> to vector<1x16xf32>
      tpu.vector_store %arg10[%swap3A_131, %swap3A_132], %swap3A_135 {strides = array<i32>} : memref<64x768xf32, #tpu.memory_space<vmem>>, vector<1x16xf32>,
      %get3A_136 = arith.index_cast %scan3A_21 : i32 to index
      %get3A_137 = arith.constant 96 : index
      %get3A_138 = tpu.vector_load %arg10[%get3A_136, %get3A_137] {strides = array<i32>} : memref<64x768xf32, #tpu.memory_space<vmem>>, vector<1x16xf32>,
      %get3A_139 = vector.shape_cast %get3A_138 : vector<1x16xf32> to vector<16xf32>
      %mul3A_140 = vector.broadcast %squeeze3A : f32 to vector<16xf32>
      %mul3A_141 = arith.mulf %mul3A_140, %get3A_139 : vector<16xf32>
      %get3A_142 = arith.index_cast %scan3A_21 : i32 to index
      %get3A_143 = arith.constant 96 : index
      %get3A_144 = tpu.vector_load %arg11[%get3A_142, %get3A_143] {strides = array<i32>} : memref<64x768xf32, #tpu.memory_space<vmem>>, vector<1x16xf32>,
      %get3A_145 = vector.shape_cast %get3A_144 : vector<1x16xf32> to vector<16xf32>
      %mul3A_146 = vector.broadcast %squeeze3A_28 : f32 to vector<16xf32>
      %mul3A_147 = arith.mulf %mul3A_146, %get3A_145 : vector<16xf32>
      %add3A_148 = arith.addf %mul3A_141, %mul3A_147 : vector<16xf32>
      %swap3A_149 = arith.index_cast %scan3A_21 : i32 to index
      %swap3A_150 = arith.constant 96 : index
      %swap3A_151 = tpu.vector_load %arg10[%swap3A_149, %swap3A_150] {strides = array<i32>} : memref<64x768xf32, #tpu.memory_space<vmem>>, vector<1x16xf32>,
      %swap3A_152 = vector.shape_cast %swap3A_151 : vector<1x16xf32> to vector<16xf32>
      %swap3A_153 = vector.shape_cast %add3A_148 : vector<16xf32> to vector<1x16xf32>
      tpu.vector_store %arg10[%swap3A_149, %swap3A_150], %swap3A_153 {strides = array<i32>} : memref<64x768xf32, #tpu.memory_space<vmem>>, vector<1x16xf32>,
      %get3A_154 = arith.index_cast %scan3A_21 : i32 to index
      %get3A_155 = arith.constant 112 : index
      %get3A_156 = tpu.vector_load %arg10[%get3A_154, %get3A_155] {strides = array<i32>} : memref<64x768xf32, #tpu.memory_space<vmem>>, vector<1x16xf32>,
      %get3A_157 = vector.shape_cast %get3A_156 : vector<1x16xf32> to vector<16xf32>
      %mul3A_158 = vector.broadcast %squeeze3A : f32 to vector<16xf32>
      %mul3A_159 = arith.mulf %mul3A_158, %get3A_157 : vector<16xf32>
      %get3A_160 = arith.index_cast %scan3A_21 : i32 to index
      %get3A_161 = arith.constant 112 : index
      %get3A_162 = tpu.vector_load %arg11[%get3A_160, %get3A_161] {strides = array<i32>} : memref<64x768xf32, #tpu.memory_space<vmem>>, vector<1x16xf32>,
      %get3A_163 = vector.shape_cast %get3A_162 : vector<1x16xf32> to vector<16xf32>
      %mul3A_164 = vector.broadcast %squeeze3A_28 : f32 to vector<16xf32>
      %mul3A_165 = arith.mulf %mul3A_164, %get3A_163 : vector<16xf32>
      %add3A_166 = arith.addf %mul3A_159, %mul3A_165 : vector<16xf32>
      %swap3A_167 = arith.index_cast %scan3A_21 : i32 to index
      %swap3A_168 = arith.constant 112 : index
      %swap3A_169 = tpu.vector_load %arg10[%swap3A_167, %swap3A_168] {strides = array<i32>} : memref<64x768xf32, #tpu.memory_space<vmem>>, vector<1x16xf32>,
      %swap3A_170 = vector.shape_cast %swap3A_169 : vector<1x16xf32> to vector<16xf32>
      %swap3A_171 = vector.shape_cast %add3A_166 : vector<16xf32> to vector<1x16xf32>
      tpu.vector_store %arg10[%swap3A_167, %swap3A_168], %swap3A_171 {strides = array<i32>} : memref<64x768xf32, #tpu.memory_space<vmem>>, vector<1x16xf32>,
      %get3A_172 = arith.index_cast %scan3A_21 : i32 to index
      %get3A_173 = arith.constant 128 : index
      %get3A_174 = tpu.vector_load %arg10[%get3A_172, %get3A_173] {strides = array<i32>} : memref<64x768xf32, #tpu.memory_space<vmem>>, vector<1x16xf32>,
      %get3A_175 = vector.shape_cast %get3A_174 : vector<1x16xf32> to vector<16xf32>
      %mul3A_176 = vector.broadcast %squeeze3A : f32 to vector<16xf32>
      %mul3A_177 = arith.mulf %mul3A_176, %get3A_175 : vector<16xf32>
      %get3A_178 = arith.index_cast %scan3A_21 : i32 to index
      %get3A_179 = arith.constant 128 : index
      %get3A_180 = tpu.vector_load %arg11[%get3A_178, %get3A_179] {strides = array<i32>} : memref<64x768xf32, #tpu.memory_space<vmem>>, vector<1x16xf32>,
      %get3A_181 = vector.shape_cast %get3A_180 : vector<1x16xf32> to vector<16xf32>
      %mul3A_182 = vector.broadcast %squeeze3A_28 : f32 to vector<16xf32>
      %mul3A_183 = arith.mulf %mul3A_182, %get3A_181 : vector<16xf32>
      %add3A_184 = arith.addf %mul3A_177, %mul3A_183 : vector<16xf32>
      %swap3A_185 = arith.index_cast %scan3A_21 : i32 to index
      %swap3A_186 = arith.constant 128 : index
      %swap3A_187 = tpu.vector_load %arg10[%swap3A_185, %swap3A_186] {strides = array<i32>} : memref<64x768xf32, #tpu.memory_space<vmem>>, vector<1x16xf32>,
      %swap3A_188 = vector.shape_cast %swap3A_187 : vector<1x16xf32> to vector<16xf32>
      %swap3A_189 = vector.shape_cast %add3A_184 : vector<16xf32> to vector<1x16xf32>
      tpu.vector_store %arg10[%swap3A_185, %swap3A_186], %swap3A_189 {strides = array<i32>} : memref<64x768xf32, #tpu.memory_space<vmem>>, vector<1x16xf32>,
      %get3A_190 = arith.index_cast %scan3A_21 : i32 to index
      %get3A_191 = arith.constant 144 : index
      %get3A_192 = tpu.vector_load %arg10[%get3A_190, %get3A_191] {strides = array<i32>} : memref<64x768xf32, #tpu.memory_space<vmem>>, vector<1x16xf32>,
      %get3A_193 = vector.shape_cast %get3A_192 : vector<1x16xf32> to vector<16xf32>
      %mul3A_194 = vector.broadcast %squeeze3A : f32 to vector<16xf32>
      %mul3A_195 = arith.mulf %mul3A_194, %get3A_193 : vector<16xf32>
      %get3A_196 = arith.index_cast %scan3A_21 : i32 to index
      %get3A_197 = arith.constant 144 : index
      %get3A_198 = tpu.vector_load %arg11[%get3A_196, %get3A_197] {strides = array<i32>} : memref<64x768xf32, #tpu.memory_space<vmem>>, vector<1x16xf32>,
      %get3A_199 = vector.shape_cast %get3A_198 : vector<1x16xf32> to vector<16xf32>
      %mul3A_200 = vector.broadcast %squeeze3A_28 : f32 to vector<16xf32>
      %mul3A_201 = arith.mulf %mul3A_200, %get3A_199 : vector<16xf32>
      %add3A_202 = arith.addf %mul3A_195, %mul3A_201 : vector<16xf32>
      %swap3A_203 = arith.index_cast %scan3A_21 : i32 to index
      %swap3A_204 = arith.constant 144 : index
      %swap3A_205 = tpu.vector_load %arg10[%swap3A_203, %swap3A_204] {strides = array<i32>} : memref<64x768xf32, #tpu.memory_space<vmem>>, vector<1x16xf32>,
      %swap3A_206 = vector.shape_cast %swap3A_205 : vector<1x16xf32> to vector<16xf32>
      %swap3A_207 = vector.shape_cast %add3A_202 : vector<16xf32> to vector<1x16xf32>
      tpu.vector_store %arg10[%swap3A_203, %swap3A_204], %swap3A_207 {strides = array<i32>} : memref<64x768xf32, #tpu.memory_space<vmem>>, vector<1x16xf32>,
      %get3A_208 = arith.index_cast %scan3A_21 : i32 to index
      %get3A_209 = arith.constant 160 : index
      %get3A_210 = tpu.vector_load %arg10[%get3A_208, %get3A_209] {strides = array<i32>} : memref<64x768xf32, #tpu.memory_space<vmem>>, vector<1x16xf32>,
      %get3A_211 = vector.shape_cast %get3A_210 : vector<1x16xf32> to vector<16xf32>
      %mul3A_212 = vector.broadcast %squeeze3A : f32 to vector<16xf32>
      %mul3A_213 = arith.mulf %mul3A_212, %get3A_211 : vector<16xf32>
      %get3A_214 = arith.index_cast %scan3A_21 : i32 to index
      %get3A_215 = arith.constant 160 : index
      %get3A_216 = tpu.vector_load %arg11[%get3A_214, %get3A_215] {strides = array<i32>} : memref<64x768xf32, #tpu.memory_space<vmem>>, vector<1x16xf32>,
      %get3A_217 = vector.shape_cast %get3A_216 : vector<1x16xf32> to vector<16xf32>
      %mul3A_218 = vector.broadcast %squeeze3A_28 : f32 to vector<16xf32>
      %mul3A_219 = arith.mulf %mul3A_218, %get3A_217 : vector<16xf32>
      %add3A_220 = arith.addf %mul3A_213, %mul3A_219 : vector<16xf32>
      %swap3A_221 = arith.index_cast %scan3A_21 : i32 to index
      %swap3A_222 = arith.constant 160 : index
      %swap3A_223 = tpu.vector_load %arg10[%swap3A_221, %swap3A_222] {strides = array<i32>} : memref<64x768xf32, #tpu.memory_space<vmem>>, vector<1x16xf32>,
      %swap3A_224 = vector.shape_cast %swap3A_223 : vector<1x16xf32> to vector<16xf32>
      %swap3A_225 = vector.shape_cast %add3A_220 : vector<16xf32> to vector<1x16xf32>
      tpu.vector_store %arg10[%swap3A_221, %swap3A_222], %swap3A_225 {strides = array<i32>} : memref<64x768xf32, #tpu.memory_space<vmem>>, vector<1x16xf32>,
      %get3A_226 = arith.index_cast %scan3A_21 : i32 to index
      %get3A_227 = arith.constant 176 : index
      %get3A_228 = tpu.vector_load %arg10[%get3A_226, %get3A_227] {strides = array<i32>} : memref<64x768xf32, #tpu.memory_space<vmem>>, vector<1x16xf32>,
      %get3A_229 = vector.shape_cast %get3A_228 : vector<1x16xf32> to vector<16xf32>
      %mul3A_230 = vector.broadcast %squeeze3A : f32 to vector<16xf32>
      %mul3A_231 = arith.mulf %mul3A_230, %get3A_229 : vector<16xf32>
      %get3A_232 = arith.index_cast %scan3A_21 : i32 to index
      %get3A_233 = arith.constant 176 : index
      %get3A_234 = tpu.vector_load %arg11[%get3A_232, %get3A_233] {strides = array<i32>} : memref<64x768xf32, #tpu.memory_space<vmem>>, vector<1x16xf32>,
      %get3A_235 = vector.shape_cast %get3A_234 : vector<1x16xf32> to vector<16xf32>
      %mul3A_236 = vector.broadcast %squeeze3A_28 : f32 to vector<16xf32>
      %mul3A_237 = arith.mulf %mul3A_236, %get3A_235 : vector<16xf32>
      %add3A_238 = arith.addf %mul3A_231, %mul3A_237 : vector<16xf32>
      %swap3A_239 = arith.index_cast %scan3A_21 : i32 to index
      %swap3A_240 = arith.constant 176 : index
      %swap3A_241 = tpu.vector_load %arg10[%swap3A_239, %swap3A_240] {strides = array<i32>} : memref<64x768xf32, #tpu.memory_space<vmem>>, vector<1x16xf32>,
      %swap3A_242 = vector.shape_cast %swap3A_241 : vector<1x16xf32> to vector<16xf32>
      %swap3A_243 = vector.shape_cast %add3A_238 : vector<16xf32> to vector<1x16xf32>
      tpu.vector_store %arg10[%swap3A_239, %swap3A_240], %swap3A_243 {strides = array<i32>} : memref<64x768xf32, #tpu.memory_space<vmem>>, vector<1x16xf32>,
      %get3A_244 = arith.index_cast %scan3A_21 : i32 to index
      %get3A_245 = arith.constant 192 : index
      %get3A_246 = tpu.vector_load %arg10[%get3A_244, %get3A_245] {strides = array<i32>} : memref<64x768xf32, #tpu.memory_space<vmem>>, vector<1x16xf32>,
      %get3A_247 = vector.shape_cast %get3A_246 : vector<1x16xf32> to vector<16xf32>
      %mul3A_248 = vector.broadcast %squeeze3A : f32 to vector<16xf32>
      %mul3A_249 = arith.mulf %mul3A_248, %get3A_247 : vector<16xf32>
      %get3A_250 = arith.index_cast %scan3A_21 : i32 to index
      %get3A_251 = arith.constant 192 : index
      %get3A_252 = tpu.vector_load %arg11[%get3A_250, %get3A_251] {strides = array<i32>} : memref<64x768xf32, #tpu.memory_space<vmem>>, vector<1x16xf32>,
      %get3A_253 = vector.shape_cast %get3A_252 : vector<1x16xf32> to vector<16xf32>
      %mul3A_254 = vector.broadcast %squeeze3A_28 : f32 to vector<16xf32>
      %mul3A_255 = arith.mulf %mul3A_254, %get3A_253 : vector<16xf32>
      %add3A_256 = arith.addf %mul3A_249, %mul3A_255 : vector<16xf32>
      %swap3A_257 = arith.index_cast %scan3A_21 : i32 to index
      %swap3A_258 = arith.constant 192 : index
      %swap3A_259 = tpu.vector_load %arg10[%swap3A_257, %swap3A_258] {strides = array<i32>} : memref<64x768xf32, #tpu.memory_space<vmem>>, vector<1x16xf32>,
      %swap3A_260 = vector.shape_cast %swap3A_259 : vector<1x16xf32> to vector<16xf32>
      %swap3A_261 = vector.shape_cast %add3A_256 : vector<16xf32> to vector<1x16xf32>
      tpu.vector_store %arg10[%swap3A_257, %swap3A_258], %swap3A_261 {strides = array<i32>} : memref<64x768xf32, #tpu.memory_space<vmem>>, vector<1x16xf32>,
      %get3A_262 = arith.index_cast %scan3A_21 : i32 to index
      %get3A_263 = arith.constant 208 : index
      %get3A_264 = tpu.vector_load %arg10[%get3A_262, %get3A_263] {strides = array<i32>} : memref<64x768xf32, #tpu.memory_space<vmem>>, vector<1x16xf32>,
      %get3A_265 = vector.shape_cast %get3A_264 : vector<1x16xf32> to vector<16xf32>
      %mul3A_266 = vector.broadcast %squeeze3A : f32 to vector<16xf32>
      %mul3A_267 = arith.mulf %mul3A_266, %get3A_265 : vector<16xf32>
      %get3A_268 = arith.index_cast %scan3A_21 : i32 to index
      %get3A_269 = arith.constant 208 : index
      %get3A_270 = tpu.vector_load %arg11[%get3A_268, %get3A_269] {strides = array<i32>} : memref<64x768xf32, #tpu.memory_space<vmem>>, vector<1x16xf32>,
      %get3A_271 = vector.shape_cast %get3A_270 : vector<1x16xf32> to vector<16xf32>
      %mul3A_272 = vector.broadcast %squeeze3A_28 : f32 to vector<16xf32>
      %mul3A_273 = arith.mulf %mul3A_272, %get3A_271 : vector<16xf32>
      %add3A_274 = arith.addf %mul3A_267, %mul3A_273 : vector<16xf32>
      %swap3A_275 = arith.index_cast %scan3A_21 : i32 to index
      %swap3A_276 = arith.constant 208 : index
      %swap3A_277 = tpu.vector_load %arg10[%swap3A_275, %swap3A_276] {strides = array<i32>} : memref<64x768xf32, #tpu.memory_space<vmem>>, vector<1x16xf32>,
      %swap3A_278 = vector.shape_cast %swap3A_277 : vector<1x16xf32> to vector<16xf32>
      %swap3A_279 = vector.shape_cast %add3A_274 : vector<16xf32> to vector<1x16xf32>
      tpu.vector_store %arg10[%swap3A_275, %swap3A_276], %swap3A_279 {strides = array<i32>} : memref<64x768xf32, #tpu.memory_space<vmem>>, vector<1x16xf32>,
      %get3A_280 = arith.index_cast %scan3A_21 : i32 to index
      %get3A_281 = arith.constant 224 : index
      %get3A_282 = tpu.vector_load %arg10[%get3A_280, %get3A_281] {strides = array<i32>} : memref<64x768xf32, #tpu.memory_space<vmem>>, vector<1x16xf32>,
      %get3A_283 = vector.shape_cast %get3A_282 : vector<1x16xf32> to vector<16xf32>
      %mul3A_284 = vector.broadcast %squeeze3A : f32 to vector<16xf32>
      %mul3A_285 = arith.mulf %mul3A_284, %get3A_283 : vector<16xf32>
      %get3A_286 = arith.index_cast %scan3A_21 : i32 to index
      %get3A_287 = arith.constant 224 : index
      %get3A_288 = tpu.vector_load %arg11[%get3A_286, %get3A_287] {strides = array<i32>} : memref<64x768xf32, #tpu.memory_space<vmem>>, vector<1x16xf32>,
      %get3A_289 = vector.shape_cast %get3A_288 : vector<1x16xf32> to vector<16xf32>
      %mul3A_290 = vector.broadcast %squeeze3A_28 : f32 to vector<16xf32>
      %mul3A_291 = arith.mulf %mul3A_290, %get3A_289 : vector<16xf32>
      %add3A_292 = arith.addf %mul3A_285, %mul3A_291 : vector<16xf32>
      %swap3A_293 = arith.index_cast %scan3A_21 : i32 to index
      %swap3A_294 = arith.constant 224 : index
      %swap3A_295 = tpu.vector_load %arg10[%swap3A_293, %swap3A_294] {strides = array<i32>} : memref<64x768xf32, #tpu.memory_space<vmem>>, vector<1x16xf32>,
      %swap3A_296 = vector.shape_cast %swap3A_295 : vector<1x16xf32> to vector<16xf32>
      %swap3A_297 = vector.shape_cast %add3A_292 : vector<16xf32> to vector<1x16xf32>
      tpu.vector_store %arg10[%swap3A_293, %swap3A_294], %swap3A_297 {strides = array<i32>} : memref<64x768xf32, #tpu.memory_space<vmem>>, vector<1x16xf32>,
      %get3A_298 = arith.index_cast %scan3A_21 : i32 to index
      %get3A_299 = arith.constant 240 : index
      %get3A_300 = tpu.vector_load %arg10[%get3A_298, %get3A_299] {strides = array<i32>} : memref<64x768xf32, #tpu.memory_space<vmem>>, vector<1x16xf32>,
      %get3A_301 = vector.shape_cast %get3A_300 : vector<1x16xf32> to vector<16xf32>
      %mul3A_302 = vector.broadcast %squeeze3A : f32 to vector<16xf32>
      %mul3A_303 = arith.mulf %mul3A_302, %get3A_301 : vector<16xf32>
      %get3A_304 = arith.index_cast %scan3A_21 : i32 to index
      %get3A_305 = arith.constant 240 : index
      %get3A_306 = tpu.vector_load %arg11[%get3A_304, %get3A_305] {strides = array<i32>} : memref<64x768xf32, #tpu.memory_space<vmem>>, vector<1x16xf32>,
      %get3A_307 = vector.shape_cast %get3A_306 : vector<1x16xf32> to vector<16xf32>
      %mul3A_308 = vector.broadcast %squeeze3A_28 : f32 to vector<16xf32>
      %mul3A_309 = arith.mulf %mul3A_308, %get3A_307 : vector<16xf32>
      %add3A_310 = arith.addf %mul3A_303, %mul3A_309 : vector<16xf32>
      %swap3A_311 = arith.index_cast %scan3A_21 : i32 to index
      %swap3A_312 = arith.constant 240 : index
      %swap3A_313 = tpu.vector_load %arg10[%swap3A_311, %swap3A_312] {strides = array<i32>} : memref<64x768xf32, #tpu.memory_space<vmem>>, vector<1x16xf32>,
      %swap3A_314 = vector.shape_cast %swap3A_313 : vector<1x16xf32> to vector<16xf32>
      %swap3A_315 = vector.shape_cast %add3A_310 : vector<16xf32> to vector<1x16xf32>
      tpu.vector_store %arg10[%swap3A_311, %swap3A_312], %swap3A_315 {strides = array<i32>} : memref<64x768xf32, #tpu.memory_space<vmem>>, vector<1x16xf32>,
      %get3A_316 = arith.index_cast %scan3A_21 : i32 to index
      %get3A_317 = arith.constant 256 : index
      %get3A_318 = tpu.vector_load %arg10[%get3A_316, %get3A_317] {strides = array<i32>} : memref<64x768xf32, #tpu.memory_space<vmem>>, vector<1x16xf32>,
      %get3A_319 = vector.shape_cast %get3A_318 : vector<1x16xf32> to vector<16xf32>
      %mul3A_320 = vector.broadcast %squeeze3A : f32 to vector<16xf32>
      %mul3A_321 = arith.mulf %mul3A_320, %get3A_319 : vector<16xf32>
      %get3A_322 = arith.index_cast %scan3A_21 : i32 to index
      %get3A_323 = arith.constant 256 : index
      %get3A_324 = tpu.vector_load %arg11[%get3A_322, %get3A_323] {strides = array<i32>} : memref<64x768xf32, #tpu.memory_space<vmem>>, vector<1x16xf32>,
      %get3A_325 = vector.shape_cast %get3A_324 : vector<1x16xf32> to vector<16xf32>
      %mul3A_326 = vector.broadcast %squeeze3A_28 : f32 to vector<16xf32>
      %mul3A_327 = arith.mulf %mul3A_326, %get3A_325 : vector<16xf32>
      %add3A_328 = arith.addf %mul3A_321, %mul3A_327 : vector<16xf32>
      %swap3A_329 = arith.index_cast %scan3A_21 : i32 to index
      %swap3A_330 = arith.constant 256 : index
      %swap3A_331 = tpu.vector_load %arg10[%swap3A_329, %swap3A_330] {strides = array<i32>} : memref<64x768xf32, #tpu.memory_space<vmem>>, vector<1x16xf32>,
      %swap3A_332 = vector.shape_cast %swap3A_331 : vector<1x16xf32> to vector<16xf32>
      %swap3A_333 = vector.shape_cast %add3A_328 : vector<16xf32> to vector<1x16xf32>
      tpu.vector_store %arg10[%swap3A_329, %swap3A_330], %swap3A_333 {strides = array<i32>} : memref<64x768xf32, #tpu.memory_space<vmem>>, vector<1x16xf32>,
      %get3A_334 = arith.index_cast %scan3A_21 : i32 to index
      %get3A_335 = arith.constant 272 : index
      %get3A_336 = tpu.vector_load %arg10[%get3A_334, %get3A_335] {strides = array<i32>} : memref<64x768xf32, #tpu.memory_space<vmem>>, vector<1x16xf32>,
      %get3A_337 = vector.shape_cast %get3A_336 : vector<1x16xf32> to vector<16xf32>
      %mul3A_338 = vector.broadcast %squeeze3A : f32 to vector<16xf32>
      %mul3A_339 = arith.mulf %mul3A_338, %get3A_337 : vector<16xf32>
      %get3A_340 = arith.index_cast %scan3A_21 : i32 to index
      %get3A_341 = arith.constant 272 : index
      %get3A_342 = tpu.vector_load %arg11[%get3A_340, %get3A_341] {strides = array<i32>} : memref<64x768xf32, #tpu.memory_space<vmem>>, vector<1x16xf32>,
      %get3A_343 = vector.shape_cast %get3A_342 : vector<1x16xf32> to vector<16xf32>
      %mul3A_344 = vector.broadcast %squeeze3A_28 : f32 to vector<16xf32>
      %mul3A_345 = arith.mulf %mul3A_344, %get3A_343 : vector<16xf32>
      %add3A_346 = arith.addf %mul3A_339, %mul3A_345 : vector<16xf32>
      %swap3A_347 = arith.index_cast %scan3A_21 : i32 to index
      %swap3A_348 = arith.constant 272 : index
      %swap3A_349 = tpu.vector_load %arg10[%swap3A_347, %swap3A_348] {strides = array<i32>} : memref<64x768xf32, #tpu.memory_space<vmem>>, vector<1x16xf32>,
      %swap3A_350 = vector.shape_cast %swap3A_349 : vector<1x16xf32> to vector<16xf32>
      %swap3A_351 = vector.shape_cast %add3A_346 : vector<16xf32> to vector<1x16xf32>
      tpu.vector_store %arg10[%swap3A_347, %swap3A_348], %swap3A_351 {strides = array<i32>} : memref<64x768xf32, #tpu.memory_space<vmem>>, vector<1x16xf32>,
      %get3A_352 = arith.index_cast %scan3A_21 : i32 to index
      %get3A_353 = arith.constant 288 : index
      %get3A_354 = tpu.vector_load %arg10[%get3A_352, %get3A_353] {strides = array<i32>} : memref<64x768xf32, #tpu.memory_space<vmem>>, vector<1x16xf32>,
      %get3A_355 = vector.shape_cast %get3A_354 : vector<1x16xf32> to vector<16xf32>
      %mul3A_356 = vector.broadcast %squeeze3A : f32 to vector<16xf32>
      %mul3A_357 = arith.mulf %mul3A_356, %get3A_355 : vector<16xf32>
      %get3A_358 = arith.index_cast %scan3A_21 : i32 to index
      %get3A_359 = arith.constant 288 : index
      %get3A_360 = tpu.vector_load %arg11[%get3A_358, %get3A_359] {strides = array<i32>} : memref<64x768xf32, #tpu.memory_space<vmem>>, vector<1x16xf32>,
      %get3A_361 = vector.shape_cast %get3A_360 : vector<1x16xf32> to vector<16xf32>
      %mul3A_362 = vector.broadcast %squeeze3A_28 : f32 to vector<16xf32>
      %mul3A_363 = arith.mulf %mul3A_362, %get3A_361 : vector<16xf32>
      %add3A_364 = arith.addf %mul3A_357, %mul3A_363 : vector<16xf32>
      %swap3A_365 = arith.index_cast %scan3A_21 : i32 to index
      %swap3A_366 = arith.constant 288 : index
      %swap3A_367 = tpu.vector_load %arg10[%swap3A_365, %swap3A_366] {strides = array<i32>} : memref<64x768xf32, #tpu.memory_space<vmem>>, vector<1x16xf32>,
      %swap3A_368 = vector.shape_cast %swap3A_367 : vector<1x16xf32> to vector<16xf32>
      %swap3A_369 = vector.shape_cast %add3A_364 : vector<16xf32> to vector<1x16xf32>
      tpu.vector_store %arg10[%swap3A_365, %swap3A_366], %swap3A_369 {strides = array<i32>} : memref<64x768xf32, #tpu.memory_space<vmem>>, vector<1x16xf32>,
      %get3A_370 = arith.index_cast %scan3A_21 : i32 to index
      %get3A_371 = arith.constant 304 : index
      %get3A_372 = tpu.vector_load %arg10[%get3A_370, %get3A_371] {strides = array<i32>} : memref<64x768xf32, #tpu.memory_space<vmem>>, vector<1x16xf32>,
      %get3A_373 = vector.shape_cast %get3A_372 : vector<1x16xf32> to vector<16xf32>
      %mul3A_374 = vector.broadcast %squeeze3A : f32 to vector<16xf32>
      %mul3A_375 = arith.mulf %mul3A_374, %get3A_373 : vector<16xf32>
      %get3A_376 = arith.index_cast %scan3A_21 : i32 to index
      %get3A_377 = arith.constant 304 : index
      %get3A_378 = tpu.vector_load %arg11[%get3A_376, %get3A_377] {strides = array<i32>} : memref<64x768xf32, #tpu.memory_space<vmem>>, vector<1x16xf32>,
      %get3A_379 = vector.shape_cast %get3A_378 : vector<1x16xf32> to vector<16xf32>
      %mul3A_380 = vector.broadcast %squeeze3A_28 : f32 to vector<16xf32>
      %mul3A_381 = arith.mulf %mul3A_380, %get3A_379 : vector<16xf32>
      %add3A_382 = arith.addf %mul3A_375, %mul3A_381 : vector<16xf32>
      %swap3A_383 = arith.index_cast %scan3A_21 : i32 to index
      %swap3A_384 = arith.constant 304 : index
      %swap3A_385 = tpu.vector_load %arg10[%swap3A_383, %swap3A_384] {strides = array<i32>} : memref<64x768xf32, #tpu.memory_space<vmem>>, vector<1x16xf32>,
      %swap3A_386 = vector.shape_cast %swap3A_385 : vector<1x16xf32> to vector<16xf32>
      %swap3A_387 = vector.shape_cast %add3A_382 : vector<16xf32> to vector<1x16xf32>
      tpu.vector_store %arg10[%swap3A_383, %swap3A_384], %swap3A_387 {strides = array<i32>} : memref<64x768xf32, #tpu.memory_space<vmem>>, vector<1x16xf32>,
      %get3A_388 = arith.index_cast %scan3A_21 : i32 to index
      %get3A_389 = arith.constant 320 : index
      %get3A_390 = tpu.vector_load %arg10[%get3A_388, %get3A_389] {strides = array<i32>} : memref<64x768xf32, #tpu.memory_space<vmem>>, vector<1x16xf32>,
      %get3A_391 = vector.shape_cast %get3A_390 : vector<1x16xf32> to vector<16xf32>
      %mul3A_392 = vector.broadcast %squeeze3A : f32 to vector<16xf32>
      %mul3A_393 = arith.mulf %mul3A_392, %get3A_391 : vector<16xf32>
      %get3A_394 = arith.index_cast %scan3A_21 : i32 to index
      %get3A_395 = arith.constant 320 : index
      %get3A_396 = tpu.vector_load %arg11[%get3A_394, %get3A_395] {strides = array<i32>} : memref<64x768xf32, #tpu.memory_space<vmem>>, vector<1x16xf32>,
      %get3A_397 = vector.shape_cast %get3A_396 : vector<1x16xf32> to vector<16xf32>
      %mul3A_398 = vector.broadcast %squeeze3A_28 : f32 to vector<16xf32>
      %mul3A_399 = arith.mulf %mul3A_398, %get3A_397 : vector<16xf32>
      %add3A_400 = arith.addf %mul3A_393, %mul3A_399 : vector<16xf32>
      %swap3A_401 = arith.index_cast %scan3A_21 : i32 to index
      %swap3A_402 = arith.constant 320 : index
      %swap3A_403 = tpu.vector_load %arg10[%swap3A_401, %swap3A_402] {strides = array<i32>} : memref<64x768xf32, #tpu.memory_space<vmem>>, vector<1x16xf32>,
      %swap3A_404 = vector.shape_cast %swap3A_403 : vector<1x16xf32> to vector<16xf32>
      %swap3A_405 = vector.shape_cast %add3A_400 : vector<16xf32> to vector<1x16xf32>
      tpu.vector_store %arg10[%swap3A_401, %swap3A_402], %swap3A_405 {strides = array<i32>} : memref<64x768xf32, #tpu.memory_space<vmem>>, vector<1x16xf32>,
      %get3A_406 = arith.index_cast %scan3A_21 : i32 to index
      %get3A_407 = arith.constant 336 : index
      %get3A_408 = tpu.vector_load %arg10[%get3A_406, %get3A_407] {strides = array<i32>} : memref<64x768xf32, #tpu.memory_space<vmem>>, vector<1x16xf32>,
      %get3A_409 = vector.shape_cast %get3A_408 : vector<1x16xf32> to vector<16xf32>
      %mul3A_410 = vector.broadcast %squeeze3A : f32 to vector<16xf32>
      %mul3A_411 = arith.mulf %mul3A_410, %get3A_409 : vector<16xf32>
      %get3A_412 = arith.index_cast %scan3A_21 : i32 to index
      %get3A_413 = arith.constant 336 : index
      %get3A_414 = tpu.vector_load %arg11[%get3A_412, %get3A_413] {strides = array<i32>} : memref<64x768xf32, #tpu.memory_space<vmem>>, vector<1x16xf32>,
      %get3A_415 = vector.shape_cast %get3A_414 : vector<1x16xf32> to vector<16xf32>
      %mul3A_416 = vector.broadcast %squeeze3A_28 : f32 to vector<16xf32>
      %mul3A_417 = arith.mulf %mul3A_416, %get3A_415 : vector<16xf32>
      %add3A_418 = arith.addf %mul3A_411, %mul3A_417 : vector<16xf32>
      %swap3A_419 = arith.index_cast %scan3A_21 : i32 to index
      %swap3A_420 = arith.constant 336 : index
      %swap3A_421 = tpu.vector_load %arg10[%swap3A_419, %swap3A_420] {strides = array<i32>} : memref<64x768xf32, #tpu.memory_space<vmem>>, vector<1x16xf32>,
      %swap3A_422 = vector.shape_cast %swap3A_421 : vector<1x16xf32> to vector<16xf32>
      %swap3A_423 = vector.shape_cast %add3A_418 : vector<16xf32> to vector<1x16xf32>
      tpu.vector_store %arg10[%swap3A_419, %swap3A_420], %swap3A_423 {strides = array<i32>} : memref<64x768xf32, #tpu.memory_space<vmem>>, vector<1x16xf32>,
      %get3A_424 = arith.index_cast %scan3A_21 : i32 to index
      %get3A_425 = arith.constant 352 : index
      %get3A_426 = tpu.vector_load %arg10[%get3A_424, %get3A_425] {strides = array<i32>} : memref<64x768xf32, #tpu.memory_space<vmem>>, vector<1x16xf32>,
      %get3A_427 = vector.shape_cast %get3A_426 : vector<1x16xf32> to vector<16xf32>
      %mul3A_428 = vector.broadcast %squeeze3A : f32 to vector<16xf32>
      %mul3A_429 = arith.mulf %mul3A_428, %get3A_427 : vector<16xf32>
      %get3A_430 = arith.index_cast %scan3A_21 : i32 to index
      %get3A_431 = arith.constant 352 : index
      %get3A_432 = tpu.vector_load %arg11[%get3A_430, %get3A_431] {strides = array<i32>} : memref<64x768xf32, #tpu.memory_space<vmem>>, vector<1x16xf32>,
      %get3A_433 = vector.shape_cast %get3A_432 : vector<1x16xf32> to vector<16xf32>
      %mul3A_434 = vector.broadcast %squeeze3A_28 : f32 to vector<16xf32>
      %mul3A_435 = arith.mulf %mul3A_434, %get3A_433 : vector<16xf32>
      %add3A_436 = arith.addf %mul3A_429, %mul3A_435 : vector<16xf32>
      %swap3A_437 = arith.index_cast %scan3A_21 : i32 to index
      %swap3A_438 = arith.constant 352 : index
      %swap3A_439 = tpu.vector_load %arg10[%swap3A_437, %swap3A_438] {strides = array<i32>} : memref<64x768xf32, #tpu.memory_space<vmem>>, vector<1x16xf32>,
      %swap3A_440 = vector.shape_cast %swap3A_439 : vector<1x16xf32> to vector<16xf32>
      %swap3A_441 = vector.shape_cast %add3A_436 : vector<16xf32> to vector<1x16xf32>
      tpu.vector_store %arg10[%swap3A_437, %swap3A_438], %swap3A_441 {strides = array<i32>} : memref<64x768xf32, #tpu.memory_space<vmem>>, vector<1x16xf32>,
      %get3A_442 = arith.index_cast %scan3A_21 : i32 to index
      %get3A_443 = arith.constant 368 : index
      %get3A_444 = tpu.vector_load %arg10[%get3A_442, %get3A_443] {strides = array<i32>} : memref<64x768xf32, #tpu.memory_space<vmem>>, vector<1x16xf32>,
      %get3A_445 = vector.shape_cast %get3A_444 : vector<1x16xf32> to vector<16xf32>
      %mul3A_446 = vector.broadcast %squeeze3A : f32 to vector<16xf32>
      %mul3A_447 = arith.mulf %mul3A_446, %get3A_445 : vector<16xf32>
      %get3A_448 = arith.index_cast %scan3A_21 : i32 to index
      %get3A_449 = arith.constant 368 : index
      %get3A_450 = tpu.vector_load %arg11[%get3A_448, %get3A_449] {strides = array<i32>} : memref<64x768xf32, #tpu.memory_space<vmem>>, vector<1x16xf32>,
      %get3A_451 = vector.shape_cast %get3A_450 : vector<1x16xf32> to vector<16xf32>
      %mul3A_452 = vector.broadcast %squeeze3A_28 : f32 to vector<16xf32>
      %mul3A_453 = arith.mulf %mul3A_452, %get3A_451 : vector<16xf32>
      %add3A_454 = arith.addf %mul3A_447, %mul3A_453 : vector<16xf32>
      %swap3A_455 = arith.index_cast %scan3A_21 : i32 to index
      %swap3A_456 = arith.constant 368 : index
      %swap3A_457 = tpu.vector_load %arg10[%swap3A_455, %swap3A_456] {strides = array<i32>} : memref<64x768xf32, #tpu.memory_space<vmem>>, vector<1x16xf32>,
      %swap3A_458 = vector.shape_cast %swap3A_457 : vector<1x16xf32> to vector<16xf32>
      %swap3A_459 = vector.shape_cast %add3A_454 : vector<16xf32> to vector<1x16xf32>
      tpu.vector_store %arg10[%swap3A_455, %swap3A_456], %swap3A_459 {strides = array<i32>} : memref<64x768xf32, #tpu.memory_space<vmem>>, vector<1x16xf32>,
      %get3A_460 = arith.index_cast %scan3A_21 : i32 to index
      %get3A_461 = arith.constant 384 : index
      %get3A_462 = tpu.vector_load %arg10[%get3A_460, %get3A_461] {strides = array<i32>} : memref<64x768xf32, #tpu.memory_space<vmem>>, vector<1x16xf32>,
      %get3A_463 = vector.shape_cast %get3A_462 : vector<1x16xf32> to vector<16xf32>
      %mul3A_464 = vector.broadcast %squeeze3A : f32 to vector<16xf32>
      %mul3A_465 = arith.mulf %mul3A_464, %get3A_463 : vector<16xf32>
      %get3A_466 = arith.index_cast %scan3A_21 : i32 to index
      %get3A_467 = arith.constant 384 : index
      %get3A_468 = tpu.vector_load %arg11[%get3A_466, %get3A_467] {strides = array<i32>} : memref<64x768xf32, #tpu.memory_space<vmem>>, vector<1x16xf32>,
      %get3A_469 = vector.shape_cast %get3A_468 : vector<1x16xf32> to vector<16xf32>
      %mul3A_470 = vector.broadcast %squeeze3A_28 : f32 to vector<16xf32>
      %mul3A_471 = arith.mulf %mul3A_470, %get3A_469 : vector<16xf32>
      %add3A_472 = arith.addf %mul3A_465, %mul3A_471 : vector<16xf32>
      %swap3A_473 = arith.index_cast %scan3A_21 : i32 to index
      %swap3A_474 = arith.constant 384 : index
      %swap3A_475 = tpu.vector_load %arg10[%swap3A_473, %swap3A_474] {strides = array<i32>} : memref<64x768xf32, #tpu.memory_space<vmem>>, vector<1x16xf32>,
      %swap3A_476 = vector.shape_cast %swap3A_475 : vector<1x16xf32> to vector<16xf32>
      %swap3A_477 = vector.shape_cast %add3A_472 : vector<16xf32> to vector<1x16xf32>
      tpu.vector_store %arg10[%swap3A_473, %swap3A_474], %swap3A_477 {strides = array<i32>} : memref<64x768xf32, #tpu.memory_space<vmem>>, vector<1x16xf32>,
      %get3A_478 = arith.index_cast %scan3A_21 : i32 to index
      %get3A_479 = arith.constant 400 : index
      %get3A_480 = tpu.vector_load %arg10[%get3A_478, %get3A_479] {strides = array<i32>} : memref<64x768xf32, #tpu.memory_space<vmem>>, vector<1x16xf32>,
      %get3A_481 = vector.shape_cast %get3A_480 : vector<1x16xf32> to vector<16xf32>
      %mul3A_482 = vector.broadcast %squeeze3A : f32 to vector<16xf32>
      %mul3A_483 = arith.mulf %mul3A_482, %get3A_481 : vector<16xf32>
      %get3A_484 = arith.index_cast %scan3A_21 : i32 to index
      %get3A_485 = arith.constant 400 : index
      %get3A_486 = tpu.vector_load %arg11[%get3A_484, %get3A_485] {strides = array<i32>} : memref<64x768xf32, #tpu.memory_space<vmem>>, vector<1x16xf32>,
      %get3A_487 = vector.shape_cast %get3A_486 : vector<1x16xf32> to vector<16xf32>
      %mul3A_488 = vector.broadcast %squeeze3A_28 : f32 to vector<16xf32>
      %mul3A_489 = arith.mulf %mul3A_488, %get3A_487 : vector<16xf32>
      %add3A_490 = arith.addf %mul3A_483, %mul3A_489 : vector<16xf32>
      %swap3A_491 = arith.index_cast %scan3A_21 : i32 to index
      %swap3A_492 = arith.constant 400 : index
      %swap3A_493 = tpu.vector_load %arg10[%swap3A_491, %swap3A_492] {strides = array<i32>} : memref<64x768xf32, #tpu.memory_space<vmem>>, vector<1x16xf32>,
      %swap3A_494 = vector.shape_cast %swap3A_493 : vector<1x16xf32> to vector<16xf32>
      %swap3A_495 = vector.shape_cast %add3A_490 : vector<16xf32> to vector<1x16xf32>
      tpu.vector_store %arg10[%swap3A_491, %swap3A_492], %swap3A_495 {strides = array<i32>} : memref<64x768xf32, #tpu.memory_space<vmem>>, vector<1x16xf32>,
      %get3A_496 = arith.index_cast %scan3A_21 : i32 to index
      %get3A_497 = arith.constant 416 : index
      %get3A_498 = tpu.vector_load %arg10[%get3A_496, %get3A_497] {strides = array<i32>} : memref<64x768xf32, #tpu.memory_space<vmem>>, vector<1x16xf32>,
      %get3A_499 = vector.shape_cast %get3A_498 : vector<1x16xf32> to vector<16xf32>
      %mul3A_500 = vector.broadcast %squeeze3A : f32 to vector<16xf32>
      %mul3A_501 = arith.mulf %mul3A_500, %get3A_499 : vector<16xf32>
      %get3A_502 = arith.index_cast %scan3A_21 : i32 to index
      %get3A_503 = arith.constant 416 : index
      %get3A_504 = tpu.vector_load %arg11[%get3A_502, %get3A_503] {strides = array<i32>} : memref<64x768xf32, #tpu.memory_space<vmem>>, vector<1x16xf32>,
      %get3A_505 = vector.shape_cast %get3A_504 : vector<1x16xf32> to vector<16xf32>
      %mul3A_506 = vector.broadcast %squeeze3A_28 : f32 to vector<16xf32>
      %mul3A_507 = arith.mulf %mul3A_506, %get3A_505 : vector<16xf32>
      %add3A_508 = arith.addf %mul3A_501, %mul3A_507 : vector<16xf32>
      %swap3A_509 = arith.index_cast %scan3A_21 : i32 to index
      %swap3A_510 = arith.constant 416 : index
      %swap3A_511 = tpu.vector_load %arg10[%swap3A_509, %swap3A_510] {strides = array<i32>} : memref<64x768xf32, #tpu.memory_space<vmem>>, vector<1x16xf32>,
      %swap3A_512 = vector.shape_cast %swap3A_511 : vector<1x16xf32> to vector<16xf32>
      %swap3A_513 = vector.shape_cast %add3A_508 : vector<16xf32> to vector<1x16xf32>
      tpu.vector_store %arg10[%swap3A_509, %swap3A_510], %swap3A_513 {strides = array<i32>} : memref<64x768xf32, #tpu.memory_space<vmem>>, vector<1x16xf32>,
      %get3A_514 = arith.index_cast %scan3A_21 : i32 to index
      %get3A_515 = arith.constant 432 : index
      %get3A_516 = tpu.vector_load %arg10[%get3A_514, %get3A_515] {strides = array<i32>} : memref<64x768xf32, #tpu.memory_space<vmem>>, vector<1x16xf32>,
      %get3A_517 = vector.shape_cast %get3A_516 : vector<1x16xf32> to vector<16xf32>
      %mul3A_518 = vector.broadcast %squeeze3A : f32 to vector<16xf32>
      %mul3A_519 = arith.mulf %mul3A_518, %get3A_517 : vector<16xf32>
      %get3A_520 = arith.index_cast %scan3A_21 : i32 to index
      %get3A_521 = arith.constant 432 : index
      %get3A_522 = tpu.vector_load %arg11[%get3A_520, %get3A_521] {strides = array<i32>} : memref<64x768xf32, #tpu.memory_space<vmem>>, vector<1x16xf32>,
      %get3A_523 = vector.shape_cast %get3A_522 : vector<1x16xf32> to vector<16xf32>
      %mul3A_524 = vector.broadcast %squeeze3A_28 : f32 to vector<16xf32>
      %mul3A_525 = arith.mulf %mul3A_524, %get3A_523 : vector<16xf32>
      %add3A_526 = arith.addf %mul3A_519, %mul3A_525 : vector<16xf32>
      %swap3A_527 = arith.index_cast %scan3A_21 : i32 to index
      %swap3A_528 = arith.constant 432 : index
      %swap3A_529 = tpu.vector_load %arg10[%swap3A_527, %swap3A_528] {strides = array<i32>} : memref<64x768xf32, #tpu.memory_space<vmem>>, vector<1x16xf32>,
      %swap3A_530 = vector.shape_cast %swap3A_529 : vector<1x16xf32> to vector<16xf32>
      %swap3A_531 = vector.shape_cast %add3A_526 : vector<16xf32> to vector<1x16xf32>
      tpu.vector_store %arg10[%swap3A_527, %swap3A_528], %swap3A_531 {strides = array<i32>} : memref<64x768xf32, #tpu.memory_space<vmem>>, vector<1x16xf32>,
      %get3A_532 = arith.index_cast %scan3A_21 : i32 to index
      %get3A_533 = arith.constant 448 : index
      %get3A_534 = tpu.vector_load %arg10[%get3A_532, %get3A_533] {strides = array<i32>} : memref<64x768xf32, #tpu.memory_space<vmem>>, vector<1x16xf32>,
      %get3A_535 = vector.shape_cast %get3A_534 : vector<1x16xf32> to vector<16xf32>
      %mul3A_536 = vector.broadcast %squeeze3A : f32 to vector<16xf32>
      %mul3A_537 = arith.mulf %mul3A_536, %get3A_535 : vector<16xf32>
      %get3A_538 = arith.index_cast %scan3A_21 : i32 to index
      %get3A_539 = arith.constant 448 : index
      %get3A_540 = tpu.vector_load %arg11[%get3A_538, %get3A_539] {strides = array<i32>} : memref<64x768xf32, #tpu.memory_space<vmem>>, vector<1x16xf32>,
      %get3A_541 = vector.shape_cast %get3A_540 : vector<1x16xf32> to vector<16xf32>
      %mul3A_542 = vector.broadcast %squeeze3A_28 : f32 to vector<16xf32>
      %mul3A_543 = arith.mulf %mul3A_542, %get3A_541 : vector<16xf32>
      %add3A_544 = arith.addf %mul3A_537, %mul3A_543 : vector<16xf32>
      %swap3A_545 = arith.index_cast %scan3A_21 : i32 to index
      %swap3A_546 = arith.constant 448 : index
      %swap3A_547 = tpu.vector_load %arg10[%swap3A_545, %swap3A_546] {strides = array<i32>} : memref<64x768xf32, #tpu.memory_space<vmem>>, vector<1x16xf32>,
      %swap3A_548 = vector.shape_cast %swap3A_547 : vector<1x16xf32> to vector<16xf32>
      %swap3A_549 = vector.shape_cast %add3A_544 : vector<16xf32> to vector<1x16xf32>
      tpu.vector_store %arg10[%swap3A_545, %swap3A_546], %swap3A_549 {strides = array<i32>} : memref<64x768xf32, #tpu.memory_space<vmem>>, vector<1x16xf32>,
      %get3A_550 = arith.index_cast %scan3A_21 : i32 to index
      %get3A_551 = arith.constant 464 : index
      %get3A_552 = tpu.vector_load %arg10[%get3A_550, %get3A_551] {strides = array<i32>} : memref<64x768xf32, #tpu.memory_space<vmem>>, vector<1x16xf32>,
      %get3A_553 = vector.shape_cast %get3A_552 : vector<1x16xf32> to vector<16xf32>
      %mul3A_554 = vector.broadcast %squeeze3A : f32 to vector<16xf32>
      %mul3A_555 = arith.mulf %mul3A_554, %get3A_553 : vector<16xf32>
      %get3A_556 = arith.index_cast %scan3A_21 : i32 to index
      %get3A_557 = arith.constant 464 : index
      %get3A_558 = tpu.vector_load %arg11[%get3A_556, %get3A_557] {strides = array<i32>} : memref<64x768xf32, #tpu.memory_space<vmem>>, vector<1x16xf32>,
      %get3A_559 = vector.shape_cast %get3A_558 : vector<1x16xf32> to vector<16xf32>
      %mul3A_560 = vector.broadcast %squeeze3A_28 : f32 to vector<16xf32>
      %mul3A_561 = arith.mulf %mul3A_560, %get3A_559 : vector<16xf32>
      %add3A_562 = arith.addf %mul3A_555, %mul3A_561 : vector<16xf32>
      %swap3A_563 = arith.index_cast %scan3A_21 : i32 to index
      %swap3A_564 = arith.constant 464 : index
      %swap3A_565 = tpu.vector_load %arg10[%swap3A_563, %swap3A_564] {strides = array<i32>} : memref<64x768xf32, #tpu.memory_space<vmem>>, vector<1x16xf32>,
      %swap3A_566 = vector.shape_cast %swap3A_565 : vector<1x16xf32> to vector<16xf32>
      %swap3A_567 = vector.shape_cast %add3A_562 : vector<16xf32> to vector<1x16xf32>
      tpu.vector_store %arg10[%swap3A_563, %swap3A_564], %swap3A_567 {strides = array<i32>} : memref<64x768xf32, #tpu.memory_space<vmem>>, vector<1x16xf32>,
      %get3A_568 = arith.index_cast %scan3A_21 : i32 to index
      %get3A_569 = arith.constant 480 : index
      %get3A_570 = tpu.vector_load %arg10[%get3A_568, %get3A_569] {strides = array<i32>} : memref<64x768xf32, #tpu.memory_space<vmem>>, vector<1x16xf32>,
      %get3A_571 = vector.shape_cast %get3A_570 : vector<1x16xf32> to vector<16xf32>
      %mul3A_572 = vector.broadcast %squeeze3A : f32 to vector<16xf32>
      %mul3A_573 = arith.mulf %mul3A_572, %get3A_571 : vector<16xf32>
      %get3A_574 = arith.index_cast %scan3A_21 : i32 to index
      %get3A_575 = arith.constant 480 : index
      %get3A_576 = tpu.vector_load %arg11[%get3A_574, %get3A_575] {strides = array<i32>} : memref<64x768xf32, #tpu.memory_space<vmem>>, vector<1x16xf32>,
      %get3A_577 = vector.shape_cast %get3A_576 : vector<1x16xf32> to vector<16xf32>
      %mul3A_578 = vector.broadcast %squeeze3A_28 : f32 to vector<16xf32>
      %mul3A_579 = arith.mulf %mul3A_578, %get3A_577 : vector<16xf32>
      %add3A_580 = arith.addf %mul3A_573, %mul3A_579 : vector<16xf32>
      %swap3A_581 = arith.index_cast %scan3A_21 : i32 to index
      %swap3A_582 = arith.constant 480 : index
      %swap3A_583 = tpu.vector_load %arg10[%swap3A_581, %swap3A_582] {strides = array<i32>} : memref<64x768xf32, #tpu.memory_space<vmem>>, vector<1x16xf32>,
      %swap3A_584 = vector.shape_cast %swap3A_583 : vector<1x16xf32> to vector<16xf32>
      %swap3A_585 = vector.shape_cast %add3A_580 : vector<16xf32> to vector<1x16xf32>
      tpu.vector_store %arg10[%swap3A_581, %swap3A_582], %swap3A_585 {strides = array<i32>} : memref<64x768xf32, #tpu.memory_space<vmem>>, vector<1x16xf32>,
      %get3A_586 = arith.index_cast %scan3A_21 : i32 to index
      %get3A_587 = arith.constant 496 : index
      %get3A_588 = tpu.vector_load %arg10[%get3A_586, %get3A_587] {strides = array<i32>} : memref<64x768xf32, #tpu.memory_space<vmem>>, vector<1x16xf32>,
      %get3A_589 = vector.shape_cast %get3A_588 : vector<1x16xf32> to vector<16xf32>
      %mul3A_590 = vector.broadcast %squeeze3A : f32 to vector<16xf32>
      %mul3A_591 = arith.mulf %mul3A_590, %get3A_589 : vector<16xf32>
      %get3A_592 = arith.index_cast %scan3A_21 : i32 to index
      %get3A_593 = arith.constant 496 : index
      %get3A_594 = tpu.vector_load %arg11[%get3A_592, %get3A_593] {strides = array<i32>} : memref<64x768xf32, #tpu.memory_space<vmem>>, vector<1x16xf32>,
      %get3A_595 = vector.shape_cast %get3A_594 : vector<1x16xf32> to vector<16xf32>
      %mul3A_596 = vector.broadcast %squeeze3A_28 : f32 to vector<16xf32>
      %mul3A_597 = arith.mulf %mul3A_596, %get3A_595 : vector<16xf32>
      %add3A_598 = arith.addf %mul3A_591, %mul3A_597 : vector<16xf32>
      %swap3A_599 = arith.index_cast %scan3A_21 : i32 to index
      %swap3A_600 = arith.constant 496 : index
      %swap3A_601 = tpu.vector_load %arg10[%swap3A_599, %swap3A_600] {strides = array<i32>} : memref<64x768xf32, #tpu.memory_space<vmem>>, vector<1x16xf32>,
      %swap3A_602 = vector.shape_cast %swap3A_601 : vector<1x16xf32> to vector<16xf32>
      %swap3A_603 = vector.shape_cast %add3A_598 : vector<16xf32> to vector<1x16xf32>
      tpu.vector_store %arg10[%swap3A_599, %swap3A_600], %swap3A_603 {strides = array<i32>} : memref<64x768xf32, #tpu.memory_space<vmem>>, vector<1x16xf32>,
      %get3A_604 = arith.index_cast %scan3A_21 : i32 to index
      %get3A_605 = arith.constant 512 : index
      %get3A_606 = tpu.vector_load %arg10[%get3A_604, %get3A_605] {strides = array<i32>} : memref<64x768xf32, #tpu.memory_space<vmem>>, vector<1x16xf32>,
      %get3A_607 = vector.shape_cast %get3A_606 : vector<1x16xf32> to vector<16xf32>
      %mul3A_608 = vector.broadcast %squeeze3A : f32 to vector<16xf32>
      %mul3A_609 = arith.mulf %mul3A_608, %get3A_607 : vector<16xf32>
      %get3A_610 = arith.index_cast %scan3A_21 : i32 to index
      %get3A_611 = arith.constant 512 : index
      %get3A_612 = tpu.vector_load %arg11[%get3A_610, %get3A_611] {strides = array<i32>} : memref<64x768xf32, #tpu.memory_space<vmem>>, vector<1x16xf32>,
      %get3A_613 = vector.shape_cast %get3A_612 : vector<1x16xf32> to vector<16xf32>
      %mul3A_614 = vector.broadcast %squeeze3A_28 : f32 to vector<16xf32>
      %mul3A_615 = arith.mulf %mul3A_614, %get3A_613 : vector<16xf32>
      %add3A_616 = arith.addf %mul3A_609, %mul3A_615 : vector<16xf32>
      %swap3A_617 = arith.index_cast %scan3A_21 : i32 to index
      %swap3A_618 = arith.constant 512 : index
      %swap3A_619 = tpu.vector_load %arg10[%swap3A_617, %swap3A_618] {strides = array<i32>} : memref<64x768xf32, #tpu.memory_space<vmem>>, vector<1x16xf32>,
      %swap3A_620 = vector.shape_cast %swap3A_619 : vector<1x16xf32> to vector<16xf32>
      %swap3A_621 = vector.shape_cast %add3A_616 : vector<16xf32> to vector<1x16xf32>
      tpu.vector_store %arg10[%swap3A_617, %swap3A_618], %swap3A_621 {strides = array<i32>} : memref<64x768xf32, #tpu.memory_space<vmem>>, vector<1x16xf32>,
      %get3A_622 = arith.index_cast %scan3A_21 : i32 to index
      %get3A_623 = arith.constant 528 : index
      %get3A_624 = tpu.vector_load %arg10[%get3A_622, %get3A_623] {strides = array<i32>} : memref<64x768xf32, #tpu.memory_space<vmem>>, vector<1x16xf32>,
      %get3A_625 = vector.shape_cast %get3A_624 : vector<1x16xf32> to vector<16xf32>
      %mul3A_626 = vector.broadcast %squeeze3A : f32 to vector<16xf32>
      %mul3A_627 = arith.mulf %mul3A_626, %get3A_625 : vector<16xf32>
      %get3A_628 = arith.index_cast %scan3A_21 : i32 to index
      %get3A_629 = arith.constant 528 : index
      %get3A_630 = tpu.vector_load %arg11[%get3A_628, %get3A_629] {strides = array<i32>} : memref<64x768xf32, #tpu.memory_space<vmem>>, vector<1x16xf32>,
      %get3A_631 = vector.shape_cast %get3A_630 : vector<1x16xf32> to vector<16xf32>
      %mul3A_632 = vector.broadcast %squeeze3A_28 : f32 to vector<16xf32>
      %mul3A_633 = arith.mulf %mul3A_632, %get3A_631 : vector<16xf32>
      %add3A_634 = arith.addf %mul3A_627, %mul3A_633 : vector<16xf32>
      %swap3A_635 = arith.index_cast %scan3A_21 : i32 to index
      %swap3A_636 = arith.constant 528 : index
      %swap3A_637 = tpu.vector_load %arg10[%swap3A_635, %swap3A_636] {strides = array<i32>} : memref<64x768xf32, #tpu.memory_space<vmem>>, vector<1x16xf32>,
      %swap3A_638 = vector.shape_cast %swap3A_637 : vector<1x16xf32> to vector<16xf32>
      %swap3A_639 = vector.shape_cast %add3A_634 : vector<16xf32> to vector<1x16xf32>
      tpu.vector_store %arg10[%swap3A_635, %swap3A_636], %swap3A_639 {strides = array<i32>} : memref<64x768xf32, #tpu.memory_space<vmem>>, vector<1x16xf32>,
      %get3A_640 = arith.index_cast %scan3A_21 : i32 to index
      %get3A_641 = arith.constant 544 : index
      %get3A_642 = tpu.vector_load %arg10[%get3A_640, %get3A_641] {strides = array<i32>} : memref<64x768xf32, #tpu.memory_space<vmem>>, vector<1x16xf32>,
      %get3A_643 = vector.shape_cast %get3A_642 : vector<1x16xf32> to vector<16xf32>
      %mul3A_644 = vector.broadcast %squeeze3A : f32 to vector<16xf32>
      %mul3A_645 = arith.mulf %mul3A_644, %get3A_643 : vector<16xf32>
      %get3A_646 = arith.index_cast %scan3A_21 : i32 to index
      %get3A_647 = arith.constant 544 : index
      %get3A_648 = tpu.vector_load %arg11[%get3A_646, %get3A_647] {strides = array<i32>} : memref<64x768xf32, #tpu.memory_space<vmem>>, vector<1x16xf32>,
      %get3A_649 = vector.shape_cast %get3A_648 : vector<1x16xf32> to vector<16xf32>
      %mul3A_650 = vector.broadcast %squeeze3A_28 : f32 to vector<16xf32>
      %mul3A_651 = arith.mulf %mul3A_650, %get3A_649 : vector<16xf32>
      %add3A_652 = arith.addf %mul3A_645, %mul3A_651 : vector<16xf32>
      %swap3A_653 = arith.index_cast %scan3A_21 : i32 to index
      %swap3A_654 = arith.constant 544 : index
      %swap3A_655 = tpu.vector_load %arg10[%swap3A_653, %swap3A_654] {strides = array<i32>} : memref<64x768xf32, #tpu.memory_space<vmem>>, vector<1x16xf32>,
      %swap3A_656 = vector.shape_cast %swap3A_655 : vector<1x16xf32> to vector<16xf32>
      %swap3A_657 = vector.shape_cast %add3A_652 : vector<16xf32> to vector<1x16xf32>
      tpu.vector_store %arg10[%swap3A_653, %swap3A_654], %swap3A_657 {strides = array<i32>} : memref<64x768xf32, #tpu.memory_space<vmem>>, vector<1x16xf32>,
      %get3A_658 = arith.index_cast %scan3A_21 : i32 to index
      %get3A_659 = arith.constant 560 : index
      %get3A_660 = tpu.vector_load %arg10[%get3A_658, %get3A_659] {strides = array<i32>} : memref<64x768xf32, #tpu.memory_space<vmem>>, vector<1x16xf32>,
      %get3A_661 = vector.shape_cast %get3A_660 : vector<1x16xf32> to vector<16xf32>
      %mul3A_662 = vector.broadcast %squeeze3A : f32 to vector<16xf32>
      %mul3A_663 = arith.mulf %mul3A_662, %get3A_661 : vector<16xf32>
      %get3A_664 = arith.index_cast %scan3A_21 : i32 to index
      %get3A_665 = arith.constant 560 : index
      %get3A_666 = tpu.vector_load %arg11[%get3A_664, %get3A_665] {strides = array<i32>} : memref<64x768xf32, #tpu.memory_space<vmem>>, vector<1x16xf32>,
      %get3A_667 = vector.shape_cast %get3A_666 : vector<1x16xf32> to vector<16xf32>
      %mul3A_668 = vector.broadcast %squeeze3A_28 : f32 to vector<16xf32>
      %mul3A_669 = arith.mulf %mul3A_668, %get3A_667 : vector<16xf32>
      %add3A_670 = arith.addf %mul3A_663, %mul3A_669 : vector<16xf32>
      %swap3A_671 = arith.index_cast %scan3A_21 : i32 to index
      %swap3A_672 = arith.constant 560 : index
      %swap3A_673 = tpu.vector_load %arg10[%swap3A_671, %swap3A_672] {strides = array<i32>} : memref<64x768xf32, #tpu.memory_space<vmem>>, vector<1x16xf32>,
      %swap3A_674 = vector.shape_cast %swap3A_673 : vector<1x16xf32> to vector<16xf32>
      %swap3A_675 = vector.shape_cast %add3A_670 : vector<16xf32> to vector<1x16xf32>
      tpu.vector_store %arg10[%swap3A_671, %swap3A_672], %swap3A_675 {strides = array<i32>} : memref<64x768xf32, #tpu.memory_space<vmem>>, vector<1x16xf32>,
      %get3A_676 = arith.index_cast %scan3A_21 : i32 to index
      %get3A_677 = arith.constant 576 : index
      %get3A_678 = tpu.vector_load %arg10[%get3A_676, %get3A_677] {strides = array<i32>} : memref<64x768xf32, #tpu.memory_space<vmem>>, vector<1x16xf32>,
      %get3A_679 = vector.shape_cast %get3A_678 : vector<1x16xf32> to vector<16xf32>
      %mul3A_680 = vector.broadcast %squeeze3A : f32 to vector<16xf32>
      %mul3A_681 = arith.mulf %mul3A_680, %get3A_679 : vector<16xf32>
      %get3A_682 = arith.index_cast %scan3A_21 : i32 to index
      %get3A_683 = arith.constant 576 : index
      %get3A_684 = tpu.vector_load %arg11[%get3A_682, %get3A_683] {strides = array<i32>} : memref<64x768xf32, #tpu.memory_space<vmem>>, vector<1x16xf32>,
      %get3A_685 = vector.shape_cast %get3A_684 : vector<1x16xf32> to vector<16xf32>
      %mul3A_686 = vector.broadcast %squeeze3A_28 : f32 to vector<16xf32>
      %mul3A_687 = arith.mulf %mul3A_686, %get3A_685 : vector<16xf32>
      %add3A_688 = arith.addf %mul3A_681, %mul3A_687 : vector<16xf32>
      %swap3A_689 = arith.index_cast %scan3A_21 : i32 to index
      %swap3A_690 = arith.constant 576 : index
      %swap3A_691 = tpu.vector_load %arg10[%swap3A_689, %swap3A_690] {strides = array<i32>} : memref<64x768xf32, #tpu.memory_space<vmem>>, vector<1x16xf32>,
      %swap3A_692 = vector.shape_cast %swap3A_691 : vector<1x16xf32> to vector<16xf32>
      %swap3A_693 = vector.shape_cast %add3A_688 : vector<16xf32> to vector<1x16xf32>
      tpu.vector_store %arg10[%swap3A_689, %swap3A_690], %swap3A_693 {strides = array<i32>} : memref<64x768xf32, #tpu.memory_space<vmem>>, vector<1x16xf32>,
      %get3A_694 = arith.index_cast %scan3A_21 : i32 to index
      %get3A_695 = arith.constant 592 : index
      %get3A_696 = tpu.vector_load %arg10[%get3A_694, %get3A_695] {strides = array<i32>} : memref<64x768xf32, #tpu.memory_space<vmem>>, vector<1x16xf32>,
      %get3A_697 = vector.shape_cast %get3A_696 : vector<1x16xf32> to vector<16xf32>
      %mul3A_698 = vector.broadcast %squeeze3A : f32 to vector<16xf32>
      %mul3A_699 = arith.mulf %mul3A_698, %get3A_697 : vector<16xf32>
      %get3A_700 = arith.index_cast %scan3A_21 : i32 to index
      %get3A_701 = arith.constant 592 : index
      %get3A_702 = tpu.vector_load %arg11[%get3A_700, %get3A_701] {strides = array<i32>} : memref<64x768xf32, #tpu.memory_space<vmem>>, vector<1x16xf32>,
      %get3A_703 = vector.shape_cast %get3A_702 : vector<1x16xf32> to vector<16xf32>
      %mul3A_704 = vector.broadcast %squeeze3A_28 : f32 to vector<16xf32>
      %mul3A_705 = arith.mulf %mul3A_704, %get3A_703 : vector<16xf32>
      %add3A_706 = arith.addf %mul3A_699, %mul3A_705 : vector<16xf32>
      %swap3A_707 = arith.index_cast %scan3A_21 : i32 to index
      %swap3A_708 = arith.constant 592 : index
      %swap3A_709 = tpu.vector_load %arg10[%swap3A_707, %swap3A_708] {strides = array<i32>} : memref<64x768xf32, #tpu.memory_space<vmem>>, vector<1x16xf32>,
      %swap3A_710 = vector.shape_cast %swap3A_709 : vector<1x16xf32> to vector<16xf32>
      %swap3A_711 = vector.shape_cast %add3A_706 : vector<16xf32> to vector<1x16xf32>
      tpu.vector_store %arg10[%swap3A_707, %swap3A_708], %swap3A_711 {strides = array<i32>} : memref<64x768xf32, #tpu.memory_space<vmem>>, vector<1x16xf32>,
      %get3A_712 = arith.index_cast %scan3A_21 : i32 to index
      %get3A_713 = arith.constant 608 : index
      %get3A_714 = tpu.vector_load %arg10[%get3A_712, %get3A_713] {strides = array<i32>} : memref<64x768xf32, #tpu.memory_space<vmem>>, vector<1x16xf32>,
      %get3A_715 = vector.shape_cast %get3A_714 : vector<1x16xf32> to vector<16xf32>
      %mul3A_716 = vector.broadcast %squeeze3A : f32 to vector<16xf32>
      %mul3A_717 = arith.mulf %mul3A_716, %get3A_715 : vector<16xf32>
      %get3A_718 = arith.index_cast %scan3A_21 : i32 to index
      %get3A_719 = arith.constant 608 : index
      %get3A_720 = tpu.vector_load %arg11[%get3A_718, %get3A_719] {strides = array<i32>} : memref<64x768xf32, #tpu.memory_space<vmem>>, vector<1x16xf32>,
      %get3A_721 = vector.shape_cast %get3A_720 : vector<1x16xf32> to vector<16xf32>
      %mul3A_722 = vector.broadcast %squeeze3A_28 : f32 to vector<16xf32>
      %mul3A_723 = arith.mulf %mul3A_722, %get3A_721 : vector<16xf32>
      %add3A_724 = arith.addf %mul3A_717, %mul3A_723 : vector<16xf32>
      %swap3A_725 = arith.index_cast %scan3A_21 : i32 to index
      %swap3A_726 = arith.constant 608 : index
      %swap3A_727 = tpu.vector_load %arg10[%swap3A_725, %swap3A_726] {strides = array<i32>} : memref<64x768xf32, #tpu.memory_space<vmem>>, vector<1x16xf32>,
      %swap3A_728 = vector.shape_cast %swap3A_727 : vector<1x16xf32> to vector<16xf32>
      %swap3A_729 = vector.shape_cast %add3A_724 : vector<16xf32> to vector<1x16xf32>
      tpu.vector_store %arg10[%swap3A_725, %swap3A_726], %swap3A_729 {strides = array<i32>} : memref<64x768xf32, #tpu.memory_space<vmem>>, vector<1x16xf32>,
      %get3A_730 = arith.index_cast %scan3A_21 : i32 to index
      %get3A_731 = arith.constant 624 : index
      %get3A_732 = tpu.vector_load %arg10[%get3A_730, %get3A_731] {strides = array<i32>} : memref<64x768xf32, #tpu.memory_space<vmem>>, vector<1x16xf32>,
      %get3A_733 = vector.shape_cast %get3A_732 : vector<1x16xf32> to vector<16xf32>
      %mul3A_734 = vector.broadcast %squeeze3A : f32 to vector<16xf32>
      %mul3A_735 = arith.mulf %mul3A_734, %get3A_733 : vector<16xf32>
      %get3A_736 = arith.index_cast %scan3A_21 : i32 to index
      %get3A_737 = arith.constant 624 : index
      %get3A_738 = tpu.vector_load %arg11[%get3A_736, %get3A_737] {strides = array<i32>} : memref<64x768xf32, #tpu.memory_space<vmem>>, vector<1x16xf32>,
      %get3A_739 = vector.shape_cast %get3A_738 : vector<1x16xf32> to vector<16xf32>
      %mul3A_740 = vector.broadcast %squeeze3A_28 : f32 to vector<16xf32>
      %mul3A_741 = arith.mulf %mul3A_740, %get3A_739 : vector<16xf32>
      %add3A_742 = arith.addf %mul3A_735, %mul3A_741 : vector<16xf32>
      %swap3A_743 = arith.index_cast %scan3A_21 : i32 to index
      %swap3A_744 = arith.constant 624 : index
      %swap3A_745 = tpu.vector_load %arg10[%swap3A_743, %swap3A_744] {strides = array<i32>} : memref<64x768xf32, #tpu.memory_space<vmem>>, vector<1x16xf32>,
      %swap3A_746 = vector.shape_cast %swap3A_745 : vector<1x16xf32> to vector<16xf32>
      %swap3A_747 = vector.shape_cast %add3A_742 : vector<16xf32> to vector<1x16xf32>
      tpu.vector_store %arg10[%swap3A_743, %swap3A_744], %swap3A_747 {strides = array<i32>} : memref<64x768xf32, #tpu.memory_space<vmem>>, vector<1x16xf32>,
      %get3A_748 = arith.index_cast %scan3A_21 : i32 to index
      %get3A_749 = arith.constant 640 : index
      %get3A_750 = tpu.vector_load %arg10[%get3A_748, %get3A_749] {strides = array<i32>} : memref<64x768xf32, #tpu.memory_space<vmem>>, vector<1x16xf32>,
      %get3A_751 = vector.shape_cast %get3A_750 : vector<1x16xf32> to vector<16xf32>
      %mul3A_752 = vector.broadcast %squeeze3A : f32 to vector<16xf32>
      %mul3A_753 = arith.mulf %mul3A_752, %get3A_751 : vector<16xf32>
      %get3A_754 = arith.index_cast %scan3A_21 : i32 to index
      %get3A_755 = arith.constant 640 : index
      %get3A_756 = tpu.vector_load %arg11[%get3A_754, %get3A_755] {strides = array<i32>} : memref<64x768xf32, #tpu.memory_space<vmem>>, vector<1x16xf32>,
      %get3A_757 = vector.shape_cast %get3A_756 : vector<1x16xf32> to vector<16xf32>
      %mul3A_758 = vector.broadcast %squeeze3A_28 : f32 to vector<16xf32>
      %mul3A_759 = arith.mulf %mul3A_758, %get3A_757 : vector<16xf32>
      %add3A_760 = arith.addf %mul3A_753, %mul3A_759 : vector<16xf32>
      %swap3A_761 = arith.index_cast %scan3A_21 : i32 to index
      %swap3A_762 = arith.constant 640 : index
      %swap3A_763 = tpu.vector_load %arg10[%swap3A_761, %swap3A_762] {strides = array<i32>} : memref<64x768xf32, #tpu.memory_space<vmem>>, vector<1x16xf32>,
      %swap3A_764 = vector.shape_cast %swap3A_763 : vector<1x16xf32> to vector<16xf32>
      %swap3A_765 = vector.shape_cast %add3A_760 : vector<16xf32> to vector<1x16xf32>
      tpu.vector_store %arg10[%swap3A_761, %swap3A_762], %swap3A_765 {strides = array<i32>} : memref<64x768xf32, #tpu.memory_space<vmem>>, vector<1x16xf32>,
      %get3A_766 = arith.index_cast %scan3A_21 : i32 to index
      %get3A_767 = arith.constant 656 : index
      %get3A_768 = tpu.vector_load %arg10[%get3A_766, %get3A_767] {strides = array<i32>} : memref<64x768xf32, #tpu.memory_space<vmem>>, vector<1x16xf32>,
      %get3A_769 = vector.shape_cast %get3A_768 : vector<1x16xf32> to vector<16xf32>
      %mul3A_770 = vector.broadcast %squeeze3A : f32 to vector<16xf32>
      %mul3A_771 = arith.mulf %mul3A_770, %get3A_769 : vector<16xf32>
      %get3A_772 = arith.index_cast %scan3A_21 : i32 to index
      %get3A_773 = arith.constant 656 : index
      %get3A_774 = tpu.vector_load %arg11[%get3A_772, %get3A_773] {strides = array<i32>} : memref<64x768xf32, #tpu.memory_space<vmem>>, vector<1x16xf32>,
      %get3A_775 = vector.shape_cast %get3A_774 : vector<1x16xf32> to vector<16xf32>
      %mul3A_776 = vector.broadcast %squeeze3A_28 : f32 to vector<16xf32>
      %mul3A_777 = arith.mulf %mul3A_776, %get3A_775 : vector<16xf32>
      %add3A_778 = arith.addf %mul3A_771, %mul3A_777 : vector<16xf32>
      %swap3A_779 = arith.index_cast %scan3A_21 : i32 to index
      %swap3A_780 = arith.constant 656 : index
      %swap3A_781 = tpu.vector_load %arg10[%swap3A_779, %swap3A_780] {strides = array<i32>} : memref<64x768xf32, #tpu.memory_space<vmem>>, vector<1x16xf32>,
      %swap3A_782 = vector.shape_cast %swap3A_781 : vector<1x16xf32> to vector<16xf32>
      %swap3A_783 = vector.shape_cast %add3A_778 : vector<16xf32> to vector<1x16xf32>
      tpu.vector_store %arg10[%swap3A_779, %swap3A_780], %swap3A_783 {strides = array<i32>} : memref<64x768xf32, #tpu.memory_space<vmem>>, vector<1x16xf32>,
      %get3A_784 = arith.index_cast %scan3A_21 : i32 to index
      %get3A_785 = arith.constant 672 : index
      %get3A_786 = tpu.vector_load %arg10[%get3A_784, %get3A_785] {strides = array<i32>} : memref<64x768xf32, #tpu.memory_space<vmem>>, vector<1x16xf32>,
      %get3A_787 = vector.shape_cast %get3A_786 : vector<1x16xf32> to vector<16xf32>
      %mul3A_788 = vector.broadcast %squeeze3A : f32 to vector<16xf32>
      %mul3A_789 = arith.mulf %mul3A_788, %get3A_787 : vector<16xf32>
      %get3A_790 = arith.index_cast %scan3A_21 : i32 to index
      %get3A_791 = arith.constant 672 : index
      %get3A_792 = tpu.vector_load %arg11[%get3A_790, %get3A_791] {strides = array<i32>} : memref<64x768xf32, #tpu.memory_space<vmem>>, vector<1x16xf32>,
      %get3A_793 = vector.shape_cast %get3A_792 : vector<1x16xf32> to vector<16xf32>
      %mul3A_794 = vector.broadcast %squeeze3A_28 : f32 to vector<16xf32>
      %mul3A_795 = arith.mulf %mul3A_794, %get3A_793 : vector<16xf32>
      %add3A_796 = arith.addf %mul3A_789, %mul3A_795 : vector<16xf32>
      %swap3A_797 = arith.index_cast %scan3A_21 : i32 to index
      %swap3A_798 = arith.constant 672 : index
      %swap3A_799 = tpu.vector_load %arg10[%swap3A_797, %swap3A_798] {strides = array<i32>} : memref<64x768xf32, #tpu.memory_space<vmem>>, vector<1x16xf32>,
      %swap3A_800 = vector.shape_cast %swap3A_799 : vector<1x16xf32> to vector<16xf32>
      %swap3A_801 = vector.shape_cast %add3A_796 : vector<16xf32> to vector<1x16xf32>
      tpu.vector_store %arg10[%swap3A_797, %swap3A_798], %swap3A_801 {strides = array<i32>} : memref<64x768xf32, #tpu.memory_space<vmem>>, vector<1x16xf32>,
      %get3A_802 = arith.index_cast %scan3A_21 : i32 to index
      %get3A_803 = arith.constant 688 : index
      %get3A_804 = tpu.vector_load %arg10[%get3A_802, %get3A_803] {strides = array<i32>} : memref<64x768xf32, #tpu.memory_space<vmem>>, vector<1x16xf32>,
      %get3A_805 = vector.shape_cast %get3A_804 : vector<1x16xf32> to vector<16xf32>
      %mul3A_806 = vector.broadcast %squeeze3A : f32 to vector<16xf32>
      %mul3A_807 = arith.mulf %mul3A_806, %get3A_805 : vector<16xf32>
      %get3A_808 = arith.index_cast %scan3A_21 : i32 to index
      %get3A_809 = arith.constant 688 : index
      %get3A_810 = tpu.vector_load %arg11[%get3A_808, %get3A_809] {strides = array<i32>} : memref<64x768xf32, #tpu.memory_space<vmem>>, vector<1x16xf32>,
      %get3A_811 = vector.shape_cast %get3A_810 : vector<1x16xf32> to vector<16xf32>
      %mul3A_812 = vector.broadcast %squeeze3A_28 : f32 to vector<16xf32>
      %mul3A_813 = arith.mulf %mul3A_812, %get3A_811 : vector<16xf32>
      %add3A_814 = arith.addf %mul3A_807, %mul3A_813 : vector<16xf32>
      %swap3A_815 = arith.index_cast %scan3A_21 : i32 to index
      %swap3A_816 = arith.constant 688 : index
      %swap3A_817 = tpu.vector_load %arg10[%swap3A_815, %swap3A_816] {strides = array<i32>} : memref<64x768xf32, #tpu.memory_space<vmem>>, vector<1x16xf32>,
      %swap3A_818 = vector.shape_cast %swap3A_817 : vector<1x16xf32> to vector<16xf32>
      %swap3A_819 = vector.shape_cast %add3A_814 : vector<16xf32> to vector<1x16xf32>
      tpu.vector_store %arg10[%swap3A_815, %swap3A_816], %swap3A_819 {strides = array<i32>} : memref<64x768xf32, #tpu.memory_space<vmem>>, vector<1x16xf32>,
      %get3A_820 = arith.index_cast %scan3A_21 : i32 to index
      %get3A_821 = arith.constant 704 : index
      %get3A_822 = tpu.vector_load %arg10[%get3A_820, %get3A_821] {strides = array<i32>} : memref<64x768xf32, #tpu.memory_space<vmem>>, vector<1x16xf32>,
      %get3A_823 = vector.shape_cast %get3A_822 : vector<1x16xf32> to vector<16xf32>
      %mul3A_824 = vector.broadcast %squeeze3A : f32 to vector<16xf32>
      %mul3A_825 = arith.mulf %mul3A_824, %get3A_823 : vector<16xf32>
      %get3A_826 = arith.index_cast %scan3A_21 : i32 to index
      %get3A_827 = arith.constant 704 : index
      %get3A_828 = tpu.vector_load %arg11[%get3A_826, %get3A_827] {strides = array<i32>} : memref<64x768xf32, #tpu.memory_space<vmem>>, vector<1x16xf32>,
      %get3A_829 = vector.shape_cast %get3A_828 : vector<1x16xf32> to vector<16xf32>
      %mul3A_830 = vector.broadcast %squeeze3A_28 : f32 to vector<16xf32>
      %mul3A_831 = arith.mulf %mul3A_830, %get3A_829 : vector<16xf32>
      %add3A_832 = arith.addf %mul3A_825, %mul3A_831 : vector<16xf32>
      %swap3A_833 = arith.index_cast %scan3A_21 : i32 to index
      %swap3A_834 = arith.constant 704 : index
      %swap3A_835 = tpu.vector_load %arg10[%swap3A_833, %swap3A_834] {strides = array<i32>} : memref<64x768xf32, #tpu.memory_space<vmem>>, vector<1x16xf32>,
      %swap3A_836 = vector.shape_cast %swap3A_835 : vector<1x16xf32> to vector<16xf32>
      %swap3A_837 = vector.shape_cast %add3A_832 : vector<16xf32> to vector<1x16xf32>
      tpu.vector_store %arg10[%swap3A_833, %swap3A_834], %swap3A_837 {strides = array<i32>} : memref<64x768xf32, #tpu.memory_space<vmem>>, vector<1x16xf32>,
      %get3A_838 = arith.index_cast %scan3A_21 : i32 to index
      %get3A_839 = arith.constant 720 : index
      %get3A_840 = tpu.vector_load %arg10[%get3A_838, %get3A_839] {strides = array<i32>} : memref<64x768xf32, #tpu.memory_space<vmem>>, vector<1x16xf32>,
      %get3A_841 = vector.shape_cast %get3A_840 : vector<1x16xf32> to vector<16xf32>
      %mul3A_842 = vector.broadcast %squeeze3A : f32 to vector<16xf32>
      %mul3A_843 = arith.mulf %mul3A_842, %get3A_841 : vector<16xf32>
      %get3A_844 = arith.index_cast %scan3A_21 : i32 to index
      %get3A_845 = arith.constant 720 : index
      %get3A_846 = tpu.vector_load %arg11[%get3A_844, %get3A_845] {strides = array<i32>} : memref<64x768xf32, #tpu.memory_space<vmem>>, vector<1x16xf32>,
      %get3A_847 = vector.shape_cast %get3A_846 : vector<1x16xf32> to vector<16xf32>
      %mul3A_848 = vector.broadcast %squeeze3A_28 : f32 to vector<16xf32>
      %mul3A_849 = arith.mulf %mul3A_848, %get3A_847 : vector<16xf32>
      %add3A_850 = arith.addf %mul3A_843, %mul3A_849 : vector<16xf32>
      %swap3A_851 = arith.index_cast %scan3A_21 : i32 to index
      %swap3A_852 = arith.constant 720 : index
      %swap3A_853 = tpu.vector_load %arg10[%swap3A_851, %swap3A_852] {strides = array<i32>} : memref<64x768xf32, #tpu.memory_space<vmem>>, vector<1x16xf32>,
      %swap3A_854 = vector.shape_cast %swap3A_853 : vector<1x16xf32> to vector<16xf32>
      %swap3A_855 = vector.shape_cast %add3A_850 : vector<16xf32> to vector<1x16xf32>
      tpu.vector_store %arg10[%swap3A_851, %swap3A_852], %swap3A_855 {strides = array<i32>} : memref<64x768xf32, #tpu.memory_space<vmem>>, vector<1x16xf32>,
      %get3A_856 = arith.index_cast %scan3A_21 : i32 to index
      %get3A_857 = arith.constant 736 : index
      %get3A_858 = tpu.vector_load %arg10[%get3A_856, %get3A_857] {strides = array<i32>} : memref<64x768xf32, #tpu.memory_space<vmem>>, vector<1x16xf32>,
      %get3A_859 = vector.shape_cast %get3A_858 : vector<1x16xf32> to vector<16xf32>
      %mul3A_860 = vector.broadcast %squeeze3A : f32 to vector<16xf32>
      %mul3A_861 = arith.mulf %mul3A_860, %get3A_859 : vector<16xf32>
      %get3A_862 = arith.index_cast %scan3A_21 : i32 to index
      %get3A_863 = arith.constant 736 : index
      %get3A_864 = tpu.vector_load %arg11[%get3A_862, %get3A_863] {strides = array<i32>} : memref<64x768xf32, #tpu.memory_space<vmem>>, vector<1x16xf32>,
      %get3A_865 = vector.shape_cast %get3A_864 : vector<1x16xf32> to vector<16xf32>
      %mul3A_866 = vector.broadcast %squeeze3A_28 : f32 to vector<16xf32>
      %mul3A_867 = arith.mulf %mul3A_866, %get3A_865 : vector<16xf32>
      %add3A_868 = arith.addf %mul3A_861, %mul3A_867 : vector<16xf32>
      %swap3A_869 = arith.index_cast %scan3A_21 : i32 to index
      %swap3A_870 = arith.constant 736 : index
      %swap3A_871 = tpu.vector_load %arg10[%swap3A_869, %swap3A_870] {strides = array<i32>} : memref<64x768xf32, #tpu.memory_space<vmem>>, vector<1x16xf32>,
      %swap3A_872 = vector.shape_cast %swap3A_871 : vector<1x16xf32> to vector<16xf32>
      %swap3A_873 = vector.shape_cast %add3A_868 : vector<16xf32> to vector<1x16xf32>
      tpu.vector_store %arg10[%swap3A_869, %swap3A_870], %swap3A_873 {strides = array<i32>} : memref<64x768xf32, #tpu.memory_space<vmem>>, vector<1x16xf32>,
      %get3A_874 = arith.index_cast %scan3A_21 : i32 to index
      %get3A_875 = arith.constant 752 : index
      %get3A_876 = tpu.vector_load %arg10[%get3A_874, %get3A_875] {strides = array<i32>} : memref<64x768xf32, #tpu.memory_space<vmem>>, vector<1x16xf32>,
      %get3A_877 = vector.shape_cast %get3A_876 : vector<1x16xf32> to vector<16xf32>
      %mul3A_878 = vector.broadcast %squeeze3A : f32 to vector<16xf32>
      %mul3A_879 = arith.mulf %mul3A_878, %get3A_877 : vector<16xf32>
      %get3A_880 = arith.index_cast %scan3A_21 : i32 to index
      %get3A_881 = arith.constant 752 : index
      %get3A_882 = tpu.vector_load %arg11[%get3A_880, %get3A_881] {strides = array<i32>} : memref<64x768xf32, #tpu.memory_space<vmem>>, vector<1x16xf32>,
      %get3A_883 = vector.shape_cast %get3A_882 : vector<1x16xf32> to vector<16xf32>
      %mul3A_884 = vector.broadcast %squeeze3A_28 : f32 to vector<16xf32>
      %mul3A_885 = arith.mulf %mul3A_884, %get3A_883 : vector<16xf32>
      %add3A_886 = arith.addf %mul3A_879, %mul3A_885 : vector<16xf32>
      %swap3A_887 = arith.index_cast %scan3A_21 : i32 to index
      %swap3A_888 = arith.constant 752 : index
      %swap3A_889 = tpu.vector_load %arg10[%swap3A_887, %swap3A_888] {strides = array<i32>} : memref<64x768xf32, #tpu.memory_space<vmem>>, vector<1x16xf32>,
      %swap3A_890 = vector.shape_cast %swap3A_889 : vector<1x16xf32> to vector<16xf32>
      %swap3A_891 = vector.shape_cast %add3A_886 : vector<16xf32> to vector<1x16xf32>
      tpu.vector_store %arg10[%swap3A_887, %swap3A_888], %swap3A_891 {strides = array<i32>} : memref<64x768xf32, #tpu.memory_space<vmem>>, vector<1x16xf32>,
    }
    %scan3A_20 = arith.constant 64 : i32
    "tpu.region"() ({
      %run_scoped3A_21 = tpu.sem_alloc : memref<!tpu.dma_semaphore, #tpu.memory_space<semaphore_mem>>
      %dma_start3A_22 = arith.constant 0 : i32
      %dma_start3A_23 = tpu.memref_slice %arg5[%mul3A_2, %dma_start3A_22] : memref<2048x768xf32, #tpu.memory_space<hbm>> -> memref<64x768xf32, #tpu.memory_space<hbm>>
      %dma_start3A_24 = arith.constant 0 : i32
      %dma_start3A_25 = tpu.memref_slice %arg5[%mul3A_2, %dma_start3A_24] : memref<2048x768xf32, #tpu.memory_space<hbm>> -> memref<64x768xf32, #tpu.memory_space<hbm>>
      tpu.enqueue_dma source(%arg10 : memref<64x768xf32, #tpu.memory_space<vmem>>) target(%dma_start3A_25 : memref<64x768xf32, #tpu.memory_space<hbm>>) target_semaphore(%run_scoped3A_21 : memref<!tpu.dma_semaphore, #tpu.memory_space<semaphore_mem>>)
      %dma_wait3A_26 = arith.constant 0 : i32
      %dma_wait3A_27 = tpu.memref_slice %arg5[%mul3A_2, %dma_wait3A_26] : memref<2048x768xf32, #tpu.memory_space<hbm>> -> memref<64x768xf32, #tpu.memory_space<hbm>>
      %dma_wait3A_28 = arith.constant 0 : i32
      %dma_wait3A_29 = tpu.memref_slice %arg5[%mul3A_2, %dma_wait3A_28] : memref<2048x768xf32, #tpu.memory_space<hbm>> -> memref<64x768xf32, #tpu.memory_space<hbm>>
      tpu.wait_dma2 semaphore(%run_scoped3A_21 : memref<!tpu.dma_semaphore, #tpu.memory_space<semaphore_mem>>) src(%arg10 : memref<64x768xf32, #tpu.memory_space<vmem>>) dst(%dma_wait3A_29 : memref<64x768xf32, #tpu.memory_space<hbm>>)
      tpu.yield
    }) : () -> ()
    return
  }
}

#map = affine_map<(d0, d1) -> (0, 0)>
#map1 = affine_map<(d0, d1) -> (0)>
module attributes {stable_mosaic.version = 14 : i64} {
  func.func @k(%arg0: i32, %arg1: i32, %arg2: memref<2048x768xf32, #tpu.memory_space<hbm>>, %arg3: memref<4096xi32, #tpu.memory_space<hbm>>, %arg4: memref<6144x768xf32, #tpu.memory_space<hbm>>, %arg5: memref<128xi32, #tpu.memory_space<vmem>>, %arg6: memref<128x768xf32, #tpu.memory_space<vmem>>, %arg7: memref<!tpu.dma_semaphore, #tpu.memory_space<semaphore_mem>>) attributes {dimension_semantics = [#tpu.dimension_semantics<core_parallel>, #tpu.dimension_semantics<subcore_parallel>], iteration_bounds = array<i64: 2, 16>, scalar_prefetch = 0 : i64, scratch_operands = 3 : i64, tpu.core_type = #tpu.core_type<sc_vector_subcore>, window_params = [{transform_indices = #map}, {transform_indices = #map1}, {transform_indices = #map}]} {
    %mul3A = arith.constant 2 : i32
    %mul3A_0 = arith.muli %arg1, %mul3A : i32
    %add3A = arith.addi %mul3A_0, %arg0 : i32
    %mul3A_1 = arith.constant 128 : i32
    %mul3A_2 = arith.muli %add3A, %mul3A_1 : i32
    "tpu.region"() ({
      %run_scoped3A = tpu.sem_alloc : memref<!tpu.dma_semaphore, #tpu.memory_space<semaphore_mem>>
      %dma_start3A_16 = tpu.memref_slice %arg3[%mul3A_2] : memref<4096xi32, #tpu.memory_space<hbm>> -> memref<128xi32, #tpu.memory_space<hbm>>
      %dma_start3A_17 = tpu.memref_slice %arg3[%mul3A_2] : memref<4096xi32, #tpu.memory_space<hbm>> -> memref<128xi32, #tpu.memory_space<hbm>>
      tpu.enqueue_dma source(%dma_start3A_17 : memref<128xi32, #tpu.memory_space<hbm>>) target(%arg5 : memref<128xi32, #tpu.memory_space<vmem>>) target_semaphore(%run_scoped3A : memref<!tpu.dma_semaphore, #tpu.memory_space<semaphore_mem>>)
      %dma_wait3A_18 = tpu.memref_slice %arg3[%mul3A_2] : memref<4096xi32, #tpu.memory_space<hbm>> -> memref<128xi32, #tpu.memory_space<hbm>>
      %dma_wait3A_19 = tpu.memref_slice %arg3[%mul3A_2] : memref<4096xi32, #tpu.memory_space<hbm>> -> memref<128xi32, #tpu.memory_space<hbm>>
      tpu.wait_dma2 semaphore(%run_scoped3A : memref<!tpu.dma_semaphore, #tpu.memory_space<semaphore_mem>>) src(%dma_wait3A_19 : memref<128xi32, #tpu.memory_space<hbm>>) dst(%arg5 : memref<128xi32, #tpu.memory_space<vmem>>)
      tpu.yield
    }) : () -> ()
    %jit3A = arith.constant 2048 : i32
    %eq3A = arith.constant 0 : i32
    %eq3A_3 = arith.cmpi eq, %jit3A, %eq3A : i32
    %jit3A_4 = arith.constant 1 : i32
    %select_n3A = arith.select %eq3A_3, %jit3A_4, %jit3A : i32
    %rem3A = arith.remsi %mul3A_2, %select_n3A : i32
    %ne3A = arith.constant 0 : i32
    %ne3A_5 = arith.cmpi ne, %rem3A, %ne3A : i32
    %lt3A = arith.constant 0 : i32
    %lt3A_6 = arith.cmpi slt, %rem3A, %lt3A : i32
    %lt3A_7 = arith.constant 0 : i32
    %lt3A_8 = arith.cmpi slt, %select_n3A, %lt3A_7 : i32
    %ne3A_9 = arith.xori %lt3A_6, %lt3A_8 : i1
    %and3A = arith.andi %ne3A_9, %ne3A_5 : i1
    %add3A_10 = arith.addi %rem3A, %select_n3A : i32
    %select_n3A_11 = arith.select %and3A, %add3A_10, %rem3A : i32
    "tpu.region"() ({
      %run_scoped3A = tpu.sem_alloc : memref<!tpu.dma_semaphore, #tpu.memory_space<semaphore_mem>>
      %dma_start3A_16 = arith.constant 0 : i32
      %dma_start3A_17 = tpu.memref_slice %arg2[%select_n3A_11, %dma_start3A_16] : memref<2048x768xf32, #tpu.memory_space<hbm>> -> memref<128x768xf32, #tpu.memory_space<hbm>>
      %dma_start3A_18 = arith.constant 0 : i32
      %dma_start3A_19 = tpu.memref_slice %arg2[%select_n3A_11, %dma_start3A_18] : memref<2048x768xf32, #tpu.memory_space<hbm>> -> memref<128x768xf32, #tpu.memory_space<hbm>>
      tpu.enqueue_dma source(%dma_start3A_19 : memref<128x768xf32, #tpu.memory_space<hbm>>) target(%arg6 : memref<128x768xf32, #tpu.memory_space<vmem>>) target_semaphore(%run_scoped3A : memref<!tpu.dma_semaphore, #tpu.memory_space<semaphore_mem>>)
      %dma_wait3A_20 = arith.constant 0 : i32
      %dma_wait3A_21 = tpu.memref_slice %arg2[%select_n3A_11, %dma_wait3A_20] : memref<2048x768xf32, #tpu.memory_space<hbm>> -> memref<128x768xf32, #tpu.memory_space<hbm>>
      %dma_wait3A_22 = arith.constant 0 : i32
      %dma_wait3A_23 = tpu.memref_slice %arg2[%select_n3A_11, %dma_wait3A_22] : memref<2048x768xf32, #tpu.memory_space<hbm>> -> memref<128x768xf32, #tpu.memory_space<hbm>>
      tpu.wait_dma2 semaphore(%run_scoped3A : memref<!tpu.dma_semaphore, #tpu.memory_space<semaphore_mem>>) src(%dma_wait3A_23 : memref<128x768xf32, #tpu.memory_space<hbm>>) dst(%arg6 : memref<128x768xf32, #tpu.memory_space<vmem>>)
      tpu.yield
    }) : () -> ()
    %dma_start3A = arith.constant 0 : i32
    %dma_start3A_12 = arith.constant 0 : i32
    %dma_start3A_13 = tpu.memref_slice %arg4[%dma_start3A, %dma_start3A_12] : memref<6144x768xf32, #tpu.memory_space<hbm>> -> memref<6144x768xf32, #tpu.memory_space<hbm>>
    tpu.enqueue_indirect_dma source(%arg6 : memref<128x768xf32, #tpu.memory_space<vmem>>) target(%dma_start3A_13 : memref<6144x768xf32, #tpu.memory_space<hbm>>) offsets(%arg5 : memref<128xi32, #tpu.memory_space<vmem>>) semaphore(%arg7 : memref<!tpu.dma_semaphore, #tpu.memory_space<semaphore_mem>>)
    %dma_wait3A = arith.constant 0 : i32
    %dma_wait3A_14 = arith.constant 0 : i32
    %dma_wait3A_15 = tpu.memref_slice %arg4[%dma_wait3A, %dma_wait3A_14] : memref<6144x768xf32, #tpu.memory_space<hbm>> -> memref<6144x768xf32, #tpu.memory_space<hbm>>
    tpu.wait_indirect_dma semaphore(%arg7 : memref<!tpu.dma_semaphore, #tpu.memory_space<semaphore_mem>>) src(%arg6 : memref<128x768xf32, #tpu.memory_space<vmem>>) dst(%dma_wait3A_15 : memref<6144x768xf32, #tpu.memory_space<hbm>>)
    return
  }
}

module attributes {stable_mosaic.version = 14 : i64} {
  func.func @_meta_body(%arg0: i32, %arg1: i32, %arg2: memref<512x768xf32, #tpu.memory_space<vmem>>, %arg3: memref<768x8xf32, #tpu.memory_space<vmem>>, %arg4: memref<1x1x512xi32, #tpu.memory_space<vmem>>, %arg5: memref<1x1x512xf32, #tpu.memory_space<vmem>>, %arg6: memref<1x1x64xi32, #tpu.memory_space<vmem>>, %arg7: memref<1x8xf32, #tpu.memory_space<vmem>>, %arg8: memref<1x8xf32, #tpu.memory_space<vmem>>, %arg9: memref<1x8xf32, #tpu.memory_space<vmem>>) attributes {dimension_semantics = [#tpu.dimension_semantics<arbitrary>, #tpu.dimension_semantics<arbitrary>], iteration_bounds = array<i64: 2, 8>, scalar_prefetch = 0 : i64, scratch_operands = 3 : i64, tpu.core_type = #tpu.core_type<tc>, window_params = [{transform_indices = @transform_0, window_bounds = array<i64: 512, 768>}, {pipeline_mode = #tpu.pipeline_mode<synchronous>, transform_indices = @transform_1, window_bounds = array<i64: 768, 8>}, {transform_indices = @transform_2, window_bounds = array<i64: 1, 1, 512>}, {transform_indices = @transform_3, window_bounds = array<i64: 1, 1, 512>}, {pipeline_mode = #tpu.pipeline_mode<synchronous>, transform_indices = @transform_4, window_bounds = array<i64: 1, 1, 64>}]} {
    %jit3A = arith.constant 4 : i32
    %div3A = arith.divsi %arg1, %jit3A : i32
    %sign3A = arith.constant 0 : i32
    %sign3A_0 = arith.cmpi sgt, %arg1, %sign3A : i32
    %sign3A_1 = arith.extui %sign3A_0 : i1 to i32
    %sign3A_2 = arith.constant 0 : i32
    %sign3A_3 = arith.cmpi slt, %arg1, %sign3A_2 : i32
    %sign3A_4 = arith.extui %sign3A_3 : i1 to i32
    %sign3A_5 = arith.subi %sign3A_1, %sign3A_4 : i32
    %sign3A_6 = arith.constant 0 : i32
    %sign3A_7 = arith.cmpi sgt, %jit3A, %sign3A_6 : i32
    %sign3A_8 = arith.extui %sign3A_7 : i1 to i32
    %sign3A_9 = arith.constant 0 : i32
    %sign3A_10 = arith.cmpi slt, %jit3A, %sign3A_9 : i32
    %sign3A_11 = arith.extui %sign3A_10 : i1 to i32
    %sign3A_12 = arith.subi %sign3A_8, %sign3A_11 : i32
    %ne3A = arith.cmpi ne, %sign3A_5, %sign3A_12 : i32
    %rem3A = arith.remsi %arg1, %jit3A : i32
    %ne3A_13 = arith.constant 0 : i32
    %ne3A_14 = arith.cmpi ne, %rem3A, %ne3A_13 : i32
    %and3A = arith.andi %ne3A, %ne3A_14 : i1
    %sub3A = arith.constant 1 : i32
    %sub3A_15 = arith.subi %div3A, %sub3A : i32
    %select_n3A = arith.select %and3A, %sub3A_15, %div3A : i32
    %get3A = arith.constant 0 : index
    %get3A_16 = arith.constant 0 : index
    %get3A_17 = vector.load %arg2[%get3A, %get3A_16] : memref<512x768xf32, #tpu.memory_space<vmem>>, vector<512x768xf32>
    %get3A_18 = arith.constant 0 : index
    %get3A_19 = arith.constant 0 : index
    %get3A_20 = vector.load %arg3[%get3A_18, %get3A_19] : memref<768x8xf32, #tpu.memory_space<vmem>>, vector<768x8xf32>
    %dot_general3A = arith.constant dense<0.000000e+00> : vector<512x8xf32>
    %dot_general3A_21 = tpu.matmul %get3A_17, %get3A_20, %dot_general3A {dimension_numbers = #tpu.dot_dimension_numbers<[1], [0], [0], [1], [0, 0, 1, 1], [], []>, transpose_lhs_hint = false} : vector<512x768xf32>, vector<768x8xf32>, vector<512x8xf32> -> vector<512x8xf32>
    %argmax3A = tpu.reduce_index %dot_general3A_21 {axis = 1 : i32, kind = #tpu.reduction_kind<arg_max>} : vector<512x8xf32> -> vector<512xi32>
    %reduce_max3A = arith.constant dense<0xFF800000> : vector<512xf32>
    %reduce_max3A_22 = vector.multi_reduction <maximumf>, %dot_general3A_21, %reduce_max3A [1] : vector<512x8xf32> to vector<512xf32>
    %iota3A = tpu.iota {dimensions = array<i32: 1>} : vector<512x8xi32>
    %broadcast_in_dim3A = vector.shape_cast %argmax3A : vector<512xi32> to vector<512x1xi32>
    %eq3A = vector.broadcast %broadcast_in_dim3A : vector<512x1xi32> to vector<512x8xi32>
    %eq3A_23 = arith.cmpi eq, %iota3A, %eq3A : vector<512x8xi32>
    %jit3A_24 = arith.constant 0xFF800000 : f32
    %broadcast_in_dim3A_25 = vector.broadcast %jit3A_24 : f32 to vector<512x8xf32>
    %select_n3A_26 = arith.select %eq3A_23, %broadcast_in_dim3A_25, %dot_general3A_21 : vector<512x8xi1>, vector<512x8xf32>
    %argmax3A_27 = tpu.reduce_index %select_n3A_26 {axis = 1 : i32, kind = #tpu.reduction_kind<arg_max>} : vector<512x8xf32> -> vector<512xi32>
    %reduce_max3A_28 = arith.constant dense<0xFF800000> : vector<512xf32>
    %reduce_max3A_29 = vector.multi_reduction <maximumf>, %select_n3A_26, %reduce_max3A_28 [1] : vector<512x8xf32> to vector<512xf32>
    %sub3A_30 = arith.subf %reduce_max3A_29, %reduce_max3A_22 : vector<512xf32>
    %exp3A = math.exp %sub3A_30 : vector<512xf32>
    %add3A = arith.constant 1.000000e+00 : f32
    %add3A_31 = vector.broadcast %add3A : f32 to vector<512xf32>
    %add3A_32 = arith.addf %add3A_31, %exp3A : vector<512xf32>
    %div3A_33 = arith.constant 1.000000e+00 : f32
    %div3A_34 = vector.broadcast %div3A_33 : f32 to vector<512xf32>
    %div3A_35 = arith.divf %div3A_34, %add3A_32 : vector<512xf32>
    %eq3A_36 = arith.constant 0 : i32
    %eq3A_37 = arith.cmpi eq, %select_n3A, %eq3A_36 : i32
    %select_n3A_38 = arith.select %eq3A_37, %argmax3A, %argmax3A_27 : vector<512xi32>
    %eq3A_39 = arith.constant 0 : i32
    %eq3A_40 = arith.cmpi eq, %select_n3A, %eq3A_39 : i32
    %sub3A_41 = arith.constant 1.000000e+00 : f32
    %sub3A_42 = vector.broadcast %sub3A_41 : f32 to vector<512xf32>
    %sub3A_43 = arith.subf %sub3A_42, %div3A_35 : vector<512xf32>
    %select_n3A_44 = arith.select %eq3A_40, %div3A_35, %sub3A_43 : vector<512xf32>
    %broadcast_in_dim3A_45 = vector.shape_cast %select_n3A_38 : vector<512xi32> to vector<512x1xi32>
    %eq3A_46 = vector.broadcast %broadcast_in_dim3A_45 : vector<512x1xi32> to vector<512x8xi32>
    %eq3A_47 = arith.cmpi eq, %iota3A, %eq3A_46 : vector<512x8xi32>
    %convert_element_type3A = arith.extui %eq3A_47 : vector<512x8xi1> to vector<512x8xi32>
    %convert_element_type3A_48 = arith.sitofp %convert_element_type3A : vector<512x8xi32> to vector<512x8xf32>
    %eq3A_49 = arith.constant 0 : i32
    %eq3A_50 = arith.cmpi eq, %arg0, %eq3A_49 : i32
    %eq3A_51 = arith.constant 0 : i32
    %eq3A_52 = arith.cmpi eq, %arg1, %eq3A_51 : i32
    %and3A_53 = arith.andi %eq3A_50, %eq3A_52 : i1
    %convert_element_type3A_54 = arith.extui %and3A_53 : i1 to i32
    %cond3A = arith.constant 0 : i32
    %cond3A_55 = arith.cmpi ne, %convert_element_type3A_54, %cond3A : i32
    scf.if %cond3A_55 {
      %broadcast_in_dim3A_74 = arith.constant 0.000000e+00 : f32
      %broadcast_in_dim3A_75 = vector.broadcast %broadcast_in_dim3A_74 : f32 to vector<1x8xf32>
      %swap3A = arith.constant 0 : index
      %swap3A_76 = arith.constant 0 : index
      %swap3A_77 = vector.load %arg7[%swap3A, %swap3A_76] : memref<1x8xf32, #tpu.memory_space<vmem>>, vector<1x8xf32>
      tpu.vector_store %arg7[%swap3A, %swap3A_76], %broadcast_in_dim3A_75 {strides = array<i32>} : memref<1x8xf32, #tpu.memory_space<vmem>>, vector<1x8xf32>,
    } else {
    }
    %eq3A_56 = arith.constant 0 : i32
    %eq3A_57 = arith.cmpi eq, %arg0, %eq3A_56 : i32
    %convert_element_type3A_58 = arith.extui %eq3A_57 : i1 to i32
    %cond3A_59 = arith.constant 0 : i32
    %cond3A_60 = arith.cmpi ne, %convert_element_type3A_58, %cond3A_59 : i32
    scf.if %cond3A_60 {
      %get3A_74 = arith.constant 0 : index
      %get3A_75 = arith.constant 0 : index
      %get3A_76 = vector.load %arg7[%get3A_74, %get3A_75] : memref<1x8xf32, #tpu.memory_space<vmem>>, vector<1x8xf32>
      %reduce_sum3A = arith.constant dense<0.000000e+00> : vector<8xf32>
      %reduce_sum3A_77 = vector.multi_reduction <add>, %convert_element_type3A_48, %reduce_sum3A [0] : vector<512x8xf32> to vector<8xf32>
      %broadcast_in_dim3A_78 = vector.shape_cast %reduce_sum3A_77 : vector<8xf32> to vector<1x8xf32>
      %add3A_79 = arith.addf %get3A_76, %broadcast_in_dim3A_78 : vector<1x8xf32>
      %swap3A = arith.constant 0 : index
      %swap3A_80 = arith.constant 0 : index
      %swap3A_81 = vector.load %arg7[%swap3A, %swap3A_80] : memref<1x8xf32, #tpu.memory_space<vmem>>, vector<1x8xf32>
      tpu.vector_store %arg7[%swap3A, %swap3A_80], %add3A_79 {strides = array<i32>} : memref<1x8xf32, #tpu.memory_space<vmem>>, vector<1x8xf32>,
    } else {
    }
    %eq3A_61 = arith.constant 0 : i32
    %eq3A_62 = arith.cmpi eq, %arg0, %eq3A_61 : i32
    %eq3A_63 = arith.constant 7 : i32
    %eq3A_64 = arith.cmpi eq, %arg1, %eq3A_63 : i32
    %and3A_65 = arith.andi %eq3A_62, %eq3A_64 : i1
    %convert_element_type3A_66 = arith.extui %and3A_65 : i1 to i32
    %cond3A_67 = arith.constant 0 : i32
    %cond3A_68 = arith.cmpi ne, %convert_element_type3A_66, %cond3A_67 : i32
    scf.if %cond3A_68 {
      %get3A_74 = arith.constant 0 : index
      %get3A_75 = arith.constant 0 : index
      %get3A_76 = vector.load %arg7[%get3A_74, %get3A_75] : memref<1x8xf32, #tpu.memory_space<vmem>>, vector<1x8xf32>
      %add3A_77 = arith.constant 2.550000e+02 : f32
      %add3A_78 = vector.broadcast %add3A_77 : f32 to vector<1x8xf32>
      %add3A_79 = arith.addf %get3A_76, %add3A_78 : vector<1x8xf32>
      %div3A_80 = arith.constant 2.560000e+02 : f32
      %div3A_81 = vector.broadcast %div3A_80 : f32 to vector<1x8xf32>
      %div3A_82 = arith.divf %add3A_79, %div3A_81 : vector<1x8xf32>
      %floor3A = math.floor %div3A_82 : vector<1x8xf32>
      %iota3A_83 = tpu.iota {dimensions = array<i32: 0>} : vector<8x8xi32>
      %iota3A_84 = tpu.iota {dimensions = array<i32: 1>} : vector<8x8xi32>
      %lt3A = arith.cmpi slt, %iota3A_83, %iota3A_84 : vector<8x8xi32>
      %convert_element_type3A_85 = arith.extui %lt3A : vector<8x8xi1> to vector<8x8xi32>
      %convert_element_type3A_86 = arith.sitofp %convert_element_type3A_85 : vector<8x8xi32> to vector<8x8xf32>
      %dot_general3A_87 = arith.constant dense<0.000000e+00> : vector<1x8xf32>
      %dot_general3A_88 = tpu.matmul %floor3A, %convert_element_type3A_86, %dot_general3A_87 {dimension_numbers = #tpu.dot_dimension_numbers<[1], [0], [0], [1], [0, 0, 1, 1], [], []>, transpose_lhs_hint = false} : vector<1x8xf32>, vector<8x8xf32>, vector<1x8xf32> -> vector<1x8xf32>
      %mul3A = arith.constant 2.560000e+02 : f32
      %mul3A_89 = vector.broadcast %mul3A : f32 to vector<1x8xf32>
      %mul3A_90 = arith.mulf %dot_general3A_88, %mul3A_89 : vector<1x8xf32>
      %swap3A = arith.constant 0 : index
      %swap3A_91 = arith.constant 0 : index
      %swap3A_92 = vector.load %arg8[%swap3A, %swap3A_91] : memref<1x8xf32, #tpu.memory_space<vmem>>, vector<1x8xf32>
      tpu.vector_store %arg8[%swap3A, %swap3A_91], %mul3A_90 {strides = array<i32>} : memref<1x8xf32, #tpu.memory_space<vmem>>, vector<1x8xf32>,
      %broadcast_in_dim3A_93 = arith.constant 0.000000e+00 : f32
      %broadcast_in_dim3A_94 = vector.broadcast %broadcast_in_dim3A_93 : f32 to vector<1x8xf32>
      %swap3A_95 = arith.constant 0 : index
      %swap3A_96 = arith.constant 0 : index
      %swap3A_97 = vector.load %arg9[%swap3A_95, %swap3A_96] : memref<1x8xf32, #tpu.memory_space<vmem>>, vector<1x8xf32>
      tpu.vector_store %arg9[%swap3A_95, %swap3A_96], %broadcast_in_dim3A_94 {strides = array<i32>} : memref<1x8xf32, #tpu.memory_space<vmem>>, vector<1x8xf32>,
      %iota3A_98 = tpu.iota {dimensions = array<i32: 2>} : vector<1x8x64xi32>
      %convert_element_type3A_99 = arith.fptosi %dot_general3A_88 : vector<1x8xf32> to vector<1x8xi32>
      %broadcast_in_dim3A_100 = vector.shape_cast %convert_element_type3A_99 : vector<1x8xi32> to vector<1x8x1xi32>
      %ge3A = vector.broadcast %broadcast_in_dim3A_100 : vector<1x8x1xi32> to vector<1x8x64xi32>
      %ge3A_101 = arith.cmpi sge, %iota3A_98, %ge3A : vector<1x8x64xi32>
      %convert_element_type3A_102 = arith.extui %ge3A_101 : vector<1x8x64xi1> to vector<1x8x64xi32>
      %reduce_sum3A = arith.constant dense<0> : vector<1x64xi32>
      %reduce_sum3A_103 = vector.multi_reduction <add>, %convert_element_type3A_102, %reduce_sum3A [1] : vector<1x8x64xi32> to vector<1x64xi32>
      %broadcast_in_dim3A_104 = vector.shape_cast %reduce_sum3A_103 : vector<1x64xi32> to vector<1x1x64xi32>
      %sub3A_105 = arith.constant 1 : i32
      %sub3A_106 = vector.broadcast %sub3A_105 : i32 to vector<1x1x64xi32>
      %sub3A_107 = arith.subi %broadcast_in_dim3A_104, %sub3A_106 : vector<1x1x64xi32>
      %swap3A_108 = arith.constant 0 : index
      %swap3A_109 = arith.constant 0 : index
      %swap3A_110 = arith.constant 0 : index
      %swap3A_111 = vector.load %arg6[%swap3A_108, %swap3A_109, %swap3A_110] : memref<1x1x64xi32, #tpu.memory_space<vmem>>, vector<1x1x64xi32>
      tpu.vector_store %arg6[%swap3A_108, %swap3A_109, %swap3A_110], %sub3A_107 {strides = array<i32>} : memref<1x1x64xi32, #tpu.memory_space<vmem>>, vector<1x1x64xi32>,
    } else {
    }
    %eq3A_69 = arith.constant 1 : i32
    %eq3A_70 = arith.cmpi eq, %arg0, %eq3A_69 : i32
    %convert_element_type3A_71 = arith.extui %eq3A_70 : i1 to i32
    %cond3A_72 = arith.constant 0 : i32
    %cond3A_73 = arith.cmpi ne, %convert_element_type3A_71, %cond3A_72 : i32
    scf.if %cond3A_73 {
      %iota3A_74 = tpu.iota {dimensions = array<i32: 0>} : vector<512x512xi32>
      %iota3A_75 = tpu.iota {dimensions = array<i32: 1>} : vector<512x512xi32>
      %gt3A = arith.cmpi sgt, %iota3A_74, %iota3A_75 : vector<512x512xi32>
      %convert_element_type3A_76 = arith.extui %gt3A : vector<512x512xi1> to vector<512x512xi32>
      %convert_element_type3A_77 = arith.sitofp %convert_element_type3A_76 : vector<512x512xi32> to vector<512x512xf32>
      %dot_general3A_78 = arith.constant dense<0.000000e+00> : vector<512x8xf32>
      %dot_general3A_79 = tpu.matmul %convert_element_type3A_77, %convert_element_type3A_48, %dot_general3A_78 {dimension_numbers = #tpu.dot_dimension_numbers<[1], [0], [0], [1], [0, 0, 1, 1], [], []>, transpose_lhs_hint = false} : vector<512x512xf32>, vector<512x8xf32>, vector<512x8xf32> -> vector<512x8xf32>
      %get3A_80 = arith.constant 0 : index
      %get3A_81 = arith.constant 0 : index
      %get3A_82 = vector.load %arg9[%get3A_80, %get3A_81] : memref<1x8xf32, #tpu.memory_space<vmem>>, vector<1x8xf32>
      %add3A_83 = vector.broadcast %get3A_82 : vector<1x8xf32> to vector<512x8xf32>
      %add3A_84 = arith.addf %dot_general3A_79, %add3A_83 : vector<512x8xf32>
      %get3A_85 = arith.constant 0 : index
      %get3A_86 = arith.constant 0 : index
      %get3A_87 = vector.load %arg9[%get3A_85, %get3A_86] : memref<1x8xf32, #tpu.memory_space<vmem>>, vector<1x8xf32>
      %reduce_sum3A = arith.constant dense<0.000000e+00> : vector<8xf32>
      %reduce_sum3A_88 = vector.multi_reduction <add>, %convert_element_type3A_48, %reduce_sum3A [0] : vector<512x8xf32> to vector<8xf32>
      %broadcast_in_dim3A_89 = vector.shape_cast %reduce_sum3A_88 : vector<8xf32> to vector<1x8xf32>
      %add3A_90 = arith.addf %get3A_87, %broadcast_in_dim3A_89 : vector<1x8xf32>
      %swap3A = arith.constant 0 : index
      %swap3A_91 = arith.constant 0 : index
      %swap3A_92 = vector.load %arg9[%swap3A, %swap3A_91] : memref<1x8xf32, #tpu.memory_space<vmem>>, vector<1x8xf32>
      tpu.vector_store %arg9[%swap3A, %swap3A_91], %add3A_90 {strides = array<i32>} : memref<1x8xf32, #tpu.memory_space<vmem>>, vector<1x8xf32>,
      %get3A_93 = arith.constant 0 : index
      %get3A_94 = arith.constant 0 : index
      %get3A_95 = vector.load %arg8[%get3A_93, %get3A_94] : memref<1x8xf32, #tpu.memory_space<vmem>>, vector<1x8xf32>
      %add3A_96 = vector.broadcast %get3A_95 : vector<1x8xf32> to vector<512x8xf32>
      %add3A_97 = arith.addf %add3A_84, %add3A_96 : vector<512x8xf32>
      %mul3A = arith.mulf %add3A_97, %convert_element_type3A_48 : vector<512x8xf32>
      %reduce_sum3A_98 = arith.constant dense<0.000000e+00> : vector<512xf32>
      %reduce_sum3A_99 = vector.multi_reduction <add>, %mul3A, %reduce_sum3A_98 [1] : vector<512x8xf32> to vector<512xf32>
      %convert_element_type3A_100 = arith.fptosi %reduce_sum3A_99 : vector<512xf32> to vector<512xi32>
      %broadcast_in_dim3A_101 = vector.shape_cast %convert_element_type3A_100 : vector<512xi32> to vector<1x1x512xi32>
      %swap3A_102 = arith.constant 0 : index
      %swap3A_103 = arith.constant 0 : index
      %swap3A_104 = arith.constant 0 : index
      %swap3A_105 = vector.load %arg4[%swap3A_102, %swap3A_103, %swap3A_104] : memref<1x1x512xi32, #tpu.memory_space<vmem>>, vector<1x1x512xi32>
      tpu.vector_store %arg4[%swap3A_102, %swap3A_103, %swap3A_104], %broadcast_in_dim3A_101 {strides = array<i32>} : memref<1x1x512xi32, #tpu.memory_space<vmem>>, vector<1x1x512xi32>,
      %broadcast_in_dim3A_106 = vector.shape_cast %select_n3A_44 : vector<512xf32> to vector<1x1x512xf32>
      %swap3A_107 = arith.constant 0 : index
      %swap3A_108 = arith.constant 0 : index
      %swap3A_109 = arith.constant 0 : index
      %swap3A_110 = vector.load %arg5[%swap3A_107, %swap3A_108, %swap3A_109] : memref<1x1x512xf32, #tpu.memory_space<vmem>>, vector<1x1x512xf32>
      tpu.vector_store %arg5[%swap3A_107, %swap3A_108, %swap3A_109], %broadcast_in_dim3A_106 {strides = array<i32>} : memref<1x1x512xf32, #tpu.memory_space<vmem>>, vector<1x1x512xf32>,
    } else {
    }
    return
  }
  func.func @transform_0(%arg0: i32, %arg1: i32) -> (i32, i32) {
    %jit3A = arith.constant 4 : i32
    %eq3A = arith.constant 0 : i32
    %eq3A_0 = arith.cmpi eq, %jit3A, %eq3A : i32
    %jit3A_1 = arith.constant 1 : i32
    %select_n3A = arith.select %eq3A_0, %jit3A_1, %jit3A : i32
    %rem3A = arith.remsi %arg1, %select_n3A : i32
    %ne3A = arith.constant 0 : i32
    %ne3A_2 = arith.cmpi ne, %rem3A, %ne3A : i32
    %lt3A = arith.constant 0 : i32
    %lt3A_3 = arith.cmpi slt, %rem3A, %lt3A : i32
    %lt3A_4 = arith.constant 0 : i32
    %lt3A_5 = arith.cmpi slt, %select_n3A, %lt3A_4 : i32
    %ne3A_6 = arith.xori %lt3A_3, %lt3A_5 : i1
    %and3A = arith.andi %ne3A_6, %ne3A_2 : i1
    %add3A = arith.addi %rem3A, %select_n3A : i32
    %select_n3A_7 = arith.select %and3A, %add3A, %rem3A : i32
    %c0_i32 = arith.constant 0 : i32
    %c0_i32_8 = arith.constant 0 : i32
    return %select_n3A_7, %c0_i32 : i32, i32
  }
  func.func @transform_1(%arg0: i32, %arg1: i32) -> (i32, i32) {
    %c0_i32 = arith.constant 0 : i32
    %c0_i32_0 = arith.constant 0 : i32
    %c0_i32_1 = arith.constant 0 : i32
    return %c0_i32, %c0_i32_0 : i32, i32
  }
  func.func @transform_2(%arg0: i32, %arg1: i32) -> (i32, i32, i32) {
    %c0_i32 = arith.constant 0 : i32
    %c0_i32_0 = arith.constant 0 : i32
    %c0_i32_1 = arith.constant 0 : i32
    return %arg1, %c0_i32, %c0_i32_0 : i32, i32, i32
  }
  func.func @transform_3(%arg0: i32, %arg1: i32) -> (i32, i32, i32) {
    %c0_i32 = arith.constant 0 : i32
    %c0_i32_0 = arith.constant 0 : i32
    %c0_i32_1 = arith.constant 0 : i32
    return %arg1, %c0_i32, %c0_i32_0 : i32, i32, i32
  }
  func.func @transform_4(%arg0: i32, %arg1: i32) -> (i32, i32, i32) {
    %c0_i32 = arith.constant 0 : i32
    %c0_i32_0 = arith.constant 0 : i32
    %c0_i32_1 = arith.constant 0 : i32
    %c0_i32_2 = arith.constant 0 : i32
    return %c0_i32, %c0_i32_0, %c0_i32_1 : i32, i32, i32
  }
}

module attributes {stable_mosaic.version = 14 : i64} {
  func.func @_grouped_body(%arg0: i32, %arg1: memref<64xi32, #tpu.memory_space<smem>>, %arg2: memref<256x768xf32, #tpu.memory_space<vmem>>, %arg3: memref<1x768x2048xbf16, #tpu.memory_space<vmem>>, %arg4: memref<1x768x2048xbf16, #tpu.memory_space<vmem>>, %arg5: memref<1x2048x768xbf16, #tpu.memory_space<vmem>>, %arg6: memref<256x768xf32, #tpu.memory_space<vmem>>) attributes {dimension_semantics = [#tpu.dimension_semantics<arbitrary>], iteration_bounds = array<i64: 24>, scalar_prefetch = 1 : i64, scratch_operands = 0 : i64, tpu.core_type = #tpu.core_type<tc>, window_params = [{transform_indices = @transform_0, window_bounds = array<i64: 256, 768>}, {transform_indices = @transform_1, window_bounds = array<i64: 1, 768, 2048>}, {transform_indices = @transform_2, window_bounds = array<i64: 1, 768, 2048>}, {transform_indices = @transform_3, window_bounds = array<i64: 1, 2048, 768>}, {transform_indices = @transform_4, window_bounds = array<i64: 256, 768>}]} {
    %get3A = arith.constant 0 : index
    %get3A_0 = arith.constant 0 : index
    %get3A_1 = vector.load %arg2[%get3A, %get3A_0] : memref<256x768xf32, #tpu.memory_space<vmem>>, vector<256x768xf32>
    %convert_element_type3A = arith.truncf %get3A_1 : vector<256x768xf32> to vector<256x768xbf16>
    %get3A_2 = arith.constant 0 : index
    %get3A_3 = arith.constant 0 : index
    %get3A_4 = arith.constant 0 : index
    %get3A_5 = vector.load %arg3[%get3A_2, %get3A_3, %get3A_4] : memref<1x768x2048xbf16, #tpu.memory_space<vmem>>, vector<1x768x2048xbf16>
    %get3A_6 = vector.shape_cast %get3A_5 : vector<1x768x2048xbf16> to vector<768x2048xbf16>
    %dot_general3A = arith.constant dense<0.000000e+00> : vector<256x2048xf32>
    %dot_general3A_7 = tpu.matmul %convert_element_type3A, %get3A_6, %dot_general3A {dimension_numbers = #tpu.dot_dimension_numbers<[1], [0], [0], [1], [0, 0, 1, 1], [], []>, transpose_lhs_hint = false} : vector<256x768xbf16>, vector<768x2048xbf16>, vector<256x2048xf32> -> vector<256x2048xf32>
    %get3A_8 = arith.constant 0 : index
    %get3A_9 = arith.constant 0 : index
    %get3A_10 = arith.constant 0 : index
    %get3A_11 = vector.load %arg4[%get3A_8, %get3A_9, %get3A_10] : memref<1x768x2048xbf16, #tpu.memory_space<vmem>>, vector<1x768x2048xbf16>
    %get3A_12 = vector.shape_cast %get3A_11 : vector<1x768x2048xbf16> to vector<768x2048xbf16>
    %dot_general3A_13 = arith.constant dense<0.000000e+00> : vector<256x2048xf32>
    %dot_general3A_14 = tpu.matmul %convert_element_type3A, %get3A_12, %dot_general3A_13 {dimension_numbers = #tpu.dot_dimension_numbers<[1], [0], [0], [1], [0, 0, 1, 1], [], []>, transpose_lhs_hint = false} : vector<256x768xbf16>, vector<768x2048xbf16>, vector<256x2048xf32> -> vector<256x2048xf32>
    %logistic3A = arith.negf %dot_general3A_7 : vector<256x2048xf32>
    %logistic3A_15 = math.exp %logistic3A : vector<256x2048xf32>
    %logistic3A_16 = arith.constant 1.000000e+00 : f32
    %logistic3A_17 = vector.broadcast %logistic3A_16 : f32 to vector<256x2048xf32>
    %logistic3A_18 = arith.addf %logistic3A_17, %logistic3A_15 : vector<256x2048xf32>
    %logistic3A_19 = arith.divf %logistic3A_17, %logistic3A_18 : vector<256x2048xf32>
    %mul3A = arith.mulf %dot_general3A_7, %logistic3A_19 : vector<256x2048xf32>
    %mul3A_20 = arith.mulf %mul3A, %dot_general3A_14 : vector<256x2048xf32>
    %convert_element_type3A_21 = arith.truncf %mul3A_20 : vector<256x2048xf32> to vector<256x2048xbf16>
    %get3A_22 = arith.constant 0 : index
    %get3A_23 = arith.constant 0 : index
    %get3A_24 = arith.constant 0 : index
    %get3A_25 = vector.load %arg5[%get3A_22, %get3A_23, %get3A_24] : memref<1x2048x768xbf16, #tpu.memory_space<vmem>>, vector<1x2048x768xbf16>
    %get3A_26 = vector.shape_cast %get3A_25 : vector<1x2048x768xbf16> to vector<2048x768xbf16>
    %dot_general3A_27 = arith.constant dense<0.000000e+00> : vector<256x768xf32>
    %dot_general3A_28 = tpu.matmul %convert_element_type3A_21, %get3A_26, %dot_general3A_27 {dimension_numbers = #tpu.dot_dimension_numbers<[1], [0], [0], [1], [0, 0, 1, 1], [], []>, transpose_lhs_hint = false} : vector<256x2048xbf16>, vector<2048x768xbf16>, vector<256x768xf32> -> vector<256x768xf32>
    %swap3A = arith.constant 0 : index
    %swap3A_29 = arith.constant 0 : index
    %swap3A_30 = vector.load %arg6[%swap3A, %swap3A_29] : memref<256x768xf32, #tpu.memory_space<vmem>>, vector<256x768xf32>
    tpu.vector_store %arg6[%swap3A, %swap3A_29], %dot_general3A_28 {strides = array<i32>} : memref<256x768xf32, #tpu.memory_space<vmem>>, vector<256x768xf32>,
    return
  }
  func.func @transform_0(%arg0: i32, %arg1: memref<64xi32, #tpu.memory_space<smem>>) -> (i32, i32) {
    %c0_i32 = arith.constant 0 : i32
    %c0_i32_0 = arith.constant 0 : i32
    return %arg0, %c0_i32 : i32, i32
  }
  func.func @transform_1(%arg0: i32, %arg1: memref<64xi32, #tpu.memory_space<smem>>) -> (i32, i32, i32) {
    %get3A = arith.index_cast %arg0 : i32 to index
    %get3A_0 = memref.load %arg1[%get3A] : memref<64xi32, #tpu.memory_space<smem>>
    %c0_i32 = arith.constant 0 : i32
    %c0_i32_1 = arith.constant 0 : i32
    %c0_i32_2 = arith.constant 0 : i32
    return %get3A_0, %c0_i32, %c0_i32_1 : i32, i32, i32
  }
  func.func @transform_2(%arg0: i32, %arg1: memref<64xi32, #tpu.memory_space<smem>>) -> (i32, i32, i32) {
    %get3A = arith.index_cast %arg0 : i32 to index
    %get3A_0 = memref.load %arg1[%get3A] : memref<64xi32, #tpu.memory_space<smem>>
    %c0_i32 = arith.constant 0 : i32
    %c0_i32_1 = arith.constant 0 : i32
    %c0_i32_2 = arith.constant 0 : i32
    return %get3A_0, %c0_i32, %c0_i32_1 : i32, i32, i32
  }
  func.func @transform_3(%arg0: i32, %arg1: memref<64xi32, #tpu.memory_space<smem>>) -> (i32, i32, i32) {
    %get3A = arith.index_cast %arg0 : i32 to index
    %get3A_0 = memref.load %arg1[%get3A] : memref<64xi32, #tpu.memory_space<smem>>
    %c0_i32 = arith.constant 0 : i32
    %c0_i32_1 = arith.constant 0 : i32
    %c0_i32_2 = arith.constant 0 : i32
    return %get3A_0, %c0_i32, %c0_i32_1 : i32, i32, i32
  }
  func.func @transform_4(%arg0: i32, %arg1: memref<64xi32, #tpu.memory_space<smem>>) -> (i32, i32) {
    %c0_i32 = arith.constant 0 : i32
    %c0_i32_0 = arith.constant 0 : i32
    return %arg0, %c0_i32 : i32, i32
  }
}

</mosaic_0001>

<sc_bundles>
// kernel: kernel.6.cloned.1.call-start
scs
__scs_entry_jumppad:
0x0: {  	(pc) =	sbr.rel $0x88, $3  }
0x1: {  	(tag) =	ssettag $0x0;
	lr =	simm.s32 $0x1  }
0x2: {  	[smem:$0x3F9C] =	sst lr;
	_ =	strace $0xD0000000  }
0x3: {  	_ = 	snop  }
0x4: {  	_ = 	snop  }
0x5: {  	_ = 	snop  }
0x6: {  	_ = 	snop  }
0x7: {  	_ = 	snop  }
__scs_overlays_trampoline_lowered:
0x8: {  	[smem:$0x3FAB] =	sst s0  }
0x9: {  	[smem:$0x3FAC] =	sst s1  }
0xa: {  	[smem:$0x3FAD] =	sst s2  }
0xb: {  	[smem:$0x3FAE] =	sst s3  }
0xc: {  	[smem:$0x3FAF] =	sst s4  }
0xd: {  	[smem:$0x3FB0] =	sst s5  }
0xe: {  	[smem:$0x3FB1] =	sst s6  }
0xf: {  	[smem:$0x3FB2] =	sst s7  }
0x10: {  	[smem:$0x3FB3] =	sst s8  }
0x11: {  	[smem:$0x3FB4] =	sst s9;
	s0 =	simm.s32 @!p0 $0x0  }
0x12: {  	s1 =	sld [smem:$0x3F9A];
	s0 =	simm.s32 @p0 $0x1  }
0x13: {  	[smem:$0x3FB5] =	sst s0;
	s0 =	simm.s32 @!p1 $0x0  }
0x14: {  	s2 =	sld [smem:$0x3F99];
	s0 =	simm.s32 @p1 $0x1  }
0x15: {  	[smem:$0x3FB6] =	sst s0;
	s0 =	simm.s32 @!p2 $0x0  }
0x16: {  	s3 =	sld [smem:$0x3FDB];
	s0 =	simm.s32 @p2 $0x1  }
0x17: {  	s4 =	simm.s32 $0x1BF5;
	[smem:$0x3FB8] =	sst s0  }
0x18: {  	s0 =	sld [smem:$0x3F9B];
	_ =	swait.ge [sflag:s4], $0x0  }
0x19: {  	s7 =	sld [smem:$0x3F9C]  }
0x1a: {  	s8 =	sadd.s32 $0xFFFFE003, lr  }
0x1b: {  	s9 =	sadd.s32 $0xFFFFFEF7, lr;
	s5 =	simm.s32 $0xFFFFFFFF;
	p2 =	slt.u32 s8, $0xFFFFF086  }
0x1c: {  	p1 =	slt.u32 s9, $0xF7A;
	s5 =	simm.s32 @!p2 $0x0  }
0x1d: {  	s5 =	simm.s32 @p1 $0x1;
	p0 =	seq.s32 s7, s2  }
0x1e: {  	s7 =	smul.u32 @!p0 $0xF7A, s2;
	p2 =	seq.s32 @!p0 s5, $0x0  }
0x1f: {  	s9 =	smul.u32 $0xF7A, s1;
	s8 =	simm.s32 @!p0 $0x1BF5;
	p2 =	por !p2, p0  }
0x20: {  	[sflag:s8] =	ssyncset.s32 @!p0 $0xFFFFF086;
	s6 =	sadd.s32 @!p0 s3, s7;
	s7 =	simm.s32 @!p0 $0x108  }
0x21: {  	s3 =	sadd.s32 s3, s9;
	s6 =	sadd.s32 @!p0 $0x88, s6;
	s7 =	simm.s32 @p2 $0x1082  }
0x22: {  	[simem:s7], [sflag:s8] =	dma.local @!p0 [hbm:s6], $0xF7A  }
0x23: {  	s9 =	sor.u32 $0xD0000000, s2;
	s6 =	simm.s32 $0x108;
	_ =	swait.ge @!p0 [sflag:s8], $0x0  }
0x24: {  	s3 =	sadd.s32 $0x88, s3;
	s6 =	simm.s32 @!p1 $0x1082;
	[sflag:s4] =	ssyncset.s32 $0xFFFFF086  }
0x25: {  	[simem:s6], [sflag:s4] =	dma.local [hbm:s3], $0xF7A  }
0x26: {  	[smem:$0x3F9C] =	sst s1;
	(tag) =	ssettag s2;
	_ =	strace s9  }
0x27: {  	s1 =	sld [smem:$0x3FAC]  }
0x28: {  	s2 =	sld [smem:$0x3FAD]  }
0x29: {  	s4 =	sld [smem:$0x3FAF]  }
0x2a: {  	p0 =	seq.s32 s5, $0x0;
	s5 =	sld [smem:$0x3FB0]  }
0x2b: {  	s6 =	sld [smem:$0x3FB1]  }
0x2c: {  	s7 =	sld [smem:$0x3FB2]  }
0x2d: {  	s3 =	simm.s32 $0x108;
	s8 =	sld [smem:$0x3FB3]  }
0x2e: {  	s3 =	simm.s32 @!p0 $0x1082;
	s9 =	sld [smem:$0x3FB4]  }
0x2f: {  	lr =	sadd.s32 s0, s3;
	s0 =	sld [smem:$0x3FAB]  }
0x30: {  	s3 =	sld [smem:$0x3FAE]  }
0x31: {  	[smem:$0x3FB7] =	sst s10  }
0x32: {  	s10 =	sld [smem:$0x3FB5];
	_ =	sdelay $0x3  }
0x33: {  	p0 =	seq.s32 s10, $0x1;
	s10 =	sld [smem:$0x3FB7];
	_ =	sdelay $0x3  }
0x34: {  	[smem:$0x3FB7] =	sst s10  }
0x35: {  	s10 =	sld [smem:$0x3FB6];
	_ =	sdelay $0x3  }
0x36: {  	p1 =	seq.s32 s10, $0x1;
	s10 =	sld [smem:$0x3FB7];
	_ =	sdelay $0x3  }
0x37: {  	[smem:$0x3FB7] =	sst s10  }
0x38: {  	s10 =	sld [smem:$0x3FB8]  }
0x39: {  	_ = 	snop;
	(pc) =	sbr.ind lr, $3  }
0x3a: {  	_ = 	snop  }
0x3b: {  	_ = 	snop  }
0x3c: {  	p2 =	seq.s32 s10, $0x1;
	s10 =	sld [smem:$0x3FB7]  }
0x3d: {  	_ =	shalt  }
0x3e: {  	_ =	shalt  }
0x3f: {  	_ =	shalt  }
0x40: {  	_ =	shalt  }
0x41: {  	_ =	shalt  }
0x42: {  	_ =	shalt  }
0x43: {  	_ =	shalt  }
0x44: {  	_ =	shalt  }
0x45: {  	_ =	shalt  }
0x46: {  	_ =	shalt  }
0x47: {  	_ =	shalt  }
0x48: {  	_ =	shalt  }
0x49: {  	_ =	shalt  }
0x4a: {  	_ =	shalt  }
0x4b: {  	_ =	shalt  }
0x4c: {  	_ =	shalt  }
0x4d: {  	_ =	shalt  }
0x4e: {  	_ =	shalt  }
0x4f: {  	_ =	shalt  }
0x50: {  	_ =	shalt  }
0x51: {  	_ =	shalt  }
0x52: {  	_ =	shalt  }
0x53: {  	_ =	shalt  }
0x54: {  	_ =	shalt  }
0x55: {  	_ =	shalt  }
0x56: {  	_ =	shalt  }
0x57: {  	_ =	shalt  }
0x58: {  	_ =	shalt  }
0x59: {  	_ =	shalt  }
0x5a: {  	_ =	shalt  }
0x5b: {  	_ =	shalt  }
0x5c: {  	_ =	shalt  }
0x5d: {  	_ =	shalt  }
0x5e: {  	_ =	shalt  }
0x5f: {  	_ =	shalt  }
0x60: {  	_ =	shalt  }
0x61: {  	_ =	shalt  }
0x62: {  	_ =	shalt  }
0x63: {  	_ =	shalt  }
0x64: {  	_ =	shalt  }
0x65: {  	_ =	shalt  }
0x66: {  	_ =	shalt  }
0x67: {  	_ =	shalt  }
0x68: {  	_ =	shalt  }
0x69: {  	_ =	shalt  }
0x6a: {  	_ =	shalt  }
0x6b: {  	_ =	shalt  }
0x6c: {  	_ =	shalt  }
0x6d: {  	_ =	shalt  }
0x6e: {  	_ =	shalt  }
0x6f: {  	_ =	shalt  }
0x70: {  	_ =	shalt  }
0x71: {  	_ =	shalt  }
0x72: {  	_ =	shalt  }
0x73: {  	_ =	shalt  }
0x74: {  	_ =	shalt  }
0x75: {  	_ =	shalt  }
0x76: {  	_ =	shalt  }
0x77: {  	_ =	shalt  }
0x78: {  	_ =	shalt  }
0x79: {  	_ =	shalt  }
0x7a: {  	_ =	shalt  }
0x7b: {  	_ =	shalt  }
0x7c: {  	_ =	shalt  }
0x7d: {  	_ =	shalt  }
0x7e: {  	_ =	shalt  }
0x7f: {  	_ =	shalt  }
0x80: {  	_ =	shalt  }
0x81: {  	_ =	shalt  }
0x82: {  	_ =	shalt  }
0x83: {  	_ =	shalt  }
0x84: {  	_ =	shalt  }
0x85: {  	_ =	shalt  }
0x86: {  	_ =	shalt  }
0x87: {  	_ =	shalt  }
.Lfunc_end0:
.L_simem_size_0:
called_computation_lowered:
.L_overlay_start_0:
0x88: {  	s2 =	sld [smem:$0x3FD9]  }
0x89: {  	s3 =	sld [smem:$0x3FFE];
	_ =	sdelay $0x1  }
0x8a: {  	s1 =	srdreg.scid  }
0x8b: {  	s0 =	sand.u32 $0x1, s1  }
0x8c: {  	s17 =	sshll.u32 s0, $0xA;
	s2 =	sadd.s32 s3, s2  }
0x8d: {  	s2 =	sadd.s32 s2, s17  }
0x8e: {  	[smem:$0x3FC3] =	sst s2  }
0x8f: {  	_ = 	snop  }
0x90: {  	s2 =	sld [smem:$0x3FC9]  }
0x91: {  	s18 =	sld [smem:$0x3FD0];
	(tm) =	ssettm $0x1  }
0x92: {  	s4 =	sld [smem:$0x3FFB];
	_ =	sdelay $0x3  }
0x93: {  	_ =	strace s4  }
0x94: {  	s4 =	sld [smem:$0x3FFC];
	_ =	sdelay $0x3  }
0x95: {  	_ =	strace s4  }
0x96: {  	s4 =	sld [smem:$0x3FFD];
	_ =	sdelay $0x3  }
0x97: {  	_ =	strace s4  }
0x98: {  	_ =	strace $0x8FFFFFFF  }
0x99: {  	s19 =	sld [smem:$0x3FDB];
	_ =	sdelay $0x1  }
0x9a: {  	s5 =	simm.s32 $_scs_section_size  }
0x9b: {  	s6 =	simm.s32 $_size__tile_overlayer_lowered;
	s7 =	simm.s32 $_tile_overlayer_lowered  }
0x9c: {  	s22 =	simm.s32 $0x1BFF;
	s21 =	sshll.u32 s7, $0x1;
	s4 =	sadd.s32 s5, s19  }
0x9d: {  	s8 =	simm.s32 $0x0;
	s20 =	sshll.u32 s6, $0x1;
	s6 =	sadd.s32 s21, s4  }
0x9e: {  	[timem:s8], [sflag:s22] =	dma.local [hbm:s6], s20  }
0x9f: {  	_ =	swait.ge [sflag:s22], s20  }
0xa0: {  	s5 =	ssub.s32 $0x0, s20;
	[sflag:s22] =	ssyncset.done $0x0  }
0xa1: {  	[sflag:s22] =	ssyncadd.s32 s5;
	_ =	sdelay $0x1  }
0xa2: {  	s23 =	simm.s32 $0x1B8B  }
0xa3: {  	_ =	swait.ge [sflag:s23], $0x1  }
0xa4: {  	[sflag:s23] =	ssyncset.done $0x0  }
0xa5: {  	s25 =	simm.s32 $0x1B8E;
	s24 =	sld [smem:$0x3FFE];
	[sflag:s23] =	ssyncadd.s32 $0xFFFFFFFF  }
0xa6: {  	s26 =	simm.s32 $execute0_lowered;
	[smem:$0x3FD2] =	sst s25  }
0xa7: {  	s6 =	sshll.u32 s26, $0x1;
	_ =	strace $0x80000046;
	[dreg:$0x1] =	wrdreg $0xFFFFFFFF  }
0xa8: {  	s28 =	simm.s32 $_size_execute0_lowered;
	s4 =	sadd.s32 s4, s6;
	[dreg:$0x0] =	wrdreg $0x0  }
0xa9: {  	s6 =	sshll.u32 s28, $0x1;
	[dreg:$0x2] =	wrdreg s4  }
0xaa: {  	[dreg:$0x3] =	wrdreg s6  }
0xab: {  	[dreg:$0x4] =	wrdreg $0xC0  }
0xac: {  	_ =	task [dreg:s8], $0x5FFFF  }
0xad: {  	[dreg:$0x1] =	wrdreg $0xFFFFFFFF  }
0xae: {  	[dreg:$0x0] =	wrdreg $0x60  }
0xaf: {  	[dreg:$0x2] =	wrdreg s2  }
0xb0: {  	[dreg:$0x3] =	wrdreg s18  }
0xb1: {  	[dreg:$0x4] =	wrdreg s24  }
0xb2: {  	[dreg:$0x5] =	wrdreg $0x9  }
0xb3: {  	_ =	task.clear_ibuf [dreg:s8], $0x6FFFF;
	_ =	strace $0x90000046  }
0xb4: {  	s29 =	simm.s32 $0x9;
	_ =	strace $0x80000048  }
0xb5: {  	_ =	swait.ge [sflag:s29], $0x1  }
0xb6: {  	[sflag:s29] =	ssyncadd.s32 $0xFFFFFFFF  }
0xb7: {  	_ =	strace $0x90000048  }
0xb8: {  	_ =	sfence  }
0xb9: {  	s30 =	sld [smem:$0x0];
	_ =	sdelay $0x2  }
0xba: {  	s31 =	sshll.u32 s1, $0xD;
	s1 =	sshrl.u32 s1, $0x2  }
0xbb: {  	s3 =	sand.u32 $0x4000, s31;
	s1 =	sadd.s32 s1, s30  }
0xbc: {  	s0 =	sor.u32 s3, s0;
	s1 =	sshll.u32 s1, $0x11  }
0xbd: {  	s0 =	sor.u32 s1, s0  }
0xbe: {  	s0 =	sadd.s32 $0x8F2B, s0  }
0xbf: {  	[sflag:s0] =	ssyncadd.remote.s32 $0x1  }
0xc0: {  	_ =	sfence.sel $0xFFFF  }
0xc1: {  	[dreg:$0x0] =	wrdreg $0xFFFFFFFF;
	(pc) =	sbr.abs _section_cstart, $3  }
0xc2: {  	[dreg:$0x1] =	wrdreg $0xFFFFFFFF  }
0xc3: {  	_ =	task.clear_ibuf [dreg:s8], $0x2FFFF;
	_ =	strace $0x9FFFFFFF  }
0xc4: {  	(tm) =	ssettm $0x7FFFFFFF  }
0xc5: {  	_ =	shalt  }
tec
execute0_lowered:
.L_overlay_start_1:
0x0: {  	(tag) =	ssettag $0x1  }
0x1: {  	s1 =	srdreg.scid  }
0x2: {  	s3 =	rddreg [dreg:$0x0];
	s0 =	stileid.u32;
	s1 =	sand.u32 $0x1, s1  }
0x3: {  	s4 =	rddreg [dreg:$0x1];
	s2 =	sshll.u32 s0, $0x5;
	s5 =	sshll.u32 s1, $0x4  }
0x4: {  	s6 =	rddreg [dreg:$0x2];
	s5 =	sor.u32 s5, s2;
	s2 =	simm.s32 $0x0  }
0x5: {  	[smem:$0x7FF] =	sst s2;
	s4 =	sadd.s32 s4, s5  }
0x6: {  	s24 =	simm.s32 $0x880;
	_ =	strace $0x80000047;
	[dreg:$0x4] =	wrdreg s4  }
0x7: {  	s25 =	simm.s32 $0x1080;
	[dreg:$0x6] =	wrdreg s24  }
0x8: {  	s26 =	simm.s32 $0x1880;
	[dreg:$0x7] =	wrdreg s25  }
0x9: {  	s0 =	simm.s32 $0x2080;
	[dreg:$0x8] =	wrdreg s26  }
0xa: {  	s7 =	sand.u32 $0xF0, s5;
	s5 =	simm.s32 $0x3080;
	[dreg:$0x9] =	wrdreg s0  }
0xb: {  	s8 =	simm.s32 $0x4080;
	[dreg:$0xb] =	wrdreg s5  }
0xc: {  	s9 =	simm.s32 $0x4880;
	[dreg:$0xd] =	wrdreg s8  }
0xd: {  	s10 =	simm.s32 $0x5080;
	[dreg:$0xe] =	wrdreg s9  }
0xe: {  	s11 =	simm.s32 $0x5880;
	[dreg:$0xf] =	wrdreg s10  }
0xf: {  	s12 =	simm.s32 $0x6080;
	[dreg:$0x10] =	wrdreg s11  }
0x10: {  	s13 =	simm.s32 $0x6880;
	[dreg:$0x11] =	wrdreg s12  }
0x11: {  	s14 =	simm.s32 $0x7080;
	s15 =	simm.s32 $0x7880;
	[dreg:$0x12] =	wrdreg s13  }
0x12: {  	s16 =	simm.s32 $0x8080;
	s17 =	simm.s32 $0x8880;
	[dreg:$0x13] =	wrdreg s14  }
0x13: {  	s18 =	simm.s32 $0x9080;
	s20 =	simm.s32 $0x9880;
	[dreg:$0x14] =	wrdreg s15  }
0x14: {  	s21 =	simm.s32 $0xA080;
	s22 =	simm.s32 $0xA880;
	[dreg:$0x15] =	wrdreg s16  }
0x15: {  	s23 =	simm.s32 $0xB080;
	s28 =	simm.s32 $0x16080;
	[dreg:$0x16] =	wrdreg s17  }
0x16: {  	s29 =	simm.s32 $0x16880;
	s1 =	ssub.s32 $0x2, s1;
	[dreg:$0x17] =	wrdreg s18  }
0x17: {  	s30 =	simm.s32 $0x17080;
	s19 =	sshrl.u32 s1, $0x1;
	[dreg:$0x18] =	wrdreg s20  }
0x18: {  	s31 =	simm.s32 $0x17880;
	s1 =	ssub.s32 s1, s19;
	[dreg:$0x19] =	wrdreg s21  }
0x19: {  	s19 =	simm.s32 $0x12080;
	s7 =	smul.u32 $0x300, s7;
	[dreg:$0x1a] =	wrdreg s22  }
0x1a: {  	s4 =	simm.s32 $0x2880;
	s5 =	sadd.s32 $0xA00, s6;
	[dreg:$0x1b] =	wrdreg s23  }
0x1b: {  	s24 =	simm.s32 $0xB880;
	s25 =	simm.s32 $0xC080;
	s8 =	simm.s32 $0x80  }
0x1c: {  	s26 =	simm.s32 $0xC880;
	s10 =	simm.s32 $0xD880;
	s11 =	simm.s32 $0xE080  }
0x1d: {  	s12 =	simm.s32 $0xE880;
	s13 =	simm.s32 $0xF080;
	s14 =	simm.s32 $0xF880  }
0x1e: {  	s15 =	simm.s32 $0x10080;
	s16 =	simm.s32 $0x10880;
	s17 =	simm.s32 $0x11080  }
0x1f: {  	s18 =	simm.s32 $0x11880;
	s20 =	simm.s32 $0x12880;
	[dreg:$0xa] =	wrdreg s4  }
0x20: {  	s21 =	simm.s32 $0x13080;
	s22 =	simm.s32 $0x13880;
	[dreg:$0x1c] =	wrdreg s24  }
0x21: {  	s23 =	simm.s32 $0x14080;
	s4 =	sadd.s32 $0x900, s6;
	[dreg:$0x1d] =	wrdreg s25  }
0x22: {  	[dreg:$0x1e] =	wrdreg s26;
	s24 =	simm.s32 $0x14880;
	s3 =	sadd.s32 s3, s7  }
0x23: {  	v2 =	vlaneseq.u32;
	s25 =	simm.s32 $0x15080;
	s7 =	simm.s32 $0x3880;
	[dreg:$0x5] =	wrdreg s3  }
0x24: {  	vm0 =	vmmov $0xffff;
	v1 =	vshrl.u32 v2, $0x3;
	s26 =	simm.s32 $0x15880;
	[dreg:$0xc] =	wrdreg s7;
	s3 =	sadd.s32 $0x800, s6  }
0x25: {  	v0 =	vand.u32 $0x7, v2;
	v2 =	vor.u32 $0x8, v2;
	v1 =	vmul.u32 $0x8, v1;
	s6 =	smax.u32 s1, $0x1;
	s7 =	simm.s32 $0x2;
	s1 =	simm.s32 $0x1  }
.LBB2_1:
0x26: {  	s0 =	rddreg [dreg:$0x4]  }
0x27: {  	[tilespmem:s2], [sflag:$0x2] =	stream.linear.gather [hbm4b:s0+s2], $0x80, $0x38;
	[tilespmem:$0x18080] =	vst v63  }
0x28: {  	_ =	swait.ge [sflag:s7], $0x80  }
0x29: {  	[sflag:s7] =	ssyncset.done $0x0  }
0x2a: {  	s9 =	rddreg [dreg:$0x5];
	[sflag:s7] =	ssyncadd.s32 $0xFFFFFF80  }
0x2b: {  	[tilespmem:s8], [sflag:$0x2] =	stream.linear.gather [hbm4b:s9+s2], $0x18000, $0x38;
	[tilespmem:$0x18080] =	vst v63  }
0x2c: {  	_ =	swait.ge [sflag:s7], $0x18000  }
0x2d: {  	[sflag:s7] =	ssyncset.done $0x0  }
0x2e: {  	[sflag:s7] =	ssyncadd.s32 $0xFFFE8000  }
0x2f: {  	v3 =	vld [tilespmem:$0x0];
	_ =	sdelay $0x4  }
0x30: {  	v4 =	vshrl.u32 v3, $0x3  }
0x31: {  	v4 =	vmul.u32 $0x30, v4  }
0x32: {  	v3 =	vand.u32 $0x7, v3  }
0x33: {  	v3 =	vor.u32 v3, v4  }
0x34: {  	v4 =	vperm.xlane v3, v0;
	_ =	sdelay $0x1  }
0x35: {  	v4 =	vadd.s32 v1, v4;
	_ =	sdelay $0x3  }
0x36: {  	v3 =	vperm.xlane v3, v2  }
0x37: {  	[hbm4b:s3+s2] =	stream.indirect_vreg.scatter [tilespmem:s8], [sflag:$0x1], $0x80, v4, vm0, $0xb8;
	[tilespmem:$0x18080] =	vst v63  }
0x38: {  	s0 =	rddreg [dreg:$0x6];
	v3 =	vadd.s32 v1, v3  }
0x39: {  	[hbm4b:s4+s2] =	stream.indirect_vreg.scatter [tilespmem:s0], [sflag:$0x1], $0x80, v4, vm0, $0xb8;
	[tilespmem:$0x18080] =	vst v63  }
0x3a: {  	s9 =	rddreg [dreg:$0x7]  }
0x3b: {  	[hbm4b:s5+s2] =	stream.indirect_vreg.scatter [tilespmem:s9], [sflag:$0x1], $0x80, v4, vm0, $0xb8;
	[tilespmem:$0x18080] =	vst v63  }
0x3c: {  	s0 =	rddreg [dreg:$0x8]  }
0x3d: {  	[hbm4b:s3+s2] =	stream.indirect_vreg.scatter [tilespmem:s0], [sflag:$0x1], $0x80, v3, vm0, $0xb8;
	[tilespmem:$0x18080] =	vst v63  }
0x3e: {  	s9 =	rddreg [dreg:$0x9]  }
0x3f: {  	[hbm4b:s4+s2] =	stream.indirect_vreg.scatter [tilespmem:s9], [sflag:$0x1], $0x80, v3, vm0, $0xb8;
	[tilespmem:$0x18080] =	vst v63  }
0x40: {  	s0 =	rddreg [dreg:$0xa]  }
0x41: {  	[hbm4b:s5+s2] =	stream.indirect_vreg.scatter [tilespmem:s0], [sflag:$0x1], $0x80, v3, vm0, $0xb8;
	[tilespmem:$0x18080] =	vst v63  }
0x42: {  	v3 =	vld [tilespmem:$0x10];
	_ =	sdelay $0x4  }
0x43: {  	v57 =	vshrl.u32 v3, $0x3  }
0x44: {  	v4 =	vmul.u32 $0x30, v57  }
0x45: {  	v3 =	vand.u32 $0x7, v3  }
0x46: {  	v3 =	vor.u32 v3, v4  }
0x47: {  	v4 =	vperm.xlane v3, v0;
	_ =	sdelay $0x1  }
0x48: {  	v4 =	vadd.s32 v1, v4;
	_ =	sdelay $0x3  }
0x49: {  	s0 =	rddreg [dreg:$0xb];
	v3 =	vperm.xlane v3, v2  }
0x4a: {  	[hbm4b:s3+s2] =	stream.indirect_vreg.scatter [tilespmem:s0], [sflag:$0x1], $0x80, v4, vm0, $0xb8;
	[tilespmem:$0x18080] =	vst v63  }
0x4b: {  	s9 =	rddreg [dreg:$0xc];
	v3 =	vadd.s32 v1, v3  }
0x4c: {  	[hbm4b:s4+s2] =	stream.indirect_vreg.scatter [tilespmem:s9], [sflag:$0x1], $0x80, v4, vm0, $0xb8;
	[tilespmem:$0x18080] =	vst v63  }
0x4d: {  	s0 =	rddreg [dreg:$0xd]  }
0x4e: {  	[hbm4b:s5+s2] =	stream.indirect_vreg.scatter [tilespmem:s0], [sflag:$0x1], $0x80, v4, vm0, $0xb8;
	[tilespmem:$0x18080] =	vst v63  }
0x4f: {  	s9 =	rddreg [dreg:$0xe]  }
0x50: {  	[hbm4b:s3+s2] =	stream.indirect_vreg.scatter [tilespmem:s9], [sflag:$0x1], $0x80, v3, vm0, $0xb8;
	[tilespmem:$0x18080] =	vst v63  }
0x51: {  	s0 =	rddreg [dreg:$0xf]  }
0x52: {  	[hbm4b:s4+s2] =	stream.indirect_vreg.scatter [tilespmem:s0], [sflag:$0x1], $0x80, v3, vm0, $0xb8;
	[tilespmem:$0x18080] =	vst v63  }
0x53: {  	s9 =	rddreg [dreg:$0x10]  }
0x54: {  	[hbm4b:s5+s2] =	stream.indirect_vreg.scatter [tilespmem:s9], [sflag:$0x1], $0x80, v3, vm0, $0xb8;
	[tilespmem:$0x18080] =	vst v63  }
0x55: {  	v3 =	vld [tilespmem:$0x20];
	_ =	sdelay $0x4  }
0x56: {  	v58 =	vshrl.u32 v3, $0x3  }
0x57: {  	v4 =	vmul.u32 $0x30, v58  }
0x58: {  	v3 =	vand.u32 $0x7, v3  }
0x59: {  	v3 =	vor.u32 v3, v4  }
0x5a: {  	v4 =	vperm.xlane v3, v0;
	_ =	sdelay $0x1  }
0x5b: {  	v4 =	vadd.s32 v1, v4;
	_ =	sdelay $0x3  }
0x5c: {  	s0 =	rddreg [dreg:$0x11];
	v3 =	vperm.xlane v3, v2  }
0x5d: {  	[hbm4b:s3+s2] =	stream.indirect_vreg.scatter [tilespmem:s0], [sflag:$0x1], $0x80, v4, vm0, $0xb8;
	[tilespmem:$0x18080] =	vst v63  }
0x5e: {  	s9 =	rddreg [dreg:$0x12];
	v3 =	vadd.s32 v1, v3  }
0x5f: {  	[hbm4b:s4+s2] =	stream.indirect_vreg.scatter [tilespmem:s9], [sflag:$0x1], $0x80, v4, vm0, $0xb8;
	[tilespmem:$0x18080] =	vst v63  }
0x60: {  	s0 =	rddreg [dreg:$0x13]  }
0x61: {  	[hbm4b:s5+s2] =	stream.indirect_vreg.scatter [tilespmem:s0], [sflag:$0x1], $0x80, v4, vm0, $0xb8;
	[tilespmem:$0x18080] =	vst v63  }
0x62: {  	s9 =	rddreg [dreg:$0x14]  }
0x63: {  	[hbm4b:s3+s2] =	stream.indirect_vreg.scatter [tilespmem:s9], [sflag:$0x1], $0x80, v3, vm0, $0xb8;
	[tilespmem:$0x18080] =	vst v63  }
0x64: {  	s0 =	rddreg [dreg:$0x15]  }
0x65: {  	[hbm4b:s4+s2] =	stream.indirect_vreg.scatter [tilespmem:s0], [sflag:$0x1], $0x80, v3, vm0, $0xb8;
	[tilespmem:$0x18080] =	vst v63  }
0x66: {  	s9 =	rddreg [dreg:$0x16]  }
0x67: {  	[hbm4b:s5+s2] =	stream.indirect_vreg.scatter [tilespmem:s9], [sflag:$0x1], $0x80, v3, vm0, $0xb8;
	[tilespmem:$0x18080] =	vst v63  }
0x68: {  	v3 =	vld [tilespmem:$0x30];
	_ =	sdelay $0x4  }
0x69: {  	v59 =	vshrl.u32 v3, $0x3  }
0x6a: {  	v4 =	vmul.u32 $0x30, v59  }
0x6b: {  	v3 =	vand.u32 $0x7, v3  }
0x6c: {  	v3 =	vor.u32 v3, v4  }
0x6d: {  	v4 =	vperm.xlane v3, v0;
	_ =	sdelay $0x1  }
0x6e: {  	v4 =	vadd.s32 v1, v4;
	_ =	sdelay $0x3  }
0x6f: {  	s0 =	rddreg [dreg:$0x17];
	v3 =	vperm.xlane v3, v2  }
0x70: {  	[hbm4b:s3+s2] =	stream.indirect_vreg.scatter [tilespmem:s0], [sflag:$0x1], $0x80, v4, vm0, $0xb8;
	[tilespmem:$0x18080] =	vst v63  }
0x71: {  	s9 =	rddreg [dreg:$0x18];
	v3 =	vadd.s32 v1, v3  }
0x72: {  	[hbm4b:s4+s2] =	stream.indirect_vreg.scatter [tilespmem:s9], [sflag:$0x1], $0x80, v4, vm0, $0xb8;
	[tilespmem:$0x18080] =	vst v63  }
0x73: {  	s0 =	rddreg [dreg:$0x19]  }
0x74: {  	[hbm4b:s5+s2] =	stream.indirect_vreg.scatter [tilespmem:s0], [sflag:$0x1], $0x80, v4, vm0, $0xb8;
	[tilespmem:$0x18080] =	vst v63  }
0x75: {  	s9 =	rddreg [dreg:$0x1a]  }
0x76: {  	[hbm4b:s3+s2] =	stream.indirect_vreg.scatter [tilespmem:s9], [sflag:$0x1], $0x80, v3, vm0, $0xb8;
	[tilespmem:$0x18080] =	vst v63  }
0x77: {  	s0 =	rddreg [dreg:$0x1b]  }
0x78: {  	[hbm4b:s4+s2] =	stream.indirect_vreg.scatter [tilespmem:s0], [sflag:$0x1], $0x80, v3, vm0, $0xb8;
	[tilespmem:$0x18080] =	vst v63  }
0x79: {  	s9 =	rddreg [dreg:$0x1c]  }
0x7a: {  	[hbm4b:s5+s2] =	stream.indirect_vreg.scatter [tilespmem:s9], [sflag:$0x1], $0x80, v3, vm0, $0xb8;
	[tilespmem:$0x18080] =	vst v63  }
0x7b: {  	v3 =	vld [tilespmem:$0x40];
	_ =	sdelay $0x4  }
0x7c: {  	v60 =	vshrl.u32 v3, $0x3  }
0x7d: {  	v4 =	vmul.u32 $0x30, v60  }
0x7e: {  	v3 =	vand.u32 $0x7, v3  }
0x7f: {  	v3 =	vor.u32 v3, v4  }
0x80: {  	v4 =	vperm.xlane v3, v0;
	_ =	sdelay $0x1  }
0x81: {  	v4 =	vadd.s32 v1, v4;
	_ =	sdelay $0x3  }
0x82: {  	s0 =	rddreg [dreg:$0x1d];
	v3 =	vperm.xlane v3, v2  }
0x83: {  	[hbm4b:s3+s2] =	stream.indirect_vreg.scatter [tilespmem:s0], [sflag:$0x1], $0x80, v4, vm0, $0xb8;
	[tilespmem:$0x18080] =	vst v63  }
0x84: {  	s9 =	rddreg [dreg:$0x1e];
	v3 =	vadd.s32 v1, v3  }
0x85: {  	[hbm4b:s4+s2] =	stream.indirect_vreg.scatter [tilespmem:s9], [sflag:$0x1], $0x80, v4, vm0, $0xb8;
	[tilespmem:$0x18080] =	vst v63  }
0x86: {  	s9 =	simm.s32 $0xD080  }
0x87: {  	[hbm4b:s5+s2] =	stream.indirect_vreg.scatter [tilespmem:s9], [sflag:$0x1], $0x80, v4, vm0, $0xb8;
	[tilespmem:$0x18080] =	vst v63  }
0x88: {  	_ = 	snop  }
0x89: {  	[hbm4b:s3+s2] =	stream.indirect_vreg.scatter [tilespmem:s10], [sflag:$0x1], $0x80, v3, vm0, $0xb8;
	[tilespmem:$0x18080] =	vst v63  }
0x8a: {  	_ = 	snop  }
0x8b: {  	[hbm4b:s4+s2] =	stream.indirect_vreg.scatter [tilespmem:s11], [sflag:$0x1], $0x80, v3, vm0, $0xb8;
	[tilespmem:$0x18080] =	vst v63  }
0x8c: {  	_ = 	snop  }
0x8d: {  	[hbm4b:s5+s2] =	stream.indirect_vreg.scatter [tilespmem:s12], [sflag:$0x1], $0x80, v3, vm0, $0xb8;
	[tilespmem:$0x18080] =	vst v63  }
0x8e: {  	v3 =	vld [tilespmem:$0x50];
	_ =	sdelay $0x4  }
0x8f: {  	v61 =	vshrl.u32 v3, $0x3  }
0x90: {  	v4 =	vmul.u32 $0x30, v61  }
0x91: {  	v3 =	vand.u32 $0x7, v3  }
0x92: {  	v3 =	vor.u32 v3, v4  }
0x93: {  	v4 =	vperm.xlane v3, v0;
	_ =	sdelay $0x1  }
0x94: {  	v4 =	vadd.s32 v1, v4;
	_ =	sdelay $0x3  }
0x95: {  	v3 =	vperm.xlane v3, v2  }
0x96: {  	[hbm4b:s3+s2] =	stream.indirect_vreg.scatter [tilespmem:s13], [sflag:$0x1], $0x80, v4, vm0, $0xb8;
	[tilespmem:$0x18080] =	vst v63  }
0x97: {  	v3 =	vadd.s32 v1, v3  }
0x98: {  	[hbm4b:s4+s2] =	stream.indirect_vreg.scatter [tilespmem:s14], [sflag:$0x1], $0x80, v4, vm0, $0xb8;
	[tilespmem:$0x18080] =	vst v63  }
0x99: {  	_ = 	snop  }
0x9a: {  	[hbm4b:s5+s2] =	stream.indirect_vreg.scatter [tilespmem:s15], [sflag:$0x1], $0x80, v4, vm0, $0xb8;
	[tilespmem:$0x18080] =	vst v63  }
0x9b: {  	_ = 	snop  }
0x9c: {  	[hbm4b:s3+s2] =	stream.indirect_vreg.scatter [tilespmem:s16], [sflag:$0x1], $0x80, v3, vm0, $0xb8;
	[tilespmem:$0x18080] =	vst v63  }
0x9d: {  	_ = 	snop  }
0x9e: {  	[hbm4b:s4+s2] =	stream.indirect_vreg.scatter [tilespmem:s17], [sflag:$0x1], $0x80, v3, vm0, $0xb8;
	[tilespmem:$0x18080] =	vst v63  }
0x9f: {  	_ = 	snop  }
0xa0: {  	[hbm4b:s5+s2] =	stream.indirect_vreg.scatter [tilespmem:s18], [sflag:$0x1], $0x80, v3, vm0, $0xb8;
	[tilespmem:$0x18080] =	vst v63  }
0xa1: {  	v3 =	vld [tilespmem:$0x60];
	_ =	sdelay $0x4  }
0xa2: {  	v62 =	vshrl.u32 v3, $0x3  }
0xa3: {  	v4 =	vmul.u32 $0x30, v62  }
0xa4: {  	v3 =	vand.u32 $0x7, v3  }
0xa5: {  	v3 =	vor.u32 v3, v4  }
0xa6: {  	v4 =	vperm.xlane v3, v0;
	_ =	sdelay $0x1  }
0xa7: {  	v4 =	vadd.s32 v1, v4;
	_ =	sdelay $0x3  }
0xa8: {  	v3 =	vperm.xlane v3, v2  }
0xa9: {  	[hbm4b:s3+s2] =	stream.indirect_vreg.scatter [tilespmem:s19], [sflag:$0x1], $0x80, v4, vm0, $0xb8;
	[tilespmem:$0x18080] =	vst v63  }
0xaa: {  	v3 =	vadd.s32 v1, v3  }
0xab: {  	[hbm4b:s4+s2] =	stream.indirect_vreg.scatter [tilespmem:s20], [sflag:$0x1], $0x80, v4, vm0, $0xb8;
	[tilespmem:$0x18080] =	vst v63  }
0xac: {  	_ = 	snop  }
0xad: {  	[hbm4b:s5+s2] =	stream.indirect_vreg.scatter [tilespmem:s21], [sflag:$0x1], $0x80, v4, vm0, $0xb8;
	[tilespmem:$0x18080] =	vst v63  }
0xae: {  	_ = 	snop  }
0xaf: {  	[hbm4b:s3+s2] =	stream.indirect_vreg.scatter [tilespmem:s22], [sflag:$0x1], $0x80, v3, vm0, $0xb8;
	[tilespmem:$0x18080] =	vst v63  }
0xb0: {  	_ = 	snop  }
0xb1: {  	[hbm4b:s4+s2] =	stream.indirect_vreg.scatter [tilespmem:s23], [sflag:$0x1], $0x80, v3, vm0, $0xb8;
	[tilespmem:$0x18080] =	vst v63  }
0xb2: {  	_ = 	snop  }
0xb3: {  	[hbm4b:s5+s2] =	stream.indirect_vreg.scatter [tilespmem:s24], [sflag:$0x1], $0x80, v3, vm0, $0xb8;
	[tilespmem:$0x18080] =	vst v63  }
0xb4: {  	v3 =	vld [tilespmem:$0x70];
	_ =	sdelay $0x4  }
0xb5: {  	v63 =	vshrl.u32 v3, $0x3  }
0xb6: {  	v4 =	vmul.u32 $0x30, v63  }
0xb7: {  	v3 =	vand.u32 $0x7, v3  }
0xb8: {  	v3 =	vor.u32 v3, v4  }
0xb9: {  	v4 =	vperm.xlane v3, v0;
	_ =	sdelay $0x1  }
0xba: {  	v4 =	vadd.s32 v1, v4;
	_ =	sdelay $0x3  }
0xbb: {  	v3 =	vperm.xlane v3, v2  }
0xbc: {  	[hbm4b:s3+s2] =	stream.indirect_vreg.scatter [tilespmem:s25], [sflag:$0x1], $0x80, v4, vm0, $0xb8;
	[tilespmem:$0x18080] =	vst v63  }
0xbd: {  	v3 =	vadd.s32 v1, v3  }
0xbe: {  	[hbm4b:s4+s2] =	stream.indirect_vreg.scatter [tilespmem:s26], [sflag:$0x1], $0x80, v4, vm0, $0xb8;
	[tilespmem:$0x18080] =	vst v63  }
0xbf: {  	_ = 	snop  }
0xc0: {  	[hbm4b:s5+s2] =	stream.indirect_vreg.scatter [tilespmem:s28], [sflag:$0x1], $0x80, v4, vm0, $0xb8;
	[tilespmem:$0x18080] =	vst v63  }
0xc1: {  	_ = 	snop  }
0xc2: {  	[hbm4b:s3+s2] =	stream.indirect_vreg.scatter [tilespmem:s29], [sflag:$0x1], $0x80, v3, vm0, $0xb8;
	[tilespmem:$0x18080] =	vst v63  }
0xc3: {  	p0 =	sne.s32 s6, $0x1  }
0xc4: {  	[hbm4b:s4+s2] =	stream.indirect_vreg.scatter [tilespmem:s30], [sflag:$0x1], $0x80, v3, vm0, $0xb8;
	[tilespmem:$0x18080] =	vst v63  }
.Ltmp0:
0xc5: {  	_ = 	snop;
	(pc) =	sbr.rel @p0 .LBB2_1-.Ltmp0, $4  }
0xc6: {  	[hbm4b:s5+s2] =	stream.indirect_vreg.scatter [tilespmem:s31], [sflag:$0x1], $0x80, v3, vm0, $0xb8;
	[tilespmem:$0x18080] =	vst v63  }
0xc7: {  	_ =	swait.ge [sflag:s1], $0x18000  }
0xc8: {  	[sflag:s1] =	ssyncset.done $0x0  }
0xc9: {  	s6 =	sadd.s32 $0xFFFFFFFF, s6;
	[sflag:s1] =	ssyncadd.s32 $0xFFFE8000  }
0xca: {  	_ =	sfence.sel $0x180000  }
0xcb: {  	[bflag:$0x0] =	sbarrier.arrive $0xFFFF  }
0xcc: {  	_ =	strace $0x90000047  }
0xcd: {  	s0 =	stileid.u32;
	[bflag:$0x2] =	sbarrier.arrive $0xFFFF  }
0xce: {  	p0 =	sne.s32 s0, $0x0;
	s0 =	rddreg [dreg:$0x3]  }
0xcf: {  	s0 =	sadd.s32 @!p0 $0x100000, s0  }
0xd0: {  	[sflag:s0] =	ssyncadd.tile.s32 @!p0 $0x1;
	_ =	shalt  }
.Lfunc_end2:
_tile_overlayer_lowered:
.L_overlay_start_2:
0xd1: {  	(tag) =	ssettag $0x2  }
0xd2: {  	s0 =	rddreg [dreg:$0x0];
	s2 =	stileid.u32  }
0xd3: {  	s1 =	rddreg [dreg:$0x1];
	p0 =	sne.s32 s2, $0x0  }
0xd4: {  	s3 =	rddreg [dreg:$0x2];
	[bflag:$0x3] =	sbarrier.arrive $0xFFFF;
	s2 =	simm.s32 @!p0 $0x1C02  }
0xd5: {  	[timem:s3], [sflag:s2] =	dma.local @!p0 [hbm:s0], s1  }
0xd6: {  	s0 =	simm.s32 @!p0 $0x2  }
0xd7: {  	_ =	swait.ge @!p0 [sflag:s0], s1  }
0xd8: {  	s1 =	ssub.s32 @!p0 $0x0, s1;
	[sflag:s0] =	ssyncset.done @!p0 $0x0  }
0xd9: {  	[sflag:s0] =	ssyncadd.s32 @!p0 s1  }
0xda: {  	[bflag:$0x3] =	sbarrier.arrive $0xFFFF  }
0xdb: {  	_ =	shalt  }

// kernel: kernel.9.cloned.1.call-start
scs
__scs_entry_jumppad:
0x0: {  	(pc) =	sbr.rel $0x88, $3  }
0x1: {  	(tag) =	ssettag $0x0;
	lr =	simm.s32 $0x1  }
0x2: {  	[smem:$0x3F9C] =	sst lr;
	_ =	strace $0xD0000000  }
0x3: {  	_ = 	snop  }
0x4: {  	_ = 	snop  }
0x5: {  	_ = 	snop  }
0x6: {  	_ = 	snop  }
0x7: {  	_ = 	snop  }
__scs_overlays_trampoline_lowered:
0x8: {  	[smem:$0x3FAB] =	sst s0  }
0x9: {  	[smem:$0x3FAC] =	sst s1  }
0xa: {  	[smem:$0x3FAD] =	sst s2  }
0xb: {  	[smem:$0x3FAE] =	sst s3  }
0xc: {  	[smem:$0x3FAF] =	sst s4  }
0xd: {  	[smem:$0x3FB0] =	sst s5  }
0xe: {  	[smem:$0x3FB1] =	sst s6  }
0xf: {  	[smem:$0x3FB2] =	sst s7  }
0x10: {  	[smem:$0x3FB3] =	sst s8  }
0x11: {  	[smem:$0x3FB4] =	sst s9;
	s0 =	simm.s32 @!p0 $0x0  }
0x12: {  	s1 =	sld [smem:$0x3F9A];
	s0 =	simm.s32 @p0 $0x1  }
0x13: {  	[smem:$0x3FB5] =	sst s0;
	s0 =	simm.s32 @!p1 $0x0  }
0x14: {  	s2 =	sld [smem:$0x3F99];
	s0 =	simm.s32 @p1 $0x1  }
0x15: {  	[smem:$0x3FB6] =	sst s0;
	s0 =	simm.s32 @!p2 $0x0  }
0x16: {  	s3 =	sld [smem:$0x3FDB];
	s0 =	simm.s32 @p2 $0x1  }
0x17: {  	s4 =	simm.s32 $0x1BF5;
	[smem:$0x3FB8] =	sst s0  }
0x18: {  	s0 =	sld [smem:$0x3F9B];
	_ =	swait.ge [sflag:s4], $0x0  }
0x19: {  	s7 =	sld [smem:$0x3F9C]  }
0x1a: {  	s8 =	sadd.s32 $0xFFFFE003, lr  }
0x1b: {  	s9 =	sadd.s32 $0xFFFFFEF7, lr;
	s5 =	simm.s32 $0xFFFFFFFF;
	p2 =	slt.u32 s8, $0xFFFFF086  }
0x1c: {  	p1 =	slt.u32 s9, $0xF7A;
	s5 =	simm.s32 @!p2 $0x0  }
0x1d: {  	s5 =	simm.s32 @p1 $0x1;
	p0 =	seq.s32 s7, s2  }
0x1e: {  	s7 =	smul.u32 @!p0 $0xF7A, s2;
	p2 =	seq.s32 @!p0 s5, $0x0  }
0x1f: {  	s9 =	smul.u32 $0xF7A, s1;
	s8 =	simm.s32 @!p0 $0x1BF5;
	p2 =	por !p2, p0  }
0x20: {  	[sflag:s8] =	ssyncset.s32 @!p0 $0xFFFFF086;
	s6 =	sadd.s32 @!p0 s3, s7;
	s7 =	simm.s32 @!p0 $0x108  }
0x21: {  	s3 =	sadd.s32 s3, s9;
	s6 =	sadd.s32 @!p0 $0x88, s6;
	s7 =	simm.s32 @p2 $0x1082  }
0x22: {  	[simem:s7], [sflag:s8] =	dma.local @!p0 [hbm:s6], $0xF7A  }
0x23: {  	s9 =	sor.u32 $0xD0000000, s2;
	s6 =	simm.s32 $0x108;
	_ =	swait.ge @!p0 [sflag:s8], $0x0  }
0x24: {  	s3 =	sadd.s32 $0x88, s3;
	s6 =	simm.s32 @!p1 $0x1082;
	[sflag:s4] =	ssyncset.s32 $0xFFFFF086  }
0x25: {  	[simem:s6], [sflag:s4] =	dma.local [hbm:s3], $0xF7A  }
0x26: {  	[smem:$0x3F9C] =	sst s1;
	(tag) =	ssettag s2;
	_ =	strace s9  }
0x27: {  	s1 =	sld [smem:$0x3FAC]  }
0x28: {  	s2 =	sld [smem:$0x3FAD]  }
0x29: {  	s4 =	sld [smem:$0x3FAF]  }
0x2a: {  	p0 =	seq.s32 s5, $0x0;
	s5 =	sld [smem:$0x3FB0]  }
0x2b: {  	s6 =	sld [smem:$0x3FB1]  }
0x2c: {  	s7 =	sld [smem:$0x3FB2]  }
0x2d: {  	s3 =	simm.s32 $0x108;
	s8 =	sld [smem:$0x3FB3]  }
0x2e: {  	s3 =	simm.s32 @!p0 $0x1082;
	s9 =	sld [smem:$0x3FB4]  }
0x2f: {  	lr =	sadd.s32 s0, s3;
	s0 =	sld [smem:$0x3FAB]  }
0x30: {  	s3 =	sld [smem:$0x3FAE]  }
0x31: {  	[smem:$0x3FB7] =	sst s10  }
0x32: {  	s10 =	sld [smem:$0x3FB5];
	_ =	sdelay $0x3  }
0x33: {  	p0 =	seq.s32 s10, $0x1;
	s10 =	sld [smem:$0x3FB7];
	_ =	sdelay $0x3  }
0x34: {  	[smem:$0x3FB7] =	sst s10  }
0x35: {  	s10 =	sld [smem:$0x3FB6];
	_ =	sdelay $0x3  }
0x36: {  	p1 =	seq.s32 s10, $0x1;
	s10 =	sld [smem:$0x3FB7];
	_ =	sdelay $0x3  }
0x37: {  	[smem:$0x3FB7] =	sst s10  }
0x38: {  	s10 =	sld [smem:$0x3FB8]  }
0x39: {  	_ = 	snop;
	(pc) =	sbr.ind lr, $3  }
0x3a: {  	_ = 	snop  }
0x3b: {  	_ = 	snop  }
0x3c: {  	p2 =	seq.s32 s10, $0x1;
	s10 =	sld [smem:$0x3FB7]  }
0x3d: {  	_ =	shalt  }
0x3e: {  	_ =	shalt  }
0x3f: {  	_ =	shalt  }
0x40: {  	_ =	shalt  }
0x41: {  	_ =	shalt  }
0x42: {  	_ =	shalt  }
0x43: {  	_ =	shalt  }
0x44: {  	_ =	shalt  }
0x45: {  	_ =	shalt  }
0x46: {  	_ =	shalt  }
0x47: {  	_ =	shalt  }
0x48: {  	_ =	shalt  }
0x49: {  	_ =	shalt  }
0x4a: {  	_ =	shalt  }
0x4b: {  	_ =	shalt  }
0x4c: {  	_ =	shalt  }
0x4d: {  	_ =	shalt  }
0x4e: {  	_ =	shalt  }
0x4f: {  	_ =	shalt  }
0x50: {  	_ =	shalt  }
0x51: {  	_ =	shalt  }
0x52: {  	_ =	shalt  }
0x53: {  	_ =	shalt  }
0x54: {  	_ =	shalt  }
0x55: {  	_ =	shalt  }
0x56: {  	_ =	shalt  }
0x57: {  	_ =	shalt  }
0x58: {  	_ =	shalt  }
0x59: {  	_ =	shalt  }
0x5a: {  	_ =	shalt  }
0x5b: {  	_ =	shalt  }
0x5c: {  	_ =	shalt  }
0x5d: {  	_ =	shalt  }
0x5e: {  	_ =	shalt  }
0x5f: {  	_ =	shalt  }
0x60: {  	_ =	shalt  }
0x61: {  	_ =	shalt  }
0x62: {  	_ =	shalt  }
0x63: {  	_ =	shalt  }
0x64: {  	_ =	shalt  }
0x65: {  	_ =	shalt  }
0x66: {  	_ =	shalt  }
0x67: {  	_ =	shalt  }
0x68: {  	_ =	shalt  }
0x69: {  	_ =	shalt  }
0x6a: {  	_ =	shalt  }
0x6b: {  	_ =	shalt  }
0x6c: {  	_ =	shalt  }
0x6d: {  	_ =	shalt  }
0x6e: {  	_ =	shalt  }
0x6f: {  	_ =	shalt  }
0x70: {  	_ =	shalt  }
0x71: {  	_ =	shalt  }
0x72: {  	_ =	shalt  }
0x73: {  	_ =	shalt  }
0x74: {  	_ =	shalt  }
0x75: {  	_ =	shalt  }
0x76: {  	_ =	shalt  }
0x77: {  	_ =	shalt  }
0x78: {  	_ =	shalt  }
0x79: {  	_ =	shalt  }
0x7a: {  	_ =	shalt  }
0x7b: {  	_ =	shalt  }
0x7c: {  	_ =	shalt  }
0x7d: {  	_ =	shalt  }
0x7e: {  	_ =	shalt  }
0x7f: {  	_ =	shalt  }
0x80: {  	_ =	shalt  }
0x81: {  	_ =	shalt  }
0x82: {  	_ =	shalt  }
0x83: {  	_ =	shalt  }
0x84: {  	_ =	shalt  }
0x85: {  	_ =	shalt  }
0x86: {  	_ =	shalt  }
0x87: {  	_ =	shalt  }
.Lfunc_end0:
.L_simem_size_0:
called_computation.1_lowered:
.L_overlay_start_0:
0x88: {  	s2 =	sld [smem:$0x3FD9]  }
0x89: {  	s3 =	sld [smem:$0x3FFE];
	_ =	sdelay $0x1  }
0x8a: {  	s1 =	srdreg.scid  }
0x8b: {  	s0 =	sand.u32 $0x1, s1  }
0x8c: {  	s17 =	sshll.u32 s0, $0xA;
	s2 =	sadd.s32 s3, s2  }
0x8d: {  	s2 =	sadd.s32 s2, s17  }
0x8e: {  	[smem:$0x3FC3] =	sst s2  }
0x8f: {  	_ = 	snop  }
0x90: {  	s2 =	sld [smem:$0x3FD0];
	(tm) =	ssettm $0x1  }
0x91: {  	s18 =	sld [smem:$0x3FFB];
	_ =	sdelay $0x3  }
0x92: {  	_ =	strace s18  }
0x93: {  	s3 =	sld [smem:$0x3FFC];
	_ =	sdelay $0x3  }
0x94: {  	_ =	strace s3  }
0x95: {  	s3 =	sld [smem:$0x3FFD];
	_ =	sdelay $0x3  }
0x96: {  	_ =	strace s3  }
0x97: {  	_ =	strace $0x8FFFFFFF  }
0x98: {  	s19 =	sld [smem:$0x3FDB];
	_ =	sdelay $0x1  }
0x99: {  	s4 =	simm.s32 $_scs_section_size  }
0x9a: {  	s5 =	simm.s32 $_size__tile_overlayer_lowered;
	s6 =	simm.s32 $_tile_overlayer_lowered  }
0x9b: {  	s22 =	simm.s32 $0x1BFF;
	s21 =	sshll.u32 s6, $0x1;
	s3 =	sadd.s32 s4, s19  }
0x9c: {  	s7 =	simm.s32 $0x0;
	s20 =	sshll.u32 s5, $0x1;
	s5 =	sadd.s32 s21, s3  }
0x9d: {  	[timem:s7], [sflag:s22] =	dma.local [hbm:s5], s20  }
0x9e: {  	_ =	swait.ge [sflag:s22], s20  }
0x9f: {  	s4 =	ssub.s32 $0x0, s20;
	[sflag:s22] =	ssyncset.done $0x0  }
0xa0: {  	[sflag:s22] =	ssyncadd.s32 s4;
	_ =	sdelay $0x1  }
0xa1: {  	s23 =	simm.s32 $0x1B8B  }
0xa2: {  	_ =	swait.ge [sflag:s23], $0x1  }
0xa3: {  	[sflag:s23] =	ssyncset.done $0x0  }
0xa4: {  	s25 =	simm.s32 $0x1B8E;
	s24 =	sld [smem:$0x3FFE];
	[sflag:s23] =	ssyncadd.s32 $0xFFFFFFFF  }
0xa5: {  	s26 =	simm.s32 $execute0_lowered;
	[smem:$0x3FD2] =	sst s25  }
0xa6: {  	s5 =	sshll.u32 s26, $0x1;
	_ =	strace $0x80000049;
	[dreg:$0x1] =	wrdreg $0xFFFFFFFF  }
0xa7: {  	s28 =	simm.s32 $_size_execute0_lowered;
	s3 =	sadd.s32 s3, s5;
	[dreg:$0x0] =	wrdreg $0x0  }
0xa8: {  	s5 =	sshll.u32 s28, $0x1;
	[dreg:$0x2] =	wrdreg s3  }
0xa9: {  	[dreg:$0x3] =	wrdreg s5  }
0xaa: {  	[dreg:$0x4] =	wrdreg $0xC0  }
0xab: {  	_ =	task [dreg:s7], $0x5FFFF  }
0xac: {  	[dreg:$0x1] =	wrdreg $0xFFFFFFFF  }
0xad: {  	[dreg:$0x0] =	wrdreg $0x60  }
0xae: {  	[dreg:$0x2] =	wrdreg s24  }
0xaf: {  	[dreg:$0x3] =	wrdreg s2  }
0xb0: {  	[dreg:$0x4] =	wrdreg $0x9  }
0xb1: {  	_ =	task.clear_ibuf [dreg:s7], $0x5FFFF;
	_ =	strace $0x90000049  }
0xb2: {  	s29 =	simm.s32 $0x9;
	_ =	strace $0x8000004B  }
0xb3: {  	_ =	swait.ge [sflag:s29], $0x1  }
0xb4: {  	[sflag:s29] =	ssyncadd.s32 $0xFFFFFFFF  }
0xb5: {  	_ =	strace $0x9000004B  }
0xb6: {  	_ =	sfence  }
0xb7: {  	s30 =	sld [smem:$0x0];
	_ =	sdelay $0x2  }
0xb8: {  	s31 =	sshll.u32 s1, $0xD;
	s1 =	sshrl.u32 s1, $0x2  }
0xb9: {  	s3 =	sand.u32 $0x4000, s31;
	s1 =	sadd.s32 s1, s30  }
0xba: {  	s0 =	sor.u32 s3, s0;
	s1 =	sshll.u32 s1, $0x11  }
0xbb: {  	s0 =	sor.u32 s1, s0  }
0xbc: {  	s0 =	sadd.s32 $0x8F2B, s0  }
0xbd: {  	[sflag:s0] =	ssyncadd.remote.s32 $0x1  }
0xbe: {  	_ =	sfence.sel $0xFFFF  }
0xbf: {  	[dreg:$0x0] =	wrdreg $0xFFFFFFFF;
	(pc) =	sbr.abs _section_cstart, $3  }
0xc0: {  	[dreg:$0x1] =	wrdreg $0xFFFFFFFF  }
0xc1: {  	_ =	task.clear_ibuf [dreg:s7], $0x2FFFF;
	_ =	strace $0x9FFFFFFF  }
0xc2: {  	(tm) =	ssettm $0x7FFFFFFF  }
0xc3: {  	_ =	shalt  }
tec
execute0_lowered:
.L_overlay_start_1:
0x0: {  	(tag) =	ssettag $0x1  }
0x1: {  	s0 =	rddreg [dreg:$0x0]  }
0x2: {  	s1 =	rddreg [dreg:$0x1];
	s3 =	srdreg.scid  }
0x3: {  	s2 =	simm.s32 $0x0;
	s5 =	stileid.u32;
	s14 =	simm.s32 $0x200  }
0x4: {  	s13 =	simm.s32 $0x13200;
	s15 =	simm.s32 $0x13A00;
	s16 =	simm.s32 $0x14200  }
0x5: {  	s17 =	simm.s32 $0x14A00;
	s18 =	simm.s32 $0x15200;
	s19 =	simm.s32 $0x15A00  }
0x6: {  	s20 =	simm.s32 $0x16200;
	s21 =	simm.s32 $0x16A00;
	s22 =	simm.s32 $0x17200  }
0x7: {  	s23 =	simm.s32 $0x17A00;
	s24 =	simm.s32 $0x1;
	s25 =	simm.s32 $0x0  }
0x8: {  	s4 =	sand.u32 $0x1, s3;
	[smem:$0x7FF] =	sst s2;
	s28 =	sshll.u32 s5, $0x7  }
0x9: {  	s3 =	sadd.s32 $0x800, s0;
	s7 =	sadd.s32 $0x90A00, s0;
	s29 =	sshll.u32 s4, $0x6  }
0xa: {  	s9 =	sadd.s32 $0x90800, s0;
	s4 =	ssub.s32 $0x2, s4;
	s6 =	sor.u32 s29, s28  }
0xb: {  	_ =	strace $0x8000004A;
	s11 =	sshrl.u32 s4, $0x1;
	s8 =	sshll.u32 s6, $0x1  }
0xc: {  	s11 =	ssub.s32 s4, s11;
	s12 =	sshrl.u32 s6, $0x3;
	s10 =	sand.u32 $0xF00, s8  }
0xd: {  	s5 =	sor.u32 s29, s8;
	s12 =	smul.u32 $0x300, s12;
	s8 =	sadd.s32 $0x900, s0  }
0xe: {  	s11 =	smax.u32 s11, $0x1;
	s10 =	sor.u32 s29, s10;
	s5 =	sshrl.u32 s5, $0x3  }
0xf: {  	v2 =	vlaneseq.u32;
	s30 =	sshrl.u32 s10, $0x3;
	s31 =	sor.u32 $0x10, s5;
	s10 =	sadd.s32 s1, s12  }
0x10: {  	vm0 =	vmmov $0xffff;
	v1 =	vshrl.u32 v2, $0x3;
	s12 =	simm.s32 $0x2;
	s4 =	sadd.s32 s7, s30;
	s5 =	sadd.s32 s7, s31  }
0x11: {  	v0 =	vand.u32 $0x7, v2;
	v2 =	vor.u32 $0x8, v2;
	v1 =	vmul.u32 $0x8, v1;
	s6 =	sadd.s32 s9, s30;
	s7 =	sadd.s32 s9, s31;
	s9 =	sadd.s32 $0xA00, s0  }
.LBB2_1:
0x12: {  	[tilespmem:s2], [sflag:$0x2] =	stream.linear.gather [hbm4b:s4+s2], $0x40, $0x38;
	[tilespmem:$0x18200] =	vst v63  }
0x13: {  	_ =	swait.ge [sflag:s12], $0x40  }
0x14: {  	[sflag:s12] =	ssyncset.done $0x0  }
0x15: {  	s0 =	simm.s32 $0x80;
	[sflag:s12] =	ssyncadd.s32 $0xFFFFFFC0  }
0x16: {  	[tilespmem:s0], [sflag:$0x2] =	stream.linear.gather [hbm4b:s5+s2], $0x40, $0x38;
	[tilespmem:$0x18200] =	vst v63  }
0x17: {  	_ =	swait.ge [sflag:s12], $0x40  }
0x18: {  	[sflag:s12] =	ssyncset.done $0x0  }
0x19: {  	s26 =	simm.s32 $0x100;
	[sflag:s12] =	ssyncadd.s32 $0xFFFFFFC0  }
0x1a: {  	[tilespmem:s26], [sflag:$0x2] =	stream.linear.gather [hbm4b:s6+s2], $0x40, $0x38;
	[tilespmem:$0x18200] =	vst v63  }
0x1b: {  	_ =	swait.ge [sflag:s12], $0x40  }
0x1c: {  	[sflag:s12] =	ssyncset.done $0x0  }
0x1d: {  	s28 =	simm.s32 $0x180;
	[sflag:s12] =	ssyncadd.s32 $0xFFFFFFC0  }
0x1e: {  	[tilespmem:s28], [sflag:$0x2] =	stream.linear.gather [hbm4b:s7+s2], $0x40, $0x38;
	[tilespmem:$0x18200] =	vst v63  }
0x1f: {  	_ =	swait.ge [sflag:s12], $0x40  }
0x20: {  	[sflag:s12] =	ssyncset.done $0x0  }
0x21: {  	[sflag:s12] =	ssyncadd.s32 $0xFFFFFFC0  }
0x22: {  	v3 =	vld [tilespmem:$0x0];
	_ =	sdelay $0x4  }
0x23: {  	v4 =	vshrl.u32 v3, $0x3  }
0x24: {  	v4 =	vmul.u32 $0x30, v4  }
0x25: {  	v3 =	vand.u32 $0x7, v3  }
0x26: {  	v3 =	vor.u32 v3, v4  }
0x27: {  	v4 =	vperm.xlane v3, v0;
	_ =	sdelay $0x1  }
0x28: {  	v4 =	vadd.s32 v1, v4;
	_ =	sdelay $0x3  }
0x29: {  	v3 =	vperm.xlane v3, v2  }
0x2a: {  	[tilespmem:s14], [sflag:$0x1] =	stream.indirect_vreg.gather [hbm4b:s3+s2], $0x80, v4, vm0, $0xb8;
	[tilespmem:$0x18200] =	vst v63  }
0x2b: {  	s1 =	simm.s32 $0xA00;
	v3 =	vadd.s32 v1, v3  }
0x2c: {  	[tilespmem:s1], [sflag:$0x1] =	stream.indirect_vreg.gather [hbm4b:s8+s2], $0x80, v4, vm0, $0xb8;
	[tilespmem:$0x18200] =	vst v63  }
0x2d: {  	s1 =	simm.s32 $0x1200  }
0x2e: {  	[tilespmem:s1], [sflag:$0x1] =	stream.indirect_vreg.gather [hbm4b:s9+s2], $0x80, v4, vm0, $0xb8;
	[tilespmem:$0x18200] =	vst v63  }
0x2f: {  	s1 =	simm.s32 $0x1A00  }
0x30: {  	[tilespmem:s1], [sflag:$0x1] =	stream.indirect_vreg.gather [hbm4b:s3+s2], $0x80, v3, vm0, $0xb8;
	[tilespmem:$0x18200] =	vst v63  }
0x31: {  	s1 =	simm.s32 $0x2200  }
0x32: {  	[tilespmem:s1], [sflag:$0x1] =	stream.indirect_vreg.gather [hbm4b:s8+s2], $0x80, v3, vm0, $0xb8;
	[tilespmem:$0x18200] =	vst v63  }
0x33: {  	s1 =	simm.s32 $0x2A00  }
0x34: {  	[tilespmem:s1], [sflag:$0x1] =	stream.indirect_vreg.gather [hbm4b:s9+s2], $0x80, v3, vm0, $0xb8;
	[tilespmem:$0x18200] =	vst v63  }
0x35: {  	v3 =	vld [tilespmem:$0x10];
	_ =	sdelay $0x4  }
0x36: {  	v4 =	vshrl.u32 v3, $0x3  }
0x37: {  	v4 =	vmul.u32 $0x30, v4  }
0x38: {  	v3 =	vand.u32 $0x7, v3  }
0x39: {  	v3 =	vor.u32 v3, v4  }
0x3a: {  	v4 =	vperm.xlane v3, v0;
	_ =	sdelay $0x1  }
0x3b: {  	v4 =	vadd.s32 v1, v4;
	_ =	sdelay $0x3  }
0x3c: {  	s1 =	simm.s32 $0x3200;
	v3 =	vperm.xlane v3, v2  }
0x3d: {  	[tilespmem:s1], [sflag:$0x1] =	stream.indirect_vreg.gather [hbm4b:s3+s2], $0x80, v4, vm0, $0xb8;
	[tilespmem:$0x18200] =	vst v63  }
0x3e: {  	v3 =	vadd.s32 v1, v3;
	s1 =	simm.s32 $0x3A00  }
0x3f: {  	[tilespmem:s1], [sflag:$0x1] =	stream.indirect_vreg.gather [hbm4b:s8+s2], $0x80, v4, vm0, $0xb8;
	[tilespmem:$0x18200] =	vst v63  }
0x40: {  	s1 =	simm.s32 $0x4200  }
0x41: {  	[tilespmem:s1], [sflag:$0x1] =	stream.indirect_vreg.gather [hbm4b:s9+s2], $0x80, v4, vm0, $0xb8;
	[tilespmem:$0x18200] =	vst v63  }
0x42: {  	s1 =	simm.s32 $0x4A00  }
0x43: {  	[tilespmem:s1], [sflag:$0x1] =	stream.indirect_vreg.gather [hbm4b:s3+s2], $0x80, v3, vm0, $0xb8;
	[tilespmem:$0x18200] =	vst v63  }
0x44: {  	s1 =	simm.s32 $0x5200  }
0x45: {  	[tilespmem:s1], [sflag:$0x1] =	stream.indirect_vreg.gather [hbm4b:s8+s2], $0x80, v3, vm0, $0xb8;
	[tilespmem:$0x18200] =	vst v63  }
0x46: {  	s1 =	simm.s32 $0x5A00  }
0x47: {  	[tilespmem:s1], [sflag:$0x1] =	stream.indirect_vreg.gather [hbm4b:s9+s2], $0x80, v3, vm0, $0xb8;
	[tilespmem:$0x18200] =	vst v63  }
0x48: {  	v3 =	vld [tilespmem:$0x20];
	_ =	sdelay $0x4  }
0x49: {  	v4 =	vshrl.u32 v3, $0x3  }
0x4a: {  	v4 =	vmul.u32 $0x30, v4  }
0x4b: {  	v3 =	vand.u32 $0x7, v3  }
0x4c: {  	v3 =	vor.u32 v3, v4  }
0x4d: {  	v4 =	vperm.xlane v3, v0;
	_ =	sdelay $0x1  }
0x4e: {  	v4 =	vadd.s32 v1, v4;
	_ =	sdelay $0x3  }
0x4f: {  	s1 =	simm.s32 $0x6200;
	v3 =	vperm.xlane v3, v2  }
0x50: {  	[tilespmem:s1], [sflag:$0x1] =	stream.indirect_vreg.gather [hbm4b:s3+s2], $0x80, v4, vm0, $0xb8;
	[tilespmem:$0x18200] =	vst v63  }
0x51: {  	v3 =	vadd.s32 v1, v3;
	s1 =	simm.s32 $0x6A00  }
0x52: {  	[tilespmem:s1], [sflag:$0x1] =	stream.indirect_vreg.gather [hbm4b:s8+s2], $0x80, v4, vm0, $0xb8;
	[tilespmem:$0x18200] =	vst v63  }
0x53: {  	s1 =	simm.s32 $0x7200  }
0x54: {  	[tilespmem:s1], [sflag:$0x1] =	stream.indirect_vreg.gather [hbm4b:s9+s2], $0x80, v4, vm0, $0xb8;
	[tilespmem:$0x18200] =	vst v63  }
0x55: {  	s1 =	simm.s32 $0x7A00  }
0x56: {  	[tilespmem:s1], [sflag:$0x1] =	stream.indirect_vreg.gather [hbm4b:s3+s2], $0x80, v3, vm0, $0xb8;
	[tilespmem:$0x18200] =	vst v63  }
0x57: {  	s1 =	simm.s32 $0x8200  }
0x58: {  	[tilespmem:s1], [sflag:$0x1] =	stream.indirect_vreg.gather [hbm4b:s8+s2], $0x80, v3, vm0, $0xb8;
	[tilespmem:$0x18200] =	vst v63  }
0x59: {  	s1 =	simm.s32 $0x8A00  }
0x5a: {  	[tilespmem:s1], [sflag:$0x1] =	stream.indirect_vreg.gather [hbm4b:s9+s2], $0x80, v3, vm0, $0xb8;
	[tilespmem:$0x18200] =	vst v63  }
0x5b: {  	v3 =	vld [tilespmem:$0x30];
	_ =	sdelay $0x4  }
0x5c: {  	v4 =	vshrl.u32 v3, $0x3  }
0x5d: {  	v4 =	vmul.u32 $0x30, v4  }
0x5e: {  	v3 =	vand.u32 $0x7, v3  }
0x5f: {  	v3 =	vor.u32 v3, v4  }
0x60: {  	v4 =	vperm.xlane v3, v0;
	_ =	sdelay $0x1  }
0x61: {  	v4 =	vadd.s32 v1, v4;
	_ =	sdelay $0x3  }
0x62: {  	s1 =	simm.s32 $0x9200;
	v3 =	vperm.xlane v3, v2  }
0x63: {  	[tilespmem:s1], [sflag:$0x1] =	stream.indirect_vreg.gather [hbm4b:s3+s2], $0x80, v4, vm0, $0xb8;
	[tilespmem:$0x18200] =	vst v63  }
0x64: {  	v3 =	vadd.s32 v1, v3;
	s1 =	simm.s32 $0x9A00  }
0x65: {  	[tilespmem:s1], [sflag:$0x1] =	stream.indirect_vreg.gather [hbm4b:s8+s2], $0x80, v4, vm0, $0xb8;
	[tilespmem:$0x18200] =	vst v63  }
0x66: {  	s1 =	simm.s32 $0xA200  }
0x67: {  	[tilespmem:s1], [sflag:$0x1] =	stream.indirect_vreg.gather [hbm4b:s9+s2], $0x80, v4, vm0, $0xb8;
	[tilespmem:$0x18200] =	vst v63  }
0x68: {  	s1 =	simm.s32 $0xAA00  }
0x69: {  	[tilespmem:s1], [sflag:$0x1] =	stream.indirect_vreg.gather [hbm4b:s3+s2], $0x80, v3, vm0, $0xb8;
	[tilespmem:$0x18200] =	vst v63  }
0x6a: {  	s1 =	simm.s32 $0xB200  }
0x6b: {  	[tilespmem:s1], [sflag:$0x1] =	stream.indirect_vreg.gather [hbm4b:s8+s2], $0x80, v3, vm0, $0xb8;
	[tilespmem:$0x18200] =	vst v63  }
0x6c: {  	s1 =	simm.s32 $0xBA00  }
0x6d: {  	[tilespmem:s1], [sflag:$0x1] =	stream.indirect_vreg.gather [hbm4b:s9+s2], $0x80, v3, vm0, $0xb8;
	[tilespmem:$0x18200] =	vst v63  }
0x6e: {  	v3 =	vld [tilespmem:$0x80];
	_ =	sdelay $0x4  }
0x6f: {  	v4 =	vshrl.u32 v3, $0x3  }
0x70: {  	v4 =	vmul.u32 $0x30, v4  }
0x71: {  	v3 =	vand.u32 $0x7, v3  }
0x72: {  	v3 =	vor.u32 v3, v4  }
0x73: {  	v4 =	vperm.xlane v3, v0;
	_ =	sdelay $0x1  }
0x74: {  	v4 =	vadd.s32 v1, v4;
	_ =	sdelay $0x3  }
0x75: {  	s1 =	simm.s32 $0xC200;
	v3 =	vperm.xlane v3, v2  }
0x76: {  	[tilespmem:s1], [sflag:$0x1] =	stream.indirect_vreg.gather [hbm4b:s3+s2], $0x80, v4, vm0, $0xb8;
	[tilespmem:$0x18200] =	vst v63  }
0x77: {  	v3 =	vadd.s32 v1, v3;
	s1 =	simm.s32 $0xCA00  }
0x78: {  	[tilespmem:s1], [sflag:$0x1] =	stream.indirect_vreg.gather [hbm4b:s8+s2], $0x80, v4, vm0, $0xb8;
	[tilespmem:$0x18200] =	vst v63  }
0x79: {  	s1 =	simm.s32 $0xD200  }
0x7a: {  	[tilespmem:s1], [sflag:$0x1] =	stream.indirect_vreg.gather [hbm4b:s9+s2], $0x80, v4, vm0, $0xb8;
	[tilespmem:$0x18200] =	vst v63  }
0x7b: {  	s1 =	simm.s32 $0xDA00  }
0x7c: {  	[tilespmem:s1], [sflag:$0x1] =	stream.indirect_vreg.gather [hbm4b:s3+s2], $0x80, v3, vm0, $0xb8;
	[tilespmem:$0x18200] =	vst v63  }
0x7d: {  	s1 =	simm.s32 $0xE200  }
0x7e: {  	[tilespmem:s1], [sflag:$0x1] =	stream.indirect_vreg.gather [hbm4b:s8+s2], $0x80, v3, vm0, $0xb8;
	[tilespmem:$0x18200] =	vst v63  }
0x7f: {  	s1 =	simm.s32 $0xEA00  }
0x80: {  	[tilespmem:s1], [sflag:$0x1] =	stream.indirect_vreg.gather [hbm4b:s9+s2], $0x80, v3, vm0, $0xb8;
	[tilespmem:$0x18200] =	vst v63  }
0x81: {  	v3 =	vld [tilespmem:$0x90];
	_ =	sdelay $0x4  }
0x82: {  	v4 =	vshrl.u32 v3, $0x3  }
0x83: {  	v4 =	vmul.u32 $0x30, v4  }
0x84: {  	v3 =	vand.u32 $0x7, v3  }
0x85: {  	v3 =	vor.u32 v3, v4  }
0x86: {  	v4 =	vperm.xlane v3, v0;
	_ =	sdelay $0x1  }
0x87: {  	v4 =	vadd.s32 v1, v4;
	_ =	sdelay $0x3  }
0x88: {  	s1 =	simm.s32 $0xF200;
	v3 =	vperm.xlane v3, v2  }
0x89: {  	[tilespmem:s1], [sflag:$0x1] =	stream.indirect_vreg.gather [hbm4b:s3+s2], $0x80, v4, vm0, $0xb8;
	[tilespmem:$0x18200] =	vst v63  }
0x8a: {  	v3 =	vadd.s32 v1, v3;
	s1 =	simm.s32 $0xFA00  }
0x8b: {  	[tilespmem:s1], [sflag:$0x1] =	stream.indirect_vreg.gather [hbm4b:s8+s2], $0x80, v4, vm0, $0xb8;
	[tilespmem:$0x18200] =	vst v63  }
0x8c: {  	s1 =	simm.s32 $0x10200  }
0x8d: {  	[tilespmem:s1], [sflag:$0x1] =	stream.indirect_vreg.gather [hbm4b:s9+s2], $0x80, v4, vm0, $0xb8;
	[tilespmem:$0x18200] =	vst v63  }
0x8e: {  	s1 =	simm.s32 $0x10A00  }
0x8f: {  	[tilespmem:s1], [sflag:$0x1] =	stream.indirect_vreg.gather [hbm4b:s3+s2], $0x80, v3, vm0, $0xb8;
	[tilespmem:$0x18200] =	vst v63  }
0x90: {  	s1 =	simm.s32 $0x11200  }
0x91: {  	[tilespmem:s1], [sflag:$0x1] =	stream.indirect_vreg.gather [hbm4b:s8+s2], $0x80, v3, vm0, $0xb8;
	[tilespmem:$0x18200] =	vst v63  }
0x92: {  	s1 =	simm.s32 $0x11A00  }
0x93: {  	[tilespmem:s1], [sflag:$0x1] =	stream.indirect_vreg.gather [hbm4b:s9+s2], $0x80, v3, vm0, $0xb8;
	[tilespmem:$0x18200] =	vst v63  }
0x94: {  	v3 =	vld [tilespmem:$0xA0];
	_ =	sdelay $0x4  }
0x95: {  	v4 =	vshrl.u32 v3, $0x3  }
0x96: {  	v4 =	vmul.u32 $0x30, v4  }
0x97: {  	v3 =	vand.u32 $0x7, v3  }
0x98: {  	v3 =	vor.u32 v3, v4  }
0x99: {  	v4 =	vperm.xlane v3, v0;
	_ =	sdelay $0x1  }
0x9a: {  	v4 =	vadd.s32 v1, v4;
	_ =	sdelay $0x3  }
0x9b: {  	s1 =	simm.s32 $0x12200;
	v3 =	vperm.xlane v3, v2  }
0x9c: {  	[tilespmem:s1], [sflag:$0x1] =	stream.indirect_vreg.gather [hbm4b:s3+s2], $0x80, v4, vm0, $0xb8;
	[tilespmem:$0x18200] =	vst v63  }
0x9d: {  	v3 =	vadd.s32 v1, v3;
	s1 =	simm.s32 $0x12A00  }
0x9e: {  	[tilespmem:s1], [sflag:$0x1] =	stream.indirect_vreg.gather [hbm4b:s8+s2], $0x80, v4, vm0, $0xb8;
	[tilespmem:$0x18200] =	vst v63  }
0x9f: {  	_ = 	snop  }
0xa0: {  	[tilespmem:s13], [sflag:$0x1] =	stream.indirect_vreg.gather [hbm4b:s9+s2], $0x80, v4, vm0, $0xb8;
	[tilespmem:$0x18200] =	vst v63  }
0xa1: {  	_ = 	snop  }
0xa2: {  	[tilespmem:s15], [sflag:$0x1] =	stream.indirect_vreg.gather [hbm4b:s3+s2], $0x80, v3, vm0, $0xb8;
	[tilespmem:$0x18200] =	vst v63  }
0xa3: {  	_ = 	snop  }
0xa4: {  	[tilespmem:s16], [sflag:$0x1] =	stream.indirect_vreg.gather [hbm4b:s8+s2], $0x80, v3, vm0, $0xb8;
	[tilespmem:$0x18200] =	vst v63  }
0xa5: {  	_ = 	snop  }
0xa6: {  	[tilespmem:s17], [sflag:$0x1] =	stream.indirect_vreg.gather [hbm4b:s9+s2], $0x80, v3, vm0, $0xb8;
	[tilespmem:$0x18200] =	vst v63  }
0xa7: {  	v3 =	vld [tilespmem:$0xB0];
	_ =	sdelay $0x4  }
0xa8: {  	v4 =	vshrl.u32 v3, $0x3  }
0xa9: {  	v4 =	vmul.u32 $0x30, v4  }
0xaa: {  	v3 =	vand.u32 $0x7, v3  }
0xab: {  	v3 =	vor.u32 v3, v4  }
0xac: {  	v4 =	vperm.xlane v3, v0;
	_ =	sdelay $0x1  }
0xad: {  	v4 =	vadd.s32 v1, v4;
	_ =	sdelay $0x3  }
0xae: {  	v3 =	vperm.xlane v3, v2  }
0xaf: {  	[tilespmem:s18], [sflag:$0x1] =	stream.indirect_vreg.gather [hbm4b:s3+s2], $0x80, v4, vm0, $0xb8;
	[tilespmem:$0x18200] =	vst v63  }
0xb0: {  	v3 =	vadd.s32 v1, v3  }
0xb1: {  	[tilespmem:s19], [sflag:$0x1] =	stream.indirect_vreg.gather [hbm4b:s8+s2], $0x80, v4, vm0, $0xb8;
	[tilespmem:$0x18200] =	vst v63  }
0xb2: {  	_ = 	snop  }
0xb3: {  	[tilespmem:s20], [sflag:$0x1] =	stream.indirect_vreg.gather [hbm4b:s9+s2], $0x80, v4, vm0, $0xb8;
	[tilespmem:$0x18200] =	vst v63  }
0xb4: {  	_ = 	snop  }
0xb5: {  	[tilespmem:s21], [sflag:$0x1] =	stream.indirect_vreg.gather [hbm4b:s3+s2], $0x80, v3, vm0, $0xb8;
	[tilespmem:$0x18200] =	vst v63  }
0xb6: {  	_ = 	snop  }
0xb7: {  	[tilespmem:s22], [sflag:$0x1] =	stream.indirect_vreg.gather [hbm4b:s8+s2], $0x80, v3, vm0, $0xb8;
	[tilespmem:$0x18200] =	vst v63  }
0xb8: {  	_ = 	snop  }
0xb9: {  	[tilespmem:s23], [sflag:$0x1] =	stream.indirect_vreg.gather [hbm4b:s9+s2], $0x80, v3, vm0, $0xb8;
	[tilespmem:$0x18200] =	vst v63  }
0xba: {  	_ =	swait.ge [sflag:s24], $0xC000  }
0xbb: {  	[sflag:s24] =	ssyncset.done $0x0  }
0xbc: {  	s29 =	simm.s32 $0x0;
	[sflag:s24] =	ssyncadd.s32 $0xFFFF4000  }
0xbd: {  	s29 =	smul.u32 $0x1800, s29;
	_ =	swait.ge [sflag:s24], $0xC000  }
0xbe: {  	s30 =	sand.u32 $0x380, s2;
	[sflag:s24] =	ssyncset.done $0x0  }
0xbf: {  	s31 =	sor.u32 s30, s29;
	[sflag:s24] =	ssyncadd.s32 $0xFFFF4000  }
0xc0: {  	v4 =	vld [tilespmem:s31+$0x210]  }
0xc1: {  	v3 =	vld [tilespmem:s31+$0xC210]  }
0xc2: {  	v6 =	vld [tilespmem:s31+$0x220]  }
0xc3: {  	v5 =	vld [tilespmem:s31+$0xC220]  }
0xc4: {  	v10 =	vld [tilespmem:s31+$0x230]  }
0xc5: {  	v9 =	vld [tilespmem:s31+$0xC230]  }
0xc6: {  	v12 =	vld [tilespmem:s31+$0x240]  }
0xc7: {  	v11 =	vld [tilespmem:s31+$0xC240]  }
0xc8: {  	v13 =	vld [tilespmem:s31+$0x260]  }
0xc9: {  	v14 =	vld [tilespmem:s31+$0x270]  }
0xca: {  	v15 =	vld [tilespmem:s31+$0x600]  }
0xcb: {  	v16 =	vld [tilespmem:s31+$0x610]  }
0xcc: {  	v17 =	vld [tilespmem:s31+$0x620]  }
0xcd: {  	v18 =	vld [tilespmem:s31+$0x630]  }
0xce: {  	v19 =	vld [tilespmem:s31+$0x640]  }
0xcf: {  	v20 =	vld [tilespmem:s31+$0x650]  }
0xd0: {  	v21 =	vld [tilespmem:s31+$0x660]  }
0xd1: {  	v22 =	vld [tilespmem:s31+$0x670]  }
0xd2: {  	v23 =	vld [tilespmem:s31+$0xA00]  }
0xd3: {  	v24 =	vld [tilespmem:s31+$0xA10]  }
0xd4: {  	v25 =	vld [tilespmem:s31+$0xA20]  }
0xd5: {  	v26 =	vld [tilespmem:s31+$0xA30]  }
0xd6: {  	v27 =	vld [tilespmem:s31+$0xA40]  }
0xd7: {  	v28 =	vld [tilespmem:s31+$0xA50]  }
0xd8: {  	v29 =	vld [tilespmem:s31+$0xA60]  }
0xd9: {  	v30 =	vld [tilespmem:s31+$0xA70]  }
0xda: {  	v31 =	vld [tilespmem:s31+$0xE00]  }
0xdb: {  	v32 =	vld [tilespmem:s31+$0xE10]  }
0xdc: {  	v33 =	vld [tilespmem:s31+$0xE20]  }
0xdd: {  	v34 =	vld [tilespmem:s31+$0xE30]  }
0xde: {  	v35 =	vld [tilespmem:s31+$0xE40]  }
0xdf: {  	v36 =	vld [tilespmem:s31+$0xE50]  }
0xe0: {  	v37 =	vld [tilespmem:s31+$0xE60]  }
0xe1: {  	v38 =	vld [tilespmem:s31+$0xE70]  }
0xe2: {  	v39 =	vld [tilespmem:s31+$0x1200]  }
0xe3: {  	v40 =	vld [tilespmem:s31+$0x1210]  }
0xe4: {  	v41 =	vld [tilespmem:s31+$0x1220]  }
0xe5: {  	v42 =	vld [tilespmem:s31+$0x1230]  }
0xe6: {  	v43 =	vld [tilespmem:s31+$0x1240]  }
0xe7: {  	v45 =	vld [tilespmem:s31+$0x1260]  }
0xe8: {  	v46 =	vld [tilespmem:s31+$0x1600]  }
0xe9: {  	v47 =	vld [tilespmem:s31+$0x1610]  }
0xea: {  	v48 =	vld [tilespmem:s31+$0xD610]  }
0xeb: {  	v49 =	vld [tilespmem:s31+$0xD630]  }
0xec: {  	v50 =	vld [tilespmem:s31+$0x1620]  }
0xed: {  	v7 =	vld.msk [tilespmem:s26+$0x0 ss:$0x0], $0xffff  }
0xee: {  	v8 =	vld.msk [tilespmem:s28+$0x0 ss:$0x0], $0xffff  }
0xef: {  	v51 =	vld [tilespmem:s31+$0x1630]  }
0xf0: {  	v52 =	vld [tilespmem:s31+$0xD620]  }
0xf1: {  	v53 =	vld [tilespmem:s31+$0xD600]  }
0xf2: {  	v54 =	vld [tilespmem:s31+$0x1270]  }
0xf3: {  	v55 =	vld [tilespmem:s31+$0xD270]  }
0xf4: {  	v57 =	vld [tilespmem:s31+$0xD250];
	v51 =	vmul.f32 v51, v7  }
0xf5: {  	v56 =	vld [tilespmem:s31+$0xD260];
	v49 =	vmul.f32 v49, v8;
	v50 =	vmul.f32 v50, v7  }
0xf6: {  	v44 =	vld [tilespmem:s31+$0x1250];
	v52 =	vmul.f32 v52, v8;
	v47 =	vmul.f32 v47, v7  }
0xf7: {  	v58 =	vld [tilespmem:s31+$0xD240];
	v48 =	vmul.f32 v48, v8;
	v46 =	vmul.f32 v46, v7  }
0xf8: {  	v63 =	vmul.f32 v53, v8;
	v53 =	vld [tilespmem:s31+$0xD230];
	v59 =	vmul.f32 v54, v7;
	v49 =	vadd.f32 v49, v51  }
0xf9: {  	v60 =	vmul.f32 v55, v8;
	v62 =	vmul.f32 v57, v8;
	v57 =	vld [tilespmem:s31+$0xCE60];
	v50 =	vadd.f32 v52, v50  }
0xfa: {  	v45 =	vmul.f32 v45, v7;
	v61 =	vmul.f32 v56, v8;
	v55 =	vld [tilespmem:s31+$0xCA70];
	v47 =	vadd.f32 v48, v47;
	[tilespmem:s31+$0x1630] =	vst v49  }
0xfb: {  	v44 =	vmul.f32 v44, v7;
	v43 =	vmul.f32 v43, v7;
	v56 =	vld [tilespmem:s31+$0xCA60];
	v46 =	vadd.f32 v63, v46;
	[tilespmem:s31+$0x1620] =	vst v50  }
0xfc: {  	v42 =	vmul.f32 v42, v7;
	v41 =	vmul.f32 v41, v7;
	v48 =	vld [tilespmem:s31+$0xD220];
	v52 =	vadd.f32 v60, v59;
	[tilespmem:s31+$0x1610] =	vst v47  }
0xfd: {  	v12 =	vmul.f32 v12, v7;
	v11 =	vmul.f32 v11, v8;
	v45 =	vadd.f32 v61, v45;
	v59 =	vld [tilespmem:s31+$0xCE50];
	[tilespmem:s31+$0x1600] =	vst v46  }
0xfe: {  	v40 =	vmul.f32 v40, v7;
	v63 =	vmul.f32 v58, v8;
	v44 =	vadd.f32 v62, v44;
	v60 =	vld [tilespmem:s31+$0xCE40];
	[tilespmem:s31+$0x1270] =	vst v52  }
0xff: {  	v39 =	vmul.f32 v39, v7;
	v61 =	vld [tilespmem:s31+$0xCE30];
	v11 =	vadd.f32 v11, v12;
	[tilespmem:s31+$0x1260] =	vst v45;
	v58 =	vmul.f32 v53, v8  }
0x100: {  	v37 =	vmul.f32 v37, v7;
	v62 =	vld [tilespmem:s31+$0xCE20];
	v43 =	vadd.f32 v63, v43;
	[tilespmem:s31+$0x1250] =	vst v44;
	v46 =	vmul.f32 v57, v8  }
0x101: {  	v38 =	vmul.f32 v38, v7;
	v49 =	vld [tilespmem:s31+$0xD210];
	[tilespmem:s31+$0x240] =	vst v11;
	v48 =	vmul.f32 v48, v8;
	v42 =	vadd.f32 v58, v42  }
0x102: {  	v36 =	vmul.f32 v36, v7;
	v50 =	vld [tilespmem:s31+$0xD200];
	[tilespmem:s31+$0x1240] =	vst v43;
	v54 =	vmul.f32 v59, v8;
	v37 =	vadd.f32 v46, v37  }
0x103: {  	v35 =	vmul.f32 v35, v7;
	v47 =	vld [tilespmem:s31+$0xCE70];
	v45 =	vmul.f32 v60, v8;
	v41 =	vadd.f32 v48, v41;
	[tilespmem:s31+$0x1230] =	vst v42  }
0x104: {  	v34 =	vmul.f32 v34, v7;
	v63 =	vld [tilespmem:s31+$0xCE10];
	v44 =	vmul.f32 v61, v8;
	v36 =	vadd.f32 v54, v36;
	[tilespmem:s31+$0xE60] =	vst v37  }
0x105: {  	v33 =	vmul.f32 v33, v7;
	v53 =	vld [tilespmem:s31+$0xCE00];
	v43 =	vmul.f32 v62, v8;
	v35 =	vadd.f32 v45, v35;
	[tilespmem:s31+$0x1220] =	vst v41  }
0x106: {  	v32 =	vmul.f32 v32, v7;
	v58 =	vld [tilespmem:s31+$0xCA40];
	v49 =	vmul.f32 v49, v8;
	v34 =	vadd.f32 v44, v34;
	[tilespmem:s31+$0xE50] =	vst v36  }
0x107: {  	v31 =	vmul.f32 v31, v7;
	v59 =	vld [tilespmem:s31+$0xCA30];
	v50 =	vmul.f32 v50, v8;
	v33 =	vadd.f32 v43, v33;
	[tilespmem:s31+$0xE40] =	vst v35  }
0x108: {  	v6 =	vmul.f32 v6, v7;
	v60 =	vld [tilespmem:s31+$0xCA20];
	v47 =	vmul.f32 v47, v8;
	v40 =	vadd.f32 v49, v40;
	[tilespmem:s31+$0xE30] =	vst v34  }
0x109: {  	v5 =	vmul.f32 v5, v8;
	v61 =	vld [tilespmem:s31+$0xCA10];
	v42 =	vmul.f32 v63, v8;
	v39 =	vadd.f32 v50, v39;
	[tilespmem:s31+$0xE20] =	vst v33  }
0x10a: {  	v27 =	vmul.f32 v27, v7;
	v12 =	vld [tilespmem:s31+$0x1660];
	v38 =	vadd.f32 v47, v38;
	v41 =	vmul.f32 v53, v8;
	[tilespmem:s31+$0x1210] =	vst v40  }
0x10b: {  	v5 =	vadd.f32 v5, v6;
	v6 =	vld [tilespmem:s31+$0x200];
	v32 =	vadd.f32 v42, v32;
	v37 =	vmul.f32 v58, v8;
	[tilespmem:s31+$0x1200] =	vst v39  }
0x10c: {  	v26 =	vmul.f32 v26, v7;
	v57 =	vld [tilespmem:s31+$0xCA50];
	v36 =	vmul.f32 v59, v8;
	[tilespmem:s31+$0xE70] =	vst v38;
	v31 =	vadd.f32 v41, v31  }
0x10d: {  	v25 =	vmul.f32 v25, v7;
	v62 =	vld [tilespmem:s31+$0xCA00];
	v35 =	vmul.f32 v60, v8;
	[tilespmem:s31+$0xE10] =	vst v32;
	v27 =	vadd.f32 v37, v27  }
0x10e: {  	v24 =	vmul.f32 v24, v7;
	v63 =	vld [tilespmem:s31+$0xC670];
	v34 =	vmul.f32 v61, v8;
	v26 =	vadd.f32 v36, v26;
	[tilespmem:s31+$0xE00] =	vst v31  }
0x10f: {  	v30 =	vmul.f32 v30, v7;
	v40 =	vmul.f32 v55, v8;
	v25 =	vadd.f32 v35, v25;
	v31 =	vld [tilespmem:s31+$0xC660];
	[tilespmem:s31+$0xA40] =	vst v27  }
0x110: {  	v29 =	vmul.f32 v29, v7;
	v39 =	vmul.f32 v56, v8;
	v24 =	vadd.f32 v34, v24;
	v27 =	vld [tilespmem:s31+$0xC620];
	[tilespmem:s31+$0xA30] =	vst v26  }
0x111: {  	v28 =	vmul.f32 v28, v7;
	v38 =	vmul.f32 v57, v8;
	v30 =	vadd.f32 v40, v30;
	v26 =	vld [tilespmem:s31+$0xC610];
	[tilespmem:s31+$0xA20] =	vst v25  }
0x112: {  	v23 =	vmul.f32 v23, v7;
	v33 =	vmul.f32 v62, v8;
	v29 =	vadd.f32 v39, v29;
	v25 =	vld [tilespmem:s31+$0xC600];
	[tilespmem:s31+$0xA10] =	vst v24  }
0x113: {  	v22 =	vmul.f32 v22, v7;
	v32 =	vmul.f32 v63, v8;
	v28 =	vadd.f32 v38, v28;
	[tilespmem:s31+$0xA70] =	vst v30;
	v30 =	vld [tilespmem:s31+$0xC650]  }
0x114: {  	v21 =	vmul.f32 v21, v7;
	v23 =	vadd.f32 v33, v23;
	[tilespmem:s31+$0xA60] =	vst v29;
	v29 =	vld [tilespmem:s31+$0xC640];
	v31 =	vmul.f32 v31, v8  }
0x115: {  	v17 =	vmul.f32 v17, v7;
	v22 =	vadd.f32 v32, v22;
	[tilespmem:s31+$0xA50] =	vst v28;
	v28 =	vld [tilespmem:s31+$0xC630];
	v27 =	vmul.f32 v27, v8  }
0x116: {  	v16 =	vmul.f32 v16, v7;
	[tilespmem:s31+$0xA00] =	vst v23;
	v23 =	vld [tilespmem:s31+$0xC260];
	v26 =	vmul.f32 v26, v8;
	v21 =	vadd.f32 v31, v21  }
0x117: {  	v15 =	vmul.f32 v15, v7;
	v24 =	vld [tilespmem:s31+$0xC270];
	[tilespmem:s31+$0x670] =	vst v22;
	v25 =	vmul.f32 v25, v8;
	v17 =	vadd.f32 v27, v17  }
0x118: {  	v20 =	vmul.f32 v20, v7;
	v22 =	vld [tilespmem:s31+$0x250];
	v30 =	vmul.f32 v30, v8;
	v16 =	vadd.f32 v26, v16;
	[tilespmem:s31+$0x660] =	vst v21  }
0x119: {  	v19 =	vmul.f32 v19, v7;
	v29 =	vmul.f32 v29, v8;
	v15 =	vadd.f32 v25, v15;
	v21 =	vld [tilespmem:s31+$0xC250];
	[tilespmem:s31+$0x620] =	vst v17  }
0x11a: {  	v18 =	vmul.f32 v18, v7;
	v28 =	vmul.f32 v28, v8;
	v20 =	vadd.f32 v30, v20;
	v17 =	vld [tilespmem:s31+$0x1640];
	[tilespmem:s31+$0x610] =	vst v16  }
0x11b: {  	v13 =	vmul.f32 v13, v7;
	v23 =	vmul.f32 v23, v8;
	v19 =	vadd.f32 v29, v19;
	[tilespmem:s31+$0x600] =	vst v15;
	v15 =	vld [tilespmem:s31+$0x1650]  }
0x11c: {  	v14 =	vmul.f32 v14, v7;
	v24 =	vmul.f32 v24, v8;
	v18 =	vadd.f32 v28, v18;
	[tilespmem:s31+$0x650] =	vst v20;
	v20 =	vld [tilespmem:s31+$0xD640]  }
0x11d: {  	v10 =	vmul.f32 v10, v7;
	v9 =	vmul.f32 v9, v8;
	v13 =	vadd.f32 v23, v13;
	[tilespmem:s31+$0x640] =	vst v19;
	v19 =	vld [tilespmem:s31+$0xD650]  }
0x11e: {  	v4 =	vmul.f32 v4, v7;
	v3 =	vmul.f32 v3, v8;
	v14 =	vadd.f32 v24, v14;
	[tilespmem:s31+$0x630] =	vst v18;
	v18 =	vld [tilespmem:s31+$0xD660]  }
0x11f: {  	v9 =	vadd.f32 v9, v10;
	v10 =	vmul.f32 v22, v7;
	v16 =	vld [tilespmem:s31+$0xD670];
	[tilespmem:s31+$0x260] =	vst v13;
	v13 =	vmul.f32 v21, v8  }
0x120: {  	v3 =	vadd.f32 v3, v4;
	[tilespmem:s31+$0x270] =	vst v14;
	v14 =	vld [tilespmem:s31+$0x1670]  }
0x121: {  	s29 =	simm.s32 $0x0;
	[tilespmem:s31+$0x230] =	vst v9;
	v9 =	vld [tilespmem:s31+$0xC200];
	v11 =	vmul.f32 v17, v7;
	v17 =	vmul.f32 v20, v8;
	v4 =	vadd.f32 v13, v10  }
0x122: {  	s30 =	simm.s32 $0x80;
	s29 =	smul.u32 $0x1800, s29;
	[tilespmem:s31+$0x220] =	vst v5;
	v5 =	vmul.f32 v15, v7;
	v10 =	vmul.f32 v19, v8  }
0x123: {  	s1 =	sand.u32 $0x380, s30;
	v11 =	vadd.f32 v17, v11;
	[tilespmem:s31+$0x250] =	vst v4;
	v4 =	vmul.f32 v12, v7;
	v12 =	vmul.f32 v18, v8  }
0x124: {  	s29 =	sor.u32 s1, s29;
	[tilespmem:s31+$0x210] =	vst v3;
	v5 =	vadd.f32 v10, v5  }
0x125: {  	v3 =	vld [tilespmem:s29+$0x210];
	v10 =	vmul.f32 v14, v7;
	[tilespmem:s31+$0x1640] =	vst v11;
	v11 =	vmul.f32 v16, v8;
	v12 =	vadd.f32 v12, v4  }
0x126: {  	v7 =	vmul.f32 v6, v7;
	v8 =	vmul.f32 v9, v8;
	v4 =	vld [tilespmem:s29+$0xC210];
	[tilespmem:s31+$0x1650] =	vst v5  }
0x127: {  	v9 =	vadd.f32 v11, v10;
	v6 =	vld [tilespmem:s29+$0x220];
	[tilespmem:s31+$0x1660] =	vst v12  }
0x128: {  	v7 =	vadd.f32 v8, v7;
	v5 =	vld [tilespmem:s29+$0xC220]  }
0x129: {  	v8 =	vld [tilespmem:s29+$0x230];
	[tilespmem:s31+$0x1670] =	vst v9  }
0x12a: {  	v18 =	vld [tilespmem:s29+$0x630];
	[tilespmem:s31+$0x200] =	vst v7  }
0x12b: {  	v7 =	vld [tilespmem:s29+$0xC230]  }
0x12c: {  	v10 =	vld [tilespmem:s29+$0x240]  }
0x12d: {  	v9 =	vld [tilespmem:s29+$0xC240]  }
0x12e: {  	v12 =	vld [tilespmem:s29+$0x250]  }
0x12f: {  	v11 =	vld [tilespmem:s29+$0xC250]  }
0x130: {  	v13 =	vld [tilespmem:s29+$0x260]  }
0x131: {  	v14 =	vld [tilespmem:s29+$0x270]  }
0x132: {  	v15 =	vld [tilespmem:s29+$0x600]  }
0x133: {  	v16 =	vld [tilespmem:s29+$0x610]  }
0x134: {  	v17 =	vld [tilespmem:s29+$0x620]  }
0x135: {  	v19 =	vld [tilespmem:s29+$0x640]  }
0x136: {  	v20 =	vld [tilespmem:s29+$0x650]  }
0x137: {  	v21 =	vld [tilespmem:s29+$0x660]  }
0x138: {  	v22 =	vld [tilespmem:s29+$0x670]  }
0x139: {  	v23 =	vld [tilespmem:s29+$0xA00]  }
0x13a: {  	v24 =	vld [tilespmem:s29+$0xA10]  }
0x13b: {  	v25 =	vld [tilespmem:s29+$0xA20]  }
0x13c: {  	v26 =	vld [tilespmem:s29+$0xA30]  }
0x13d: {  	v27 =	vld [tilespmem:s29+$0xA40]  }
0x13e: {  	v28 =	vld [tilespmem:s29+$0xA50]  }
0x13f: {  	v29 =	vld [tilespmem:s29+$0xA60]  }
0x140: {  	v30 =	vld [tilespmem:s29+$0xA70]  }
0x141: {  	v32 =	vld [tilespmem:s29+$0xE00]  }
0x142: {  	v34 =	vld [tilespmem:s29+$0xE10]  }
0x143: {  	v35 =	vld [tilespmem:s29+$0xE20]  }
0x144: {  	v36 =	vld [tilespmem:s29+$0xE30]  }
0x145: {  	v37 =	vld [tilespmem:s29+$0xE40]  }
0x146: {  	v38 =	vld [tilespmem:s29+$0xE50]  }
0x147: {  	v39 =	vld [tilespmem:s29+$0xE60]  }
0x148: {  	v40 =	vld [tilespmem:s29+$0xE70]  }
0x149: {  	v41 =	vld [tilespmem:s29+$0x1200]  }
0x14a: {  	v42 =	vld [tilespmem:s29+$0x1210]  }
0x14b: {  	v43 =	vld [tilespmem:s29+$0x1220]  }
0x14c: {  	v44 =	vld [tilespmem:s29+$0x1230]  }
0x14d: {  	v45 =	vld [tilespmem:s29+$0x1240]  }
0x14e: {  	v46 =	vld [tilespmem:s29+$0x1250]  }
0x14f: {  	v47 =	vld [tilespmem:s29+$0x1260]  }
0x150: {  	v48 =	vld [tilespmem:s29+$0x1600]  }
0x151: {  	v50 =	vld [tilespmem:s29+$0x1610]  }
0x152: {  	v49 =	vld [tilespmem:s29+$0xD610]  }
0x153: {  	s31 =	simm.s32 $0x2;
	v51 =	vld [tilespmem:s29+$0xD630]  }
.LBB2_2:
0x154: {  	p0 =	sne.s32 s31, $0x3F;
	v52 =	vld [tilespmem:s29+$0x1620];
	s26 =	sadd.s32 $0x1, s26  }
0x155: {  	s28 =	sadd.s32 $0x1, s28;
	v33 =	vld.msk [tilespmem:s26+$0x0 ss:$0x0], $0xffff  }
0x156: {  	v31 =	vld.msk [tilespmem:s28+$0x0 ss:$0x0], $0xffff  }
0x157: {  	v53 =	vld [tilespmem:s29+$0x1630]  }
0x158: {  	v54 =	vld [tilespmem:s29+$0xD620]  }
0x159: {  	v55 =	vld [tilespmem:s29+$0xD600]  }
0x15a: {  	v56 =	vld [tilespmem:s29+$0x1270]  }
0x15b: {  	v50 =	vmul.f32 v50, v33;
	v52 =	vmul.f32 v52, v33;
	v57 =	vld [tilespmem:s29+$0xD270]  }
0x15c: {  	v51 =	vmul.f32 v51, v31;
	v58 =	vld [tilespmem:s29+$0xD260];
	v53 =	vmul.f32 v53, v33  }
0x15d: {  	v49 =	vmul.f32 v49, v31;
	v59 =	vld [tilespmem:s29+$0xD250];
	v54 =	vmul.f32 v54, v31  }
0x15e: {  	v48 =	vmul.f32 v48, v33;
	v60 =	vld [tilespmem:s29+$0xD240];
	v55 =	vmul.f32 v55, v31;
	v51 =	vadd.f32 v51, v53  }
0x15f: {  	v49 =	vadd.f32 v49, v50;
	v53 =	vld [tilespmem:s29+$0xD230];
	v56 =	vmul.f32 v56, v33;
	v50 =	vadd.f32 v54, v52  }
0x160: {  	v47 =	vmul.f32 v47, v33;
	v52 =	vld [tilespmem:s29+$0xD220];
	v54 =	vmul.f32 v57, v31;
	v48 =	vadd.f32 v55, v48;
	[tilespmem:s29+$0x1630] =	vst v51  }
0x161: {  	v46 =	vmul.f32 v46, v33;
	v51 =	vld [tilespmem:s29+$0xD210];
	v55 =	vmul.f32 v58, v31;
	[tilespmem:s29+$0x1620] =	vst v50  }
0x162: {  	v45 =	vmul.f32 v45, v33;
	v50 =	vld [tilespmem:s29+$0xD200];
	v57 =	vmul.f32 v59, v31;
	v54 =	vadd.f32 v54, v56;
	[tilespmem:s29+$0x1610] =	vst v49  }
0x163: {  	v44 =	vmul.f32 v44, v33;
	v49 =	vld [tilespmem:s29+$0xCE70];
	v56 =	vmul.f32 v60, v31;
	v47 =	vadd.f32 v55, v47;
	[tilespmem:s29+$0x1600] =	vst v48  }
0x164: {  	v43 =	vmul.f32 v43, v33;
	v48 =	vld [tilespmem:s29+$0xCE60];
	v53 =	vmul.f32 v53, v31;
	v46 =	vadd.f32 v57, v46;
	[tilespmem:s29+$0x1270] =	vst v54  }
0x165: {  	v42 =	vmul.f32 v42, v33;
	v54 =	vld [tilespmem:s29+$0xCE50];
	v52 =	vmul.f32 v52, v31;
	v45 =	vadd.f32 v56, v45;
	[tilespmem:s29+$0x1260] =	vst v47  }
0x166: {  	v41 =	vmul.f32 v41, v33;
	v47 =	vld [tilespmem:s29+$0xCE40];
	v51 =	vmul.f32 v51, v31;
	v44 =	vadd.f32 v53, v44;
	[tilespmem:s29+$0x1250] =	vst v46  }
0x167: {  	v40 =	vmul.f32 v40, v33;
	v46 =	vld [tilespmem:s29+$0xCE30];
	v50 =	vmul.f32 v50, v31;
	v43 =	vadd.f32 v52, v43;
	[tilespmem:s29+$0x1240] =	vst v45  }
0x168: {  	v39 =	vmul.f32 v39, v33;
	v45 =	vld [tilespmem:s29+$0xCE20];
	v49 =	vmul.f32 v49, v31;
	v42 =	vadd.f32 v51, v42;
	[tilespmem:s29+$0x1230] =	vst v44  }
0x169: {  	v38 =	vmul.f32 v38, v33;
	v44 =	vld [tilespmem:s29+$0xCE10];
	v48 =	vmul.f32 v48, v31;
	v41 =	vadd.f32 v50, v41;
	[tilespmem:s29+$0x1220] =	vst v43  }
0x16a: {  	v37 =	vmul.f32 v37, v33;
	v43 =	vld [tilespmem:s29+$0xCE00];
	v50 =	vmul.f32 v54, v31;
	v40 =	vadd.f32 v49, v40;
	[tilespmem:s29+$0x1210] =	vst v42  }
0x16b: {  	v36 =	vmul.f32 v36, v33;
	v42 =	vld [tilespmem:s29+$0xCA70];
	v47 =	vmul.f32 v47, v31;
	v39 =	vadd.f32 v48, v39;
	[tilespmem:s29+$0x1200] =	vst v41  }
0x16c: {  	v35 =	vmul.f32 v35, v33;
	v41 =	vld [tilespmem:s29+$0xCA60];
	v46 =	vmul.f32 v46, v31;
	v38 =	vadd.f32 v50, v38;
	[tilespmem:s29+$0xE70] =	vst v40  }
0x16d: {  	v34 =	vmul.f32 v34, v33;
	v40 =	vld [tilespmem:s29+$0xCA50];
	v45 =	vmul.f32 v45, v31;
	v37 =	vadd.f32 v47, v37;
	[tilespmem:s29+$0xE60] =	vst v39  }
0x16e: {  	v32 =	vmul.f32 v32, v33;
	v39 =	vld [tilespmem:s29+$0xCA40];
	v44 =	vmul.f32 v44, v31;
	v36 =	vadd.f32 v46, v36;
	[tilespmem:s29+$0xE50] =	vst v38  }
0x16f: {  	v30 =	vmul.f32 v30, v33;
	v38 =	vld [tilespmem:s29+$0xCA30];
	v43 =	vmul.f32 v43, v31;
	v35 =	vadd.f32 v45, v35;
	[tilespmem:s29+$0xE40] =	vst v37  }
0x170: {  	v29 =	vmul.f32 v29, v33;
	v37 =	vld [tilespmem:s29+$0xCA20];
	v42 =	vmul.f32 v42, v31;
	v34 =	vadd.f32 v44, v34;
	[tilespmem:s29+$0xE30] =	vst v36  }
0x171: {  	v28 =	vmul.f32 v28, v33;
	v36 =	vld [tilespmem:s29+$0xCA10];
	v41 =	vmul.f32 v41, v31;
	v32 =	vadd.f32 v43, v32;
	[tilespmem:s29+$0xE20] =	vst v35  }
0x172: {  	v27 =	vmul.f32 v27, v33;
	v35 =	vld [tilespmem:s29+$0xCA00];
	v40 =	vmul.f32 v40, v31;
	v30 =	vadd.f32 v42, v30;
	[tilespmem:s29+$0xE10] =	vst v34  }
0x173: {  	v26 =	vmul.f32 v26, v33;
	v34 =	vld [tilespmem:s29+$0xC670];
	v39 =	vmul.f32 v39, v31;
	v29 =	vadd.f32 v41, v29;
	[tilespmem:s29+$0xE00] =	vst v32  }
0x174: {  	v25 =	vmul.f32 v25, v33;
	v32 =	vld [tilespmem:s29+$0xC660];
	v38 =	vmul.f32 v38, v31;
	v28 =	vadd.f32 v40, v28;
	[tilespmem:s29+$0xA70] =	vst v30  }
0x175: {  	v24 =	vmul.f32 v24, v33;
	v30 =	vld [tilespmem:s29+$0xC650];
	v37 =	vmul.f32 v37, v31;
	v27 =	vadd.f32 v39, v27;
	[tilespmem:s29+$0xA60] =	vst v29  }
0x176: {  	v23 =	vmul.f32 v23, v33;
	v29 =	vld [tilespmem:s29+$0xC640];
	v36 =	vmul.f32 v36, v31;
	v26 =	vadd.f32 v38, v26;
	[tilespmem:s29+$0xA50] =	vst v28  }
0x177: {  	v22 =	vmul.f32 v22, v33;
	v28 =	vld [tilespmem:s29+$0xC630];
	v35 =	vmul.f32 v35, v31;
	v25 =	vadd.f32 v37, v25;
	[tilespmem:s29+$0xA40] =	vst v27  }
0x178: {  	v21 =	vmul.f32 v21, v33;
	v27 =	vld [tilespmem:s29+$0xC620];
	v34 =	vmul.f32 v34, v31;
	v24 =	vadd.f32 v36, v24;
	[tilespmem:s29+$0xA30] =	vst v26  }
0x179: {  	v20 =	vmul.f32 v20, v33;
	v26 =	vld [tilespmem:s29+$0xC610];
	v32 =	vmul.f32 v32, v31;
	v23 =	vadd.f32 v35, v23;
	[tilespmem:s29+$0xA20] =	vst v25  }
0x17a: {  	v19 =	vmul.f32 v19, v33;
	v25 =	vld [tilespmem:s29+$0xC600];
	v30 =	vmul.f32 v30, v31;
	v22 =	vadd.f32 v34, v22;
	[tilespmem:s29+$0xA10] =	vst v24  }
0x17b: {  	v18 =	vmul.f32 v18, v33;
	v24 =	vld [tilespmem:s29+$0xC270];
	v29 =	vmul.f32 v29, v31;
	v21 =	vadd.f32 v32, v21;
	[tilespmem:s29+$0xA00] =	vst v23  }
0x17c: {  	v17 =	vmul.f32 v17, v33;
	v23 =	vld [tilespmem:s29+$0xC260];
	v28 =	vmul.f32 v28, v31;
	v20 =	vadd.f32 v30, v20;
	[tilespmem:s29+$0x670] =	vst v22  }
0x17d: {  	v16 =	vmul.f32 v16, v33;
	v22 =	vmul.f32 v27, v31;
	v19 =	vadd.f32 v29, v19;
	[tilespmem:s29+$0x660] =	vst v21;
	v21 =	vld [tilespmem:s29+$0xD640]  }
0x17e: {  	v15 =	vmul.f32 v15, v33;
	v26 =	vmul.f32 v26, v31;
	v18 =	vadd.f32 v28, v18;
	[tilespmem:s29+$0x650] =	vst v20;
	v20 =	vld [tilespmem:s29+$0xD650]  }
0x17f: {  	v14 =	vmul.f32 v14, v33;
	v25 =	vmul.f32 v25, v31;
	v17 =	vadd.f32 v22, v17;
	[tilespmem:s29+$0x640] =	vst v19;
	v19 =	vld [tilespmem:s29+$0xD660]  }
0x180: {  	v13 =	vmul.f32 v13, v33;
	v22 =	vmul.f32 v24, v31;
	v16 =	vadd.f32 v26, v16;
	[tilespmem:s29+$0x630] =	vst v18;
	v18 =	vld [tilespmem:s29+$0xD670]  }
0x181: {  	v12 =	vmul.f32 v12, v33;
	v23 =	vmul.f32 v23, v31;
	v15 =	vadd.f32 v25, v15;
	[tilespmem:s29+$0x620] =	vst v17;
	v17 =	vld [tilespmem:s29+$0x1640]  }
0x182: {  	v10 =	vmul.f32 v10, v33;
	v11 =	vmul.f32 v11, v31;
	v14 =	vadd.f32 v22, v14;
	[tilespmem:s29+$0x610] =	vst v16;
	v16 =	vld [tilespmem:s29+$0x1650]  }
0x183: {  	v8 =	vmul.f32 v8, v33;
	v9 =	vmul.f32 v9, v31;
	v13 =	vadd.f32 v23, v13;
	[tilespmem:s29+$0x600] =	vst v15;
	v15 =	vld [tilespmem:s29+$0x1660]  }
0x184: {  	v6 =	vmul.f32 v6, v33;
	v7 =	vmul.f32 v7, v31;
	v11 =	vadd.f32 v11, v12;
	[tilespmem:s29+$0x270] =	vst v14;
	v12 =	vld [tilespmem:s29+$0x1670]  }
0x185: {  	v3 =	vmul.f32 v3, v33;
	v5 =	vmul.f32 v5, v31;
	v9 =	vadd.f32 v9, v10;
	v14 =	vld [tilespmem:s29+$0x200];
	[tilespmem:s29+$0x260] =	vst v13  }
0x186: {  	v4 =	vmul.f32 v4, v31;
	v7 =	vadd.f32 v7, v8;
	v10 =	vld [tilespmem:s29+$0xC200];
	[tilespmem:s29+$0x250] =	vst v11;
	v8 =	vmul.f32 v17, v33  }
0x187: {  	s0 =	sshrl.u32 s31, $0x3;
	v5 =	vadd.f32 v5, v6;
	v6 =	vmul.f32 v21, v31;
	[tilespmem:s29+$0x240] =	vst v9;
	v9 =	vmul.f32 v16, v33  }
0x188: {  	s30 =	sadd.s32 $0x80, s30;
	s0 =	smul.u32 $0x1800, s0;
	v3 =	vadd.f32 v4, v3;
	v4 =	vmul.f32 v20, v31;
	[tilespmem:s29+$0x230] =	vst v7;
	v7 =	vmul.f32 v15, v33  }
0x189: {  	s1 =	sand.u32 $0x380, s30;
	[tilespmem:s29+$0x220] =	vst v5;
	v5 =	vadd.f32 v6, v8;
	v6 =	vmul.f32 v19, v31;
	v8 =	vmul.f32 v12, v33  }
0x18a: {  	s0 =	sor.u32 s1, s0;
	v9 =	vadd.f32 v4, v9;
	v12 =	vmul.f32 v18, v31;
	v11 =	vmul.f32 v14, v33;
	[tilespmem:s29+$0x210] =	vst v3  }
0x18b: {  	v3 =	vld [tilespmem:s0+$0x210];
	v10 =	vmul.f32 v10, v31;
	[tilespmem:s29+$0x1640] =	vst v5;
	v5 =	vadd.f32 v6, v7  }
0x18c: {  	v7 =	vadd.f32 v12, v8;
	v4 =	vld [tilespmem:s0+$0xC210];
	[tilespmem:s29+$0x1650] =	vst v9  }
0x18d: {  	v6 =	vld [tilespmem:s0+$0x220];
	v9 =	vadd.f32 v10, v11;
	[tilespmem:s29+$0x1660] =	vst v5  }
0x18e: {  	v5 =	vld [tilespmem:s0+$0xC220];
	[tilespmem:s29+$0x1670] =	vst v7  }
0x18f: {  	v8 =	vld [tilespmem:s0+$0x230];
	[tilespmem:s29+$0x200] =	vst v9;
	s29 =	smov.u32 s0  }
0x190: {  	v7 =	vld [tilespmem:s29+$0xC230]  }
0x191: {  	v10 =	vld [tilespmem:s29+$0x240]  }
0x192: {  	v9 =	vld [tilespmem:s29+$0xC240]  }
0x193: {  	v12 =	vld [tilespmem:s29+$0x250]  }
0x194: {  	v11 =	vld [tilespmem:s29+$0xC250]  }
0x195: {  	v13 =	vld [tilespmem:s29+$0x260]  }
0x196: {  	v14 =	vld [tilespmem:s29+$0x270]  }
0x197: {  	v15 =	vld [tilespmem:s29+$0x600]  }
0x198: {  	v16 =	vld [tilespmem:s29+$0x610]  }
0x199: {  	v17 =	vld [tilespmem:s29+$0x620]  }
0x19a: {  	v18 =	vld [tilespmem:s29+$0x630]  }
0x19b: {  	v19 =	vld [tilespmem:s29+$0x640]  }
0x19c: {  	v20 =	vld [tilespmem:s29+$0x650]  }
0x19d: {  	v21 =	vld [tilespmem:s29+$0x660]  }
0x19e: {  	v22 =	vld [tilespmem:s29+$0x670]  }
0x19f: {  	v23 =	vld [tilespmem:s29+$0xA00]  }
0x1a0: {  	v24 =	vld [tilespmem:s29+$0xA10]  }
0x1a1: {  	v25 =	vld [tilespmem:s29+$0xA20]  }
0x1a2: {  	v26 =	vld [tilespmem:s29+$0xA30]  }
0x1a3: {  	v27 =	vld [tilespmem:s29+$0xA40]  }
0x1a4: {  	v28 =	vld [tilespmem:s29+$0xA50]  }
0x1a5: {  	v29 =	vld [tilespmem:s29+$0xA60]  }
0x1a6: {  	v30 =	vld [tilespmem:s29+$0xA70]  }
0x1a7: {  	v32 =	vld [tilespmem:s29+$0xE00]  }
0x1a8: {  	v34 =	vld [tilespmem:s29+$0xE10]  }
0x1a9: {  	v35 =	vld [tilespmem:s29+$0xE20]  }
0x1aa: {  	v36 =	vld [tilespmem:s29+$0xE30]  }
0x1ab: {  	v37 =	vld [tilespmem:s29+$0xE40]  }
0x1ac: {  	v38 =	vld [tilespmem:s29+$0xE50]  }
0x1ad: {  	v39 =	vld [tilespmem:s29+$0xE60]  }
0x1ae: {  	v40 =	vld [tilespmem:s29+$0xE70]  }
0x1af: {  	v41 =	vld [tilespmem:s29+$0x1200]  }
0x1b0: {  	v42 =	vld [tilespmem:s29+$0x1210]  }
0x1b1: {  	v43 =	vld [tilespmem:s29+$0x1220]  }
0x1b2: {  	v44 =	vld [tilespmem:s29+$0x1230]  }
0x1b3: {  	v45 =	vld [tilespmem:s29+$0x1240]  }
0x1b4: {  	v46 =	vld [tilespmem:s29+$0x1250]  }
.Ltmp0:
0x1b5: {  	v47 =	vld [tilespmem:s29+$0x1260];
	(pc) =	sbr.rel @p0 .LBB2_2-.Ltmp0, $4  }
0x1b6: {  	v48 =	vld [tilespmem:s29+$0x1600]  }
0x1b7: {  	v50 =	vld [tilespmem:s29+$0x1610]  }
0x1b8: {  	v49 =	vld [tilespmem:s29+$0xD610]  }
0x1b9: {  	s31 =	sadd.s32 $0x1, s31;
	v51 =	vld [tilespmem:s29+$0xD630]  }
0x1ba: {  	v52 =	vld [tilespmem:s29+$0x1620]  }
0x1bb: {  	s0 =	sadd.s32 $0x1, s26;
	v53 =	vld [tilespmem:s29+$0x1630]  }
0x1bc: {  	s31 =	sadd.s32 $0x1, s28;
	v31 =	vld.msk [tilespmem:s0+$0x0 ss:$0x0], $0xffff  }
0x1bd: {  	v33 =	vld.msk [tilespmem:s31+$0x0 ss:$0x0], $0xffff  }
0x1be: {  	v54 =	vld [tilespmem:s29+$0xD620];
	_ =	sdelay $0x1  }
0x1bf: {  	v55 =	vld [tilespmem:s29+$0xD600]  }
0x1c0: {  	v56 =	vld [tilespmem:s29+$0x1270]  }
0x1c1: {  	v58 =	vld [tilespmem:s29+$0xD260];
	v53 =	vmul.f32 v53, v31;
	v51 =	vmul.f32 v51, v33  }
0x1c2: {  	v57 =	vld [tilespmem:s29+$0xD270];
	v52 =	vmul.f32 v52, v31;
	v54 =	vmul.f32 v54, v33  }
0x1c3: {  	v59 =	vld [tilespmem:s29+$0xD250];
	v50 =	vmul.f32 v50, v31;
	v49 =	vmul.f32 v49, v33  }
0x1c4: {  	v60 =	vld [tilespmem:s29+$0xD240];
	v48 =	vmul.f32 v48, v31;
	v62 =	vmul.f32 v55, v33;
	v51 =	vadd.f32 v51, v53  }
0x1c5: {  	v61 =	vld [tilespmem:s29+$0xD220];
	v63 =	vmul.f32 v56, v31;
	v47 =	vmul.f32 v47, v31;
	v52 =	vadd.f32 v54, v52  }
0x1c6: {  	v58 =	vmul.f32 v58, v33;
	v55 =	vld [tilespmem:s29+$0xC660];
	v12 =	vmul.f32 v12, v31;
	v49 =	vadd.f32 v49, v50;
	[tilespmem:s29+$0x1630] =	vst v51  }
0x1c7: {  	v56 =	vld [tilespmem:s29+$0xC650];
	v11 =	vmul.f32 v11, v33;
	v10 =	vmul.f32 v10, v31;
	v48 =	vadd.f32 v62, v48;
	[tilespmem:s29+$0x1620] =	vst v52  }
0x1c8: {  	v9 =	vmul.f32 v9, v33;
	v8 =	vmul.f32 v8, v31;
	v53 =	vld [tilespmem:s29+$0xD230];
	v47 =	vadd.f32 v58, v47;
	[tilespmem:s29+$0x1610] =	vst v49  }
0x1c9: {  	v7 =	vmul.f32 v7, v33;
	v6 =	vmul.f32 v6, v31;
	v50 =	vld [tilespmem:s29+$0xD200];
	v11 =	vadd.f32 v11, v12;
	[tilespmem:s29+$0x1600] =	vst v48  }
0x1ca: {  	v5 =	vmul.f32 v5, v33;
	v3 =	vmul.f32 v3, v31;
	v58 =	vld [tilespmem:s29+$0xCE20];
	v9 =	vadd.f32 v9, v10;
	[tilespmem:s29+$0x1260] =	vst v47  }
0x1cb: {  	v4 =	vmul.f32 v4, v33;
	v62 =	vmul.f32 v59, v33;
	v59 =	vld [tilespmem:s29+$0xCE10];
	v7 =	vadd.f32 v7, v8;
	[tilespmem:s29+$0x250] =	vst v11  }
0x1cc: {  	v57 =	vmul.f32 v57, v33;
	v54 =	vld [tilespmem:s29+$0xC670];
	v5 =	vadd.f32 v5, v6;
	[tilespmem:s29+$0x240] =	vst v9  }
0x1cd: {  	v46 =	vmul.f32 v46, v31;
	v3 =	vadd.f32 v4, v3;
	v51 =	vld [tilespmem:s29+$0xD210];
	[tilespmem:s29+$0x230] =	vst v7  }
0x1ce: {  	v45 =	vmul.f32 v45, v31;
	v49 =	vld [tilespmem:s29+$0xCE70];
	v52 =	vadd.f32 v57, v63;
	v63 =	vmul.f32 v60, v33;
	[tilespmem:s29+$0x220] =	vst v5  }
0x1cf: {  	v43 =	vmul.f32 v43, v31;
	v48 =	vld [tilespmem:s29+$0xCE60];
	v46 =	vadd.f32 v62, v46;
	v57 =	vmul.f32 v61, v33;
	[tilespmem:s29+$0x210] =	vst v3  }
0x1d0: {  	v44 =	vmul.f32 v44, v31;
	v47 =	vld [tilespmem:s29+$0xCE40];
	[tilespmem:s29+$0x1270] =	vst v52;
	v45 =	vadd.f32 v63, v45;
	v53 =	vmul.f32 v53, v33  }
0x1d1: {  	v41 =	vmul.f32 v41, v31;
	v60 =	vld [tilespmem:s29+$0xCE00];
	[tilespmem:s29+$0x1250] =	vst v46;
	v43 =	vadd.f32 v57, v43;
	v50 =	vmul.f32 v50, v33  }
0x1d2: {  	v35 =	vmul.f32 v35, v31;
	v61 =	vld [tilespmem:s29+$0xCA70];
	[tilespmem:s29+$0x1240] =	vst v45;
	v45 =	vmul.f32 v58, v33;
	v44 =	vadd.f32 v53, v44  }
0x1d3: {  	v42 =	vmul.f32 v42, v31;
	v52 =	vld [tilespmem:s29+$0xCE50];
	[tilespmem:s29+$0x1220] =	vst v43;
	v51 =	vmul.f32 v51, v33;
	v41 =	vadd.f32 v50, v41  }
0x1d4: {  	v40 =	vmul.f32 v40, v31;
	v46 =	vld [tilespmem:s29+$0xCE30];
	v49 =	vmul.f32 v49, v33;
	v35 =	vadd.f32 v45, v35;
	[tilespmem:s29+$0x1230] =	vst v44  }
0x1d5: {  	v39 =	vmul.f32 v39, v31;
	v62 =	vld [tilespmem:s29+$0xCA60];
	v48 =	vmul.f32 v48, v33;
	v42 =	vadd.f32 v51, v42;
	[tilespmem:s29+$0x1200] =	vst v41  }
0x1d6: {  	v37 =	vmul.f32 v37, v31;
	v57 =	vld [tilespmem:s29+$0xC640];
	v47 =	vmul.f32 v47, v33;
	v40 =	vadd.f32 v49, v40;
	[tilespmem:s29+$0xE20] =	vst v35  }
0x1d7: {  	v32 =	vmul.f32 v32, v31;
	v58 =	vld [tilespmem:s29+$0xC630];
	v43 =	vmul.f32 v60, v33;
	v39 =	vadd.f32 v48, v39;
	[tilespmem:s29+$0x1210] =	vst v42  }
0x1d8: {  	v38 =	vmul.f32 v38, v31;
	v50 =	vld [tilespmem:s29+$0xCA30];
	v63 =	vmul.f32 v52, v33;
	v37 =	vadd.f32 v47, v37;
	[tilespmem:s29+$0xE70] =	vst v40  }
0x1d9: {  	v36 =	vmul.f32 v36, v31;
	v53 =	vld [tilespmem:s29+$0xCA00];
	v46 =	vmul.f32 v46, v33;
	v32 =	vadd.f32 v43, v32;
	[tilespmem:s29+$0xE60] =	vst v39  }
0x1da: {  	v34 =	vmul.f32 v34, v31;
	v60 =	vld [tilespmem:s29+$0xC610];
	v44 =	vmul.f32 v59, v33;
	v38 =	vadd.f32 v63, v38;
	[tilespmem:s29+$0xE40] =	vst v37  }
0x1db: {  	v29 =	vmul.f32 v29, v31;
	v45 =	vld [tilespmem:s29+$0x1640];
	v41 =	vmul.f32 v62, v33;
	v36 =	vadd.f32 v46, v36;
	[tilespmem:s29+$0xE00] =	vst v32  }
0x1dc: {  	v21 =	vmul.f32 v21, v31;
	v48 =	vld [tilespmem:s29+$0xCA50];
	v62 =	vmul.f32 v55, v33;
	v34 =	vadd.f32 v44, v34;
	[tilespmem:s29+$0xE50] =	vst v38  }
0x1dd: {  	v30 =	vmul.f32 v30, v31;
	v49 =	vld [tilespmem:s29+$0xCA40];
	v42 =	vmul.f32 v61, v33;
	v29 =	vadd.f32 v41, v29;
	[tilespmem:s29+$0xE30] =	vst v36  }
0x1de: {  	v23 =	vmul.f32 v23, v31;
	v51 =	vld [tilespmem:s29+$0xCA20];
	v21 =	vadd.f32 v62, v21;
	v35 =	vmul.f32 v53, v33;
	[tilespmem:s29+$0xE10] =	vst v34  }
0x1df: {  	v16 =	vmul.f32 v16, v31;
	v52 =	vld [tilespmem:s29+$0xCA10];
	v41 =	vmul.f32 v60, v33;
	v30 =	vadd.f32 v42, v30;
	[tilespmem:s29+$0xA60] =	vst v29  }
0x1e0: {  	v26 =	vmul.f32 v26, v31;
	v59 =	vld [tilespmem:s29+$0xC620];
	v38 =	vmul.f32 v50, v33;
	[tilespmem:s29+$0x660] =	vst v21;
	v23 =	vadd.f32 v35, v23  }
0x1e1: {  	v22 =	vmul.f32 v22, v31;
	v43 =	vld [tilespmem:s29+$0xD670];
	v34 =	vmul.f32 v54, v33;
	v16 =	vadd.f32 v41, v16;
	[tilespmem:s29+$0xA70] =	vst v30  }
0x1e2: {  	v28 =	vmul.f32 v28, v31;
	v61 =	vld [tilespmem:s29+$0xC600];
	v40 =	vmul.f32 v48, v33;
	v26 =	vadd.f32 v38, v26;
	[tilespmem:s29+$0xA00] =	vst v23  }
0x1e3: {  	v27 =	vmul.f32 v27, v31;
	v63 =	vld [tilespmem:s29+$0xC270];
	v39 =	vmul.f32 v49, v33;
	v22 =	vadd.f32 v34, v22;
	[tilespmem:s29+$0x610] =	vst v16  }
0x1e4: {  	v25 =	vmul.f32 v25, v31;
	v46 =	vld [tilespmem:s29+$0x1650];
	v37 =	vmul.f32 v51, v33;
	v28 =	vadd.f32 v40, v28;
	[tilespmem:s29+$0xA30] =	vst v26  }
0x1e5: {  	v24 =	vmul.f32 v24, v31;
	v50 =	vld [tilespmem:s29+$0xC200];
	v36 =	vmul.f32 v52, v33;
	v27 =	vadd.f32 v39, v27;
	[tilespmem:s29+$0x670] =	vst v22  }
0x1e6: {  	v19 =	vmul.f32 v19, v31;
	v35 =	vmul.f32 v57, v33;
	v48 =	vld [tilespmem:s29+$0x1660];
	v25 =	vadd.f32 v37, v25;
	[tilespmem:s29+$0xA50] =	vst v28  }
0x1e7: {  	v20 =	vmul.f32 v20, v31;
	v51 =	vld [tilespmem:s29+$0x200];
	v30 =	vmul.f32 v56, v33;
	v24 =	vadd.f32 v36, v24;
	[tilespmem:s29+$0xA40] =	vst v27  }
0x1e8: {  	v18 =	vmul.f32 v18, v31;
	v34 =	vld [tilespmem:s29+$0xC260];
	v37 =	vmul.f32 v58, v33;
	v19 =	vadd.f32 v35, v19;
	[tilespmem:s29+$0xA20] =	vst v25  }
0x1e9: {  	v17 =	vmul.f32 v17, v31;
	v38 =	vld [tilespmem:s29+$0xD650];
	v39 =	vmul.f32 v59, v33;
	v20 =	vadd.f32 v30, v20;
	[tilespmem:s29+$0xA10] =	vst v24  }
0x1ea: {  	v15 =	vmul.f32 v15, v31;
	v36 =	vld [tilespmem:s29+$0xD640];
	v42 =	vmul.f32 v61, v33;
	v18 =	vadd.f32 v37, v18;
	[tilespmem:s29+$0x640] =	vst v19  }
0x1eb: {  	v14 =	vmul.f32 v14, v31;
	v40 =	vld [tilespmem:s29+$0xD660];
	v44 =	vmul.f32 v63, v33;
	v17 =	vadd.f32 v39, v17;
	[tilespmem:s29+$0x650] =	vst v20  }
0x1ec: {  	v49 =	vld [tilespmem:s29+$0x1670];
	v15 =	vadd.f32 v42, v15;
	v10 =	vmul.f32 v50, v33;
	v61 =	vmul.f32 v51, v31;
	[tilespmem:s29+$0x630] =	vst v18  }
0x1ed: {  	v13 =	vmul.f32 v13, v31;
	v14 =	vadd.f32 v44, v14;
	[tilespmem:s29+$0x620] =	vst v17;
	v47 =	vmul.f32 v34, v33  }
0x1ee: {  	v54 =	vmul.f32 v46, v31;
	[tilespmem:s29+$0x600] =	vst v15;
	v55 =	vmul.f32 v38, v33;
	v63 =	vadd.f32 v10, v61  }
0x1ef: {  	v52 =	vmul.f32 v45, v31;
	[tilespmem:s29+$0x270] =	vst v14;
	v53 =	vmul.f32 v36, v33;
	v13 =	vadd.f32 v47, v13  }
0x1f0: {  	v56 =	vmul.f32 v48, v31;
	v58 =	vmul.f32 v40, v33;
	v3 =	vadd.f32 v55, v54;
	[tilespmem:s29+$0x200] =	vst v63  }
0x1f1: {  	v60 =	vmul.f32 v43, v33;
	v59 =	vmul.f32 v49, v31;
	v57 =	vadd.f32 v53, v52;
	[tilespmem:s29+$0x260] =	vst v13  }
0x1f2: {  	v62 =	vadd.f32 v58, v56;
	[tilespmem:s29+$0x1650] =	vst v3  }
0x1f3: {  	s25 =	sadd.s32 $0x1, s25;
	v3 =	vadd.f32 v60, v59;
	[tilespmem:s29+$0x1640] =	vst v57  }
0x1f4: {  	p0 =	sne.s32 s25, s11;
	[tilespmem:s29+$0x1660] =	vst v62  }
.Ltmp1:
0x1f5: {  	[tilespmem:s29+$0x1670] =	vst v3;
	(pc) =	sbr.rel @p0 .LBB2_1-.Ltmp1, $4  }
0x1f6: {  	[hbm4b:s10+s2] =	stream.linear.scatter [tilespmem:s14], [sflag:$0x2], $0xC000, $0x38;
	[tilespmem:$0x18200] =	vst v63  }
0x1f7: {  	_ =	swait.ge [sflag:s12], $0xC000  }
0x1f8: {  	[sflag:s12] =	ssyncset.done $0x0  }
0x1f9: {  	[sflag:s12] =	ssyncadd.s32 $0xFFFF4000  }
0x1fa: {  	_ =	sfence.sel $0x180000  }
0x1fb: {  	[bflag:$0x0] =	sbarrier.arrive $0xFFFF  }
0x1fc: {  	_ =	strace $0x9000004A  }
0x1fd: {  	s0 =	stileid.u32;
	[bflag:$0x2] =	sbarrier.arrive $0xFFFF  }
0x1fe: {  	p0 =	sne.s32 s0, $0x0;
	s0 =	rddreg [dreg:$0x2]  }
0x1ff: {  	s0 =	sadd.s32 @!p0 $0x100000, s0  }
0x200: {  	[sflag:s0] =	ssyncadd.tile.s32 @!p0 $0x1;
	_ =	shalt  }
.Lfunc_end2:
_tile_overlayer_lowered:
.L_overlay_start_2:
0x201: {  	(tag) =	ssettag $0x2  }
0x202: {  	s0 =	rddreg [dreg:$0x0];
	s2 =	stileid.u32  }
0x203: {  	s1 =	rddreg [dreg:$0x1];
	p0 =	sne.s32 s2, $0x0  }
0x204: {  	s3 =	rddreg [dreg:$0x2];
	[bflag:$0x3] =	sbarrier.arrive $0xFFFF;
	s2 =	simm.s32 @!p0 $0x1C02  }
0x205: {  	[timem:s3], [sflag:s2] =	dma.local @!p0 [hbm:s0], s1  }
0x206: {  	s0 =	simm.s32 @!p0 $0x2  }
0x207: {  	_ =	swait.ge @!p0 [sflag:s0], s1  }
0x208: {  	s1 =	ssub.s32 @!p0 $0x0, s1;
	[sflag:s0] =	ssyncset.done @!p0 $0x0  }
0x209: {  	[sflag:s0] =	ssyncadd.s32 @!p0 s1  }
0x20a: {  	[bflag:$0x3] =	sbarrier.arrive $0xFFFF  }
0x20b: {  	_ =	shalt  }

</sc_bundles>
